<compile_context>
chip_gen: v7x
topology: tpu7x:2x2x1
jax: 0.10.2.dev20260603
libtpu: 0.0.44.dev20260713+nightly
codegen_flags: <defaults>
</compile_context>

<pallas_src>
import jax
import jax.numpy as jnp
from jax import lax
from jax.experimental import pallas as pl
from jax.experimental.pallas import tpu as pltpu
from jax.experimental.pallas import tpu_sc as plsc

N = 10000
E = 320000
G = 64
DIM = 256
HDIM = 128
BLK = 200
NB = N // BLK

_mesh_cache = {}


def _mesh():
    if "m" not in _mesh_cache:
        _mesh_cache["m"] = plsc.VectorSubcoreMesh(
            core_axis_name="c", subcore_axis_name="s",
            num_cores=2, num_subcores=16)
    return _mesh_cache["m"]


def _deg_body(ones_hbm, edge_hbm, out_hbm, idx_d, idx_d2, rows, hist,
              dsa, dsb):
    c = lax.axis_index("c")
    s = lax.axis_index("s")

    def zero_rows(i, _):
        rows[i // 8, pl.ds((i % 8) * 16, 16)] = jnp.zeros((16,), jnp.float32)
        return 0
    lax.fori_loop(0, 1024, zero_rows, 0)

    def zero_acc(j, _):
        pltpu.sync_copy(rows.at[pl.ds(0, 104)],
                        hist.at[pl.ds(s * 624 + j * 104, 104)])
        return 0
    lax.fori_loop(0, 6, zero_acc, 0)

    @pl.when(s == 0)
    def _():
        pltpu.sync_copy(rows.at[pl.ds(0, 16)], hist.at[pl.ds(9984, 16)])

    plsc.subcore_barrier()

    pltpu.sync_copy(ones_hbm.at[pl.ds(0, 128)], rows)

    k = c * 16 + s

    def pair(j, _):
        offa = ((2 * j) * 32 + k) * 128
        offb = ((2 * j + 1) * 32 + k) * 128
        pltpu.sync_copy(edge_hbm.at[pl.ds(E + offa, 128)], idx_d)
        fa = pltpu.async_copy(rows, hist.at[idx_d], dsa, add=True)
        pltpu.sync_copy(edge_hbm.at[pl.ds(E + offb, 128)], idx_d2)
        fb = pltpu.async_copy(rows, hist.at[idx_d2], dsb, add=True)
        fa.wait()
        fb.wait()
        return 0
    lax.fori_loop(0, 39, pair, 0)

    @pl.when(k < 4)
    def _():
        off = (2496 + k) * 128
        pltpu.sync_copy(edge_hbm.at[pl.ds(E + off, 128)], idx_d)
        pltpu.sync_copy(rows, hist.at[idx_d], add=True)

    plsc.subcore_barrier()

    def copy_out(j, _):
        pltpu.sync_copy(hist.at[pl.ds(s * 624 + j * 104, 104)],
                        rows.at[pl.ds(0, 104)])
        pltpu.sync_copy(rows.at[pl.ds(0, 104)],
                        out_hbm.at[pl.ds(c * N + s * 624 + j * 104, 104)])
        return 0
    lax.fori_loop(0, 6, copy_out, 0)

    @pl.when(s == 0)
    def _():
        pltpu.sync_copy(hist.at[pl.ds(9984, 16)], rows.at[pl.ds(0, 16)])
        pltpu.sync_copy(rows.at[pl.ds(0, 16)],
                        out_hbm.at[pl.ds(c * N + 9984, 16)])


def _deg(ones, edges):
    return pl.kernel(
        _deg_body,
        out_type=jax.ShapeDtypeStruct((2 * N, HDIM), jnp.float32),
        mesh=_mesh(),
        scratch_types=[
            pltpu.VMEM((128,), jnp.int32),
            pltpu.VMEM((128,), jnp.int32),
            pltpu.VMEM((128, HDIM), jnp.float32),
            pltpu.VMEM_SHARED((N, HDIM), jnp.float32),
            pltpu.SemaphoreType.DMA,
            pltpu.SemaphoreType.DMA,
        ],
    )(ones, edges)


def _spmm_body(tbl_hbm, edge_hbm, out_hbm,
               idx_sa, idx_da, idx_sb, idx_db, rows_a, rows_b,
               idx_src_t, idx_dst_t, rows_t, acc, gsa, gsb, ssa, ssb):
    c = lax.axis_index("c")
    s = lax.axis_index("s")

    def zero_rows(i, _):
        rows_a[i // 8, pl.ds((i % 8) * 16, 16)] = jnp.zeros((16,), jnp.float32)
        return 0
    lax.fori_loop(0, 1024, zero_rows, 0)

    def zero_acc(j, _):
        pltpu.sync_copy(rows_a.at[pl.ds(0, 104)],
                        acc.at[pl.ds(s * 624 + j * 104, 104)])
        return 0
    lax.fori_loop(0, 6, zero_acc, 0)

    @pl.when(s == 0)
    def _():
        pltpu.sync_copy(rows_a.at[pl.ds(0, 16)], acc.at[pl.ds(9984, 16)])

    plsc.subcore_barrier()

    base = s * 20000
    cn = c * N

    def bias(idx_ref):
        def one(k, _):
            idx_ref[pl.ds(k * 16, 16)] = idx_ref[pl.ds(k * 16, 16)] + cn
            return 0
        lax.fori_loop(0, 8, one, 0)

    def pair(j, _):
        offa = base + (2 * j) * 128
        offb = offa + 128
        pltpu.sync_copy(edge_hbm.at[pl.ds(offa, 128)], idx_sa)
        pltpu.sync_copy(edge_hbm.at[pl.ds(E + offa, 128)], idx_da)
        bias(idx_sa)
        fa = pltpu.async_copy(tbl_hbm.at[idx_sa], rows_a, gsa)
        pltpu.sync_copy(edge_hbm.at[pl.ds(offb, 128)], idx_sb)
        pltpu.sync_copy(edge_hbm.at[pl.ds(E + offb, 128)], idx_db)
        bias(idx_sb)
        fb = pltpu.async_copy(tbl_hbm.at[idx_sb], rows_b, gsb)
        fa.wait()
        sa = pltpu.async_copy(rows_a, acc.at[idx_da], ssa, add=True)
        fb.wait()
        sb = pltpu.async_copy(rows_b, acc.at[idx_db], ssb, add=True)
        sa.wait()
        sb.wait()
        return 0
    lax.fori_loop(0, 78, pair, 0)

    off = base + 19968
    pltpu.sync_copy(edge_hbm.at[pl.ds(off, 32)], idx_src_t)
    pltpu.sync_copy(edge_hbm.at[pl.ds(E + off, 32)], idx_dst_t)

    def bias_t(k, _):
        idx_src_t[pl.ds(k * 16, 16)] = idx_src_t[pl.ds(k * 16, 16)] + cn
        return 0
    lax.fori_loop(0, 2, bias_t, 0)
    pltpu.sync_copy(tbl_hbm.at[idx_src_t], rows_t)
    pltpu.sync_copy(rows_t, acc.at[idx_dst_t], add=True)
    plsc.subcore_barrier()

    def copy_out(j, _):
        pltpu.sync_copy(acc.at[pl.ds(s * 624 + j * 104, 104)],
                        rows_a.at[pl.ds(0, 104)])
        pltpu.sync_copy(rows_a.at[pl.ds(0, 104)],
                        out_hbm.at[pl.ds(c * N + s * 624 + j * 104, 104)])
        return 0
    lax.fori_loop(0, 6, copy_out, 0)

    @pl.when(s == 0)
    def _():
        pltpu.sync_copy(acc.at[pl.ds(9984, 16)], rows_t.at[pl.ds(0, 16)])
        pltpu.sync_copy(rows_t.at[pl.ds(0, 16)],
                        out_hbm.at[pl.ds(c * N + 9984, 16)])


def _spmm(tbl, edges):
    return pl.kernel(
        _spmm_body,
        out_type=jax.ShapeDtypeStruct((2 * N, HDIM), jnp.float32),
        mesh=_mesh(),
        scratch_types=[
            pltpu.VMEM((128,), jnp.int32),
            pltpu.VMEM((128,), jnp.int32),
            pltpu.VMEM((128,), jnp.int32),
            pltpu.VMEM((128,), jnp.int32),
            pltpu.VMEM((128, HDIM), jnp.float32),
            pltpu.VMEM((128, HDIM), jnp.float32),
            pltpu.VMEM((32,), jnp.int32),
            pltpu.VMEM((32,), jnp.int32),
            pltpu.VMEM((32, HDIM), jnp.float32),
            pltpu.VMEM_SHARED((N, HDIM), jnp.float32),
            pltpu.SemaphoreType.DMA,
            pltpu.SemaphoreType.DMA,
            pltpu.SemaphoreType.DMA,
            pltpu.SemaphoreType.DMA,
        ],
    )(tbl, edges)


def _ka_body(x_ref, d0_ref, d1_ref, emb_ref, w1a_ref, w1b_ref,
             lo_ref, hi_ref, dis_ref):
    nt = x_ref[:, 0:1].astype(jnp.int32)
    feats = x_ref[:, 1:]
    oh = (nt == lax.broadcasted_iota(jnp.int32, (BLK, 400), 1)
          ).astype(jnp.float32)
    embp = jnp.dot(oh, emb_ref[...], preferred_element_type=jnp.float32)
    hw = (jnp.dot(feats, w1a_ref[...], preferred_element_type=jnp.float32)
          + jnp.dot(embp, w1b_ref[...], preferred_element_type=jnp.float32))
    deg = 1.0 + d0_ref[:, 0:1] + d1_ref[:, 0:1]
    dis = 1.0 / jnp.sqrt(deg)
    hwp = dis * hw
    lo_ref[...] = hwp[:, :HDIM]
    hi_ref[...] = hwp[:, HDIM:]
    dis_ref[...] = dis


def _ka(x, degp, emb, w1a, w1b):
    return pl.pallas_call(
        _ka_body,
        grid=(NB,),
        in_specs=[
            pl.BlockSpec((BLK, 113), lambda b: (b, 0)),
            pl.BlockSpec((BLK, HDIM), lambda b: (b, 0)),
            pl.BlockSpec((BLK, HDIM), lambda b: (b + NB, 0)),
            pl.BlockSpec((400, 16), lambda b: (0, 0)),
            pl.BlockSpec((112, DIM), lambda b: (0, 0)),
            pl.BlockSpec((16, DIM), lambda b: (0, 0)),
        ],
        out_specs=[
            pl.BlockSpec((BLK, HDIM), lambda b: (b, 0)),
            pl.BlockSpec((BLK, HDIM), lambda b: (b, 0)),
            pl.BlockSpec((BLK, 1), lambda b: (b, 0)),
        ],
        out_shape=[
            jax.ShapeDtypeStruct((N, HDIM), jnp.float32),
            jax.ShapeDtypeStruct((N, HDIM), jnp.float32),
            jax.ShapeDtypeStruct((N, 1), jnp.float32),
        ],
    )(x, degp, degp, emb, w1a, w1b)


def _kb_body(alo_ref, ahi_ref, plo_ref, phi_ref, dis_ref, b1_ref, g_ref,
             be_ref, w2_ref, lo_ref, hi_ref):
    dis = dis_ref[...]
    acc = jnp.concatenate([alo_ref[...], ahi_ref[...]], axis=1)
    hwp = jnp.concatenate([plo_ref[...], phi_ref[...]], axis=1)
    t = dis * (acc + hwp) + b1_ref[...]
    mu = jnp.mean(t, axis=1, keepdims=True)
    var = jnp.mean((t - mu) ** 2, axis=1, keepdims=True)
    y = (t - mu) / jnp.sqrt(var + 1e-5) * g_ref[...] + be_ref[...]
    h = jnp.maximum(y, 0.0)
    hwp2 = dis * jnp.dot(h, w2_ref[...], preferred_element_type=jnp.float32)
    lo_ref[...] = hwp2[:, :HDIM]
    hi_ref[...] = hwp2[:, HDIM:]


def _kb(accp, plo, phi, dis, b1r, g1r, be1r, W2):
    return pl.pallas_call(
        _kb_body,
        grid=(NB,),
        in_specs=[
            pl.BlockSpec((BLK, HDIM), lambda b: (b, 0)),
            pl.BlockSpec((BLK, HDIM), lambda b: (b + NB, 0)),
            pl.BlockSpec((BLK, HDIM), lambda b: (b, 0)),
            pl.BlockSpec((BLK, HDIM), lambda b: (b, 0)),
            pl.BlockSpec((BLK, 1), lambda b: (b, 0)),
            pl.BlockSpec((1, DIM), lambda b: (0, 0)),
            pl.BlockSpec((1, DIM), lambda b: (0, 0)),
            pl.BlockSpec((1, DIM), lambda b: (0, 0)),
            pl.BlockSpec((DIM, DIM), lambda b: (0, 0)),
        ],
        out_specs=[
            pl.BlockSpec((BLK, HDIM), lambda b: (b, 0)),
            pl.BlockSpec((BLK, HDIM), lambda b: (b, 0)),
        ],
        out_shape=[
            jax.ShapeDtypeStruct((N, HDIM), jnp.float32),
            jax.ShapeDtypeStruct((N, HDIM), jnp.float32),
        ],
    )(accp, accp, plo, phi, dis, b1r, g1r, be1r, W2)


def _kc_body(alo_ref, ahi_ref, plo_ref, phi_ref, dis_ref, batch_ref, b2_ref,
             g_ref, be_ref, wg1_ref, bg1_ref, wg2_ref, bg2_ref,
             h2_ref, gate_ref, m_ref):
    b = pl.program_id(0)
    dis = dis_ref[...]
    acc = jnp.concatenate([alo_ref[...], ahi_ref[...]], axis=1)
    hwp = jnp.concatenate([plo_ref[...], phi_ref[...]], axis=1)
    t = dis * (acc + hwp) + b2_ref[...]
    mu = jnp.mean(t, axis=1, keepdims=True)
    var = jnp.mean((t - mu) ** 2, axis=1, keepdims=True)
    y = (t - mu) / jnp.sqrt(var + 1e-5) * g_ref[...] + be_ref[...]
    h2 = jnp.maximum(y, 0.0)
    h2_ref[...] = h2
    g1 = jnp.maximum(
        jnp.dot(h2, wg1_ref[...], preferred_element_type=jnp.float32)
        + bg1_ref[...], 0.0)
    gate = (jnp.dot(g1, wg2_ref[...], preferred_element_type=jnp.float32)
            + bg2_ref[...])
    gate_ref[...] = gate
    oh = batch_ref[...] == lax.broadcasted_iota(jnp.int32, (BLK, G), 1)
    masked = jnp.where(oh, gate, -jnp.inf)
    bm = jnp.max(masked, axis=0, keepdims=True)

    @pl.when(b == 0)
    def _():
        m_ref[...] = jnp.full((1, G), -jnp.inf, jnp.float32)

    m_ref[...] = jnp.maximum(m_ref[...], bm)


def _kc(accp, plo, phi, dis, batch2, b2r, g2r, be2r, Wg1, bg1r, Wg2, bg2r):
    return pl.pallas_call(
        _kc_body,
        grid=(NB,),
        in_specs=[
            pl.BlockSpec((BLK, HDIM), lambda b: (b, 0)),
            pl.BlockSpec((BLK, HDIM), lambda b: (b + NB, 0)),
            pl.BlockSpec((BLK, HDIM), lambda b: (b, 0)),
            pl.BlockSpec((BLK, HDIM), lambda b: (b, 0)),
            pl.BlockSpec((BLK, 1), lambda b: (b, 0)),
            pl.BlockSpec((BLK, 1), lambda b: (b, 0)),
            pl.BlockSpec((1, DIM), lambda b: (0, 0)),
            pl.BlockSpec((1, DIM), lambda b: (0, 0)),
            pl.BlockSpec((1, DIM), lambda b: (0, 0)),
            pl.BlockSpec((DIM, 128), lambda b: (0, 0)),
            pl.BlockSpec((1, 128), lambda b: (0, 0)),
            pl.BlockSpec((128, 1), lambda b: (0, 0)),
            pl.BlockSpec((1, 1), lambda b: (0, 0)),
        ],
        out_specs=[
            pl.BlockSpec((BLK, DIM), lambda b: (b, 0)),
            pl.BlockSpec((BLK, 1), lambda b: (b, 0)),
            pl.BlockSpec((1, G), lambda b: (0, 0)),
        ],
        out_shape=[
            jax.ShapeDtypeStruct((N, DIM), jnp.float32),
            jax.ShapeDtypeStruct((N, 1), jnp.float32),
            jax.ShapeDtypeStruct((1, G), jnp.float32),
        ],
    )(accp, accp, plo, phi, dis, batch2, b2r, g2r, be2r,
      Wg1, bg1r, Wg2, bg2r)


def _kd_body(h2_ref, gate_ref, batch_ref, m_ref, wc1_ref, bc1_ref,
             wc2_ref, bc2_ref, out_ref, s_s, p_s):
    b = pl.program_id(0)

    @pl.when(b == 0)
    def _():
        s_s[...] = jnp.zeros((1, G), jnp.float32)
        p_s[...] = jnp.zeros((G, DIM), jnp.float32)

    oh = batch_ref[...] == lax.broadcasted_iota(jnp.int32, (BLK, G), 1)
    e = jnp.where(oh, jnp.exp(gate_ref[...] - m_ref[...]), 0.0)
    s_s[...] += jnp.sum(e, axis=0, keepdims=True)
    p_s[...] += lax.dot_general(e, h2_ref[...], (((0,), (0,)), ((), ())),
                                preferred_element_type=jnp.float32)

    @pl.when(b == NB - 1)
    def _():
        sv = s_s[...]
        rs = 1.0 / jnp.where(sv > 0, sv, 1.0)
        ii = lax.broadcasted_iota(jnp.int32, (G, G), 0)
        jj = lax.broadcasted_iota(jnp.int32, (G, G), 1)
        dm = jnp.where(ii == jj, rs, 0.0)
        pooled = jnp.dot(dm, p_s[...], preferred_element_type=jnp.float32)
        q = jnp.maximum(
            jnp.dot(pooled, wc1_ref[...], preferred_element_type=jnp.float32)
            + bc1_ref[...], 0.0)
        out_ref[...] = (jnp.dot(q, wc2_ref[...],
                                preferred_element_type=jnp.float32)
                        + bc2_ref[...])


def _kd(h2, gate, batch2, m, Wc1, bc1r, Wc2, bc2r):
    return pl.pallas_call(
        _kd_body,
        grid=(NB,),
        in_specs=[
            pl.BlockSpec((BLK, DIM), lambda b: (b, 0)),
            pl.BlockSpec((BLK, 1), lambda b: (b, 0)),
            pl.BlockSpec((BLK, 1), lambda b: (b, 0)),
            pl.BlockSpec((1, G), lambda b: (0, 0)),
            pl.BlockSpec((DIM, 128), lambda b: (0, 0)),
            pl.BlockSpec((1, 128), lambda b: (0, 0)),
            pl.BlockSpec((128, 2), lambda b: (0, 0)),
            pl.BlockSpec((1, 2), lambda b: (0, 0)),
        ],
        out_specs=pl.BlockSpec((G, 2), lambda b: (0, 0)),
        out_shape=jax.ShapeDtypeStruct((G, 2), jnp.float32),
        scratch_shapes=[
            pltpu.VMEM((1, G), jnp.float32),
            pltpu.VMEM((G, DIM), jnp.float32),
        ],
    )(h2, gate, batch2, m, Wc1, bc1r, Wc2, bc2r)


def kernel(x, edge_index, batch, emb, W1, b1, ln1_g, ln1_b, W2, b2,
           ln2_g, ln2_b, Wg1, bg1, Wg2, bg2, Wc1, bc1, Wc2, bc2):
    edges = edge_index.reshape(2 * E)
    batch2 = batch.astype(jnp.int32).reshape(N, 1)
    w1a = W1[:112]
    w1b = W1[112:]
    b1r = b1.reshape(1, DIM)
    g1r = ln1_g.reshape(1, DIM)
    be1r = ln1_b.reshape(1, DIM)
    b2r = b2.reshape(1, DIM)
    g2r = ln2_g.reshape(1, DIM)
    be2r = ln2_b.reshape(1, DIM)
    bg1r = bg1.reshape(1, 128)
    bg2r = bg2.reshape(1, 1)
    bc1r = bc1.reshape(1, 128)
    bc2r = bc2.reshape(1, 2)

    degp = _deg(jnp.ones((128, HDIM), jnp.float32), edges)
    plo1, phi1, dis = _ka(x, degp, emb, w1a, w1b)
    accp1 = _spmm(jnp.concatenate([plo1, phi1], axis=0), edges)
    plo2, phi2 = _kb(accp1, plo1, phi1, dis, b1r, g1r, be1r, W2)
    accp2 = _spmm(jnp.concatenate([plo2, phi2], axis=0), edges)
    h2, gate, m = _kc(accp2, plo2, phi2, dis, batch2, b2r, g2r, be2r,
                      Wg1, bg1r, Wg2, bg2r)
    return _kd(h2, gate, batch2, m, Wc1, bc1r, Wc2, bc2r)

# --- scband reference (transcript-rebuilt; emitter-appended) ---
"""Pipeline reference for scband-dynamic-gnn-embedding-26869315404007 (READ-ONLY COPY).

The authoritative reference and input builder live on the scoring server;
editing this copy changes nothing except your own understanding.
"""

import jax, jax.numpy as jnp
import numpy as np

N = 10000
E = 320000
NUM_GRAPHS = 64


def setup_inputs(seed: int = 0):
    key = jax.random.key(seed)
    ks = jax.random.split(key, 20)
    node_types = jax.random.randint(ks[0], (N,), 0, 400)
    feats = jax.random.normal(ks[1], (N, 112), dtype=jnp.float32)
    x = jnp.concatenate([node_types.astype(jnp.float32)[:, None], feats], axis=1)
    edge_index = jax.random.randint(ks[2], (2, E), 0, N)
    batch = jnp.sort(jax.random.randint(ks[3], (N,), 0, NUM_GRAPHS))

    def lin(k, fan_in, shape):
        return jax.random.uniform(k, shape, jnp.float32, -1.0, 1.0) / np.sqrt(fan_in)

    emb = jax.random.normal(ks[4], (400, 16), dtype=jnp.float32)
    W1 = lin(ks[5], 128, (128, 256)); b1 = lin(ks[6], 128, (256,))
    ln1_g = jnp.ones((256,), jnp.float32); ln1_b = jnp.zeros((256,), jnp.float32)
    W2 = lin(ks[7], 256, (256, 256)); b2 = lin(ks[8], 256, (256,))
    ln2_g = jnp.ones((256,), jnp.float32); ln2_b = jnp.zeros((256,), jnp.float32)
    Wg1 = lin(ks[9], 256, (256, 128)); bg1 = lin(ks[10], 256, (128,))
    Wg2 = lin(ks[11], 128, (128, 1)); bg2 = lin(ks[12], 128, (1,))
    Wc1 = lin(ks[13], 256, (256, 128)); bc1 = lin(ks[14], 256, (128,))
    Wc2 = lin(ks[15], 128, (128, 2)); bc2 = lin(ks[16], 128, (2,))
    return {"x": x, "edge_index": edge_index, "batch": batch, "emb": emb,
            "W1": W1, "b1": b1, "ln1_g": ln1_g, "ln1_b": ln1_b,
            "W2": W2, "b2": b2, "ln2_g": ln2_g, "ln2_b": ln2_b,
            "Wg1": Wg1, "bg1": bg1, "Wg2": Wg2, "bg2": bg2,
            "Wc1": Wc1, "bc1": bc1, "Wc2": Wc2, "bc2": bc2}


def gcn_conv(h, src, dst, W, b):
    n = h.shape[0]
    loop = jnp.arange(n)
    s = jnp.concatenate([src, loop])
    d = jnp.concatenate([dst, loop])
    deg = jax.ops.segment_sum(jnp.ones_like(s, dtype=h.dtype), d, num_segments=n)
    dis = jnp.where(deg > 0, 1.0 / jnp.sqrt(jnp.where(deg > 0, deg, 1.0)), 0.0)
    norm = dis[s] * dis[d]
    hw = h @ W
    out = jax.ops.segment_sum(hw[s] * norm[:, None], d, num_segments=n)
    return out + b


def layer_norm(h, g, b):
    mu = jnp.mean(h, axis=-1, keepdims=True)
    var = jnp.mean((h - mu) ** 2, axis=-1, keepdims=True)
    return (h - mu) / jnp.sqrt(var + 1e-5) * g + b


def attn_pool(h, batch, Wg1, bg1, Wg2, bg2):
    gate = (jnp.maximum(h @ Wg1 + bg1, 0.0) @ Wg2 + bg2)[:, 0]
    m = jax.ops.segment_max(gate, batch, num_segments=NUM_GRAPHS)
    m = jnp.where(jnp.isfinite(m), m, 0.0)
    e = jnp.exp(gate - m[batch])
    s = jax.ops.segment_sum(e, batch, num_segments=NUM_GRAPHS)
    alpha = e / jnp.where(s > 0, s, 1.0)[batch]
    return jax.ops.segment_sum(h * alpha[:, None], batch, num_segments=NUM_GRAPHS)


def reference(x, edge_index, batch, emb, W1, b1, ln1_g, ln1_b, W2, b2, ln2_g, ln2_b,
              Wg1, bg1, Wg2, bg2, Wc1, bc1, Wc2, bc2):
    node_types = jax.lax.stop_gradient(x[:, 0]).astype(jnp.int32)
    h = jnp.concatenate([x[:, 1:], jnp.take(emb, node_types, axis=0)], axis=1)
    src, dst = edge_index[0], edge_index[1]
    h = gcn_conv(h, src, dst, W1, b1)
    h = layer_norm(h, ln1_g, ln1_b)
    h = jax.nn.relu(h)
    h = gcn_conv(h, src, dst, W2, b2)
    h = layer_norm(h, ln2_g, ln2_b)
    h = jax.nn.relu(h)
    p = attn_pool(h, batch, Wg1, bg1, Wg2, bg2)
    out = jnp.maximum(p @ Wc1 + bc1, 0.0) @ Wc2 + bc2
    return out

if __name__ == "__main__":
    import jax
    _d = setup_inputs()
    print(jax.jit(kernel)(*tuple(_d.values())))

</pallas_src>

<mosaic_0001>
#map = affine_map<(d0, d1) -> (0, 0)>
#map1 = affine_map<(d0, d1) -> (0)>
module attributes {stable_mosaic.version = 14 : i64} {
  func.func @_spmm_body(%arg0: i32, %arg1: i32, %arg2: memref<20000x128xf32, #tpu.memory_space<hbm>>, %arg3: memref<640000xi32, #tpu.memory_space<hbm>>, %arg4: memref<20000x128xf32, #tpu.memory_space<hbm>>, %arg5: memref<128xi32, #tpu.memory_space<vmem>>, %arg6: memref<128xi32, #tpu.memory_space<vmem>>, %arg7: memref<128xi32, #tpu.memory_space<vmem>>, %arg8: memref<128xi32, #tpu.memory_space<vmem>>, %arg9: memref<128x128xf32, #tpu.memory_space<vmem>>, %arg10: memref<128x128xf32, #tpu.memory_space<vmem>>, %arg11: memref<32xi32, #tpu.memory_space<vmem>>, %arg12: memref<32xi32, #tpu.memory_space<vmem>>, %arg13: memref<32x128xf32, #tpu.memory_space<vmem>>, %arg14: memref<10000x128xf32, #tpu.memory_space<vmem_shared>>, %arg15: memref<!tpu.dma_semaphore, #tpu.memory_space<semaphore_mem>>, %arg16: memref<!tpu.dma_semaphore, #tpu.memory_space<semaphore_mem>>, %arg17: memref<!tpu.dma_semaphore, #tpu.memory_space<semaphore_mem>>, %arg18: memref<!tpu.dma_semaphore, #tpu.memory_space<semaphore_mem>>) attributes {dimension_semantics = [#tpu.dimension_semantics<core_parallel>, #tpu.dimension_semantics<subcore_parallel>], iteration_bounds = array<i64: 2, 16>, scalar_prefetch = 0 : i64, scratch_operands = 14 : i64, tpu.core_type = #tpu.core_type<sc_vector_subcore>, window_params = [{transform_indices = #map}, {transform_indices = #map1}, {transform_indices = #map}]} {
    %scan3A = arith.constant 0 : i32
    %scan3A_0 = arith.constant 0 : i32
    %scan3A_1 = arith.constant 1024 : i32
    %scan3A_2 = arith.addi %scan3A_0, %scan3A_1 : i32
    %scan3A_3 = arith.constant 1 : i32
    %scan3A_4 = scf.for %scan3A_48 = %scan3A_0 to %scan3A_2 step %scan3A_3 iter_args(%scan3A_49 = %scan3A) -> (i32)  : i32 {
      %broadcast_in_dim3A = arith.constant 0.000000e+00 : f32
      %broadcast_in_dim3A_50 = vector.broadcast %broadcast_in_dim3A : f32 to vector<16xf32>
      %jit3A = arith.constant 8 : i32
      %div3A = arith.divsi %scan3A_48, %jit3A : i32
      %sign3A = arith.constant 0 : i32
      %sign3A_51 = arith.cmpi sgt, %scan3A_48, %sign3A : i32
      %sign3A_52 = arith.extui %sign3A_51 : i1 to i32
      %sign3A_53 = arith.constant 0 : i32
      %sign3A_54 = arith.cmpi slt, %scan3A_48, %sign3A_53 : i32
      %sign3A_55 = arith.extui %sign3A_54 : i1 to i32
      %sign3A_56 = arith.subi %sign3A_52, %sign3A_55 : i32
      %sign3A_57 = arith.constant 0 : i32
      %sign3A_58 = arith.cmpi sgt, %jit3A, %sign3A_57 : i32
      %sign3A_59 = arith.extui %sign3A_58 : i1 to i32
      %sign3A_60 = arith.constant 0 : i32
      %sign3A_61 = arith.cmpi slt, %jit3A, %sign3A_60 : i32
      %sign3A_62 = arith.extui %sign3A_61 : i1 to i32
      %sign3A_63 = arith.subi %sign3A_59, %sign3A_62 : i32
      %ne3A = arith.cmpi ne, %sign3A_56, %sign3A_63 : i32
      %rem3A = arith.remsi %scan3A_48, %jit3A : i32
      %ne3A_64 = arith.constant 0 : i32
      %ne3A_65 = arith.cmpi ne, %rem3A, %ne3A_64 : i32
      %and3A = arith.andi %ne3A, %ne3A_65 : i1
      %sub3A = arith.constant 1 : i32
      %sub3A_66 = arith.subi %div3A, %sub3A : i32
      %select_n3A = arith.select %and3A, %sub3A_66, %div3A : i32
      %jit3A_67 = arith.constant 8 : i32
      %eq3A_68 = arith.constant 0 : i32
      %eq3A_69 = arith.cmpi eq, %jit3A_67, %eq3A_68 : i32
      %jit3A_70 = arith.constant 1 : i32
      %select_n3A_71 = arith.select %eq3A_69, %jit3A_70, %jit3A_67 : i32
      %rem3A_72 = arith.remsi %scan3A_48, %select_n3A_71 : i32
      %ne3A_73 = arith.constant 0 : i32
      %ne3A_74 = arith.cmpi ne, %rem3A_72, %ne3A_73 : i32
      %lt3A = arith.constant 0 : i32
      %lt3A_75 = arith.cmpi slt, %rem3A_72, %lt3A : i32
      %lt3A_76 = arith.constant 0 : i32
      %lt3A_77 = arith.cmpi slt, %select_n3A_71, %lt3A_76 : i32
      %ne3A_78 = arith.xori %lt3A_75, %lt3A_77 : i1
      %and3A_79 = arith.andi %ne3A_78, %ne3A_74 : i1
      %add3A_80 = arith.addi %rem3A_72, %select_n3A_71 : i32
      %select_n3A_81 = arith.select %and3A_79, %add3A_80, %rem3A_72 : i32
      %mul3A_82 = arith.constant 16 : i32
      %mul3A_83 = arith.muli %select_n3A_81, %mul3A_82 : i32
      %swap3A = arith.index_cast %select_n3A : i32 to index
      %swap3A_84 = arith.index_cast %mul3A_83 : i32 to index
      %swap3A_85 = tpu.vector_load %arg9[%swap3A, %swap3A_84] {strides = array<i32>} : memref<128x128xf32, #tpu.memory_space<vmem>>, vector<1x16xf32>,
      %swap3A_86 = vector.shape_cast %swap3A_85 : vector<1x16xf32> to vector<16xf32>
      %swap3A_87 = vector.shape_cast %broadcast_in_dim3A_50 : vector<16xf32> to vector<1x16xf32>
      tpu.vector_store %arg9[%swap3A, %swap3A_84], %swap3A_87 {strides = array<i32>} : memref<128x128xf32, #tpu.memory_space<vmem>>, vector<1x16xf32>,
      %scan3A_88 = arith.constant 0 : i32
      scf.yield %scan3A_88 : i32
    }
    %scan3A_5 = arith.constant 1024 : i32
    %scan3A_6 = arith.constant 0 : i32
    %scan3A_7 = arith.constant 0 : i32
    %scan3A_8 = arith.constant 6 : i32
    %scan3A_9 = arith.addi %scan3A_7, %scan3A_8 : i32
    %scan3A_10 = arith.constant 1 : i32
    %scan3A_11 = scf.for %scan3A_48 = %scan3A_7 to %scan3A_9 step %scan3A_10 iter_args(%scan3A_49 = %scan3A_6) -> (i32)  : i32 {
      %mul3A_50 = arith.constant 624 : i32
      %mul3A_51 = arith.muli %arg1, %mul3A_50 : i32
      %mul3A_52 = arith.constant 104 : i32
      %mul3A_53 = arith.muli %scan3A_48, %mul3A_52 : i32
      %add3A_54 = arith.addi %mul3A_51, %mul3A_53 : i32
      "tpu.region"() ({
        %run_scoped3A = tpu.sem_alloc : memref<!tpu.dma_semaphore, #tpu.memory_space<semaphore_mem>>
        %dma_start3A = arith.constant 0 : i32
        %dma_start3A_56 = arith.constant 0 : i32
        %dma_start3A_57 = tpu.memref_slice %arg9[%dma_start3A, %dma_start3A_56] : memref<128x128xf32, #tpu.memory_space<vmem>> -> memref<104x128xf32, #tpu.memory_space<vmem>>
        %dma_start3A_58 = arith.constant 0 : i32
        %dma_start3A_59 = tpu.memref_slice %arg14[%add3A_54, %dma_start3A_58] : memref<10000x128xf32, #tpu.memory_space<vmem_shared>> -> memref<104x128xf32, #tpu.memory_space<vmem_shared>>
        %dma_start3A_60 = arith.constant 0 : i32
        %dma_start3A_61 = tpu.memref_slice %arg14[%add3A_54, %dma_start3A_60] : memref<10000x128xf32, #tpu.memory_space<vmem_shared>> -> memref<104x128xf32, #tpu.memory_space<vmem_shared>>
        %dma_start3A_62 = arith.constant 0 : i32
        %dma_start3A_63 = arith.constant 0 : i32
        %dma_start3A_64 = tpu.memref_slice %arg9[%dma_start3A_62, %dma_start3A_63] : memref<128x128xf32, #tpu.memory_space<vmem>> -> memref<104x128xf32, #tpu.memory_space<vmem>>
        tpu.enqueue_dma source(%dma_start3A_64 : memref<104x128xf32, #tpu.memory_space<vmem>>) target(%dma_start3A_61 : memref<104x128xf32, #tpu.memory_space<vmem_shared>>) target_semaphore(%run_scoped3A : memref<!tpu.dma_semaphore, #tpu.memory_space<semaphore_mem>>)
        %dma_wait3A = arith.constant 0 : i32
        %dma_wait3A_65 = arith.constant 0 : i32
        %dma_wait3A_66 = tpu.memref_slice %arg9[%dma_wait3A, %dma_wait3A_65] : memref<128x128xf32, #tpu.memory_space<vmem>> -> memref<104x128xf32, #tpu.memory_space<vmem>>
        %dma_wait3A_67 = arith.constant 0 : i32
        %dma_wait3A_68 = tpu.memref_slice %arg14[%add3A_54, %dma_wait3A_67] : memref<10000x128xf32, #tpu.memory_space<vmem_shared>> -> memref<104x128xf32, #tpu.memory_space<vmem_shared>>
        %dma_wait3A_69 = arith.constant 0 : i32
        %dma_wait3A_70 = tpu.memref_slice %arg14[%add3A_54, %dma_wait3A_69] : memref<10000x128xf32, #tpu.memory_space<vmem_shared>> -> memref<104x128xf32, #tpu.memory_space<vmem_shared>>
        %dma_wait3A_71 = arith.constant 0 : i32
        %dma_wait3A_72 = arith.constant 0 : i32
        %dma_wait3A_73 = tpu.memref_slice %arg9[%dma_wait3A_71, %dma_wait3A_72] : memref<128x128xf32, #tpu.memory_space<vmem>> -> memref<104x128xf32, #tpu.memory_space<vmem>>
        tpu.wait_dma2 semaphore(%run_scoped3A : memref<!tpu.dma_semaphore, #tpu.memory_space<semaphore_mem>>) src(%dma_wait3A_73 : memref<104x128xf32, #tpu.memory_space<vmem>>) dst(%dma_wait3A_70 : memref<104x128xf32, #tpu.memory_space<vmem_shared>>)
        tpu.yield
      }) : () -> ()
      %scan3A_55 = arith.constant 0 : i32
      scf.yield %scan3A_55 : i32
    }
    %scan3A_12 = arith.constant 6 : i32
    %eq3A = arith.constant 0 : i32
    %eq3A_13 = arith.cmpi eq, %arg1, %eq3A : i32
    %convert_element_type3A = arith.extui %eq3A_13 : i1 to i32
    %cond3A = arith.constant 0 : i32
    %cond3A_14 = arith.cmpi ne, %convert_element_type3A, %cond3A : i32
    scf.if %cond3A_14 {
      "tpu.region"() ({
        %run_scoped3A = tpu.sem_alloc : memref<!tpu.dma_semaphore, #tpu.memory_space<semaphore_mem>>
        %dma_start3A = arith.constant 0 : i32
        %dma_start3A_48 = arith.constant 0 : i32
        %dma_start3A_49 = tpu.memref_slice %arg9[%dma_start3A, %dma_start3A_48] : memref<128x128xf32, #tpu.memory_space<vmem>> -> memref<16x128xf32, #tpu.memory_space<vmem>>
        %dma_start3A_50 = arith.constant 9984 : i32
        %dma_start3A_51 = arith.constant 0 : i32
        %dma_start3A_52 = tpu.memref_slice %arg14[%dma_start3A_50, %dma_start3A_51] : memref<10000x128xf32, #tpu.memory_space<vmem_shared>> -> memref<16x128xf32, #tpu.memory_space<vmem_shared>>
        %dma_start3A_53 = arith.constant 9984 : i32
        %dma_start3A_54 = arith.constant 0 : i32
        %dma_start3A_55 = tpu.memref_slice %arg14[%dma_start3A_53, %dma_start3A_54] : memref<10000x128xf32, #tpu.memory_space<vmem_shared>> -> memref<16x128xf32, #tpu.memory_space<vmem_shared>>
        %dma_start3A_56 = arith.constant 0 : i32
        %dma_start3A_57 = arith.constant 0 : i32
        %dma_start3A_58 = tpu.memref_slice %arg9[%dma_start3A_56, %dma_start3A_57] : memref<128x128xf32, #tpu.memory_space<vmem>> -> memref<16x128xf32, #tpu.memory_space<vmem>>
        tpu.enqueue_dma source(%dma_start3A_58 : memref<16x128xf32, #tpu.memory_space<vmem>>) target(%dma_start3A_55 : memref<16x128xf32, #tpu.memory_space<vmem_shared>>) target_semaphore(%run_scoped3A : memref<!tpu.dma_semaphore, #tpu.memory_space<semaphore_mem>>)
        %dma_wait3A = arith.constant 0 : i32
        %dma_wait3A_59 = arith.constant 0 : i32
        %dma_wait3A_60 = tpu.memref_slice %arg9[%dma_wait3A, %dma_wait3A_59] : memref<128x128xf32, #tpu.memory_space<vmem>> -> memref<16x128xf32, #tpu.memory_space<vmem>>
        %dma_wait3A_61 = arith.constant 9984 : i32
        %dma_wait3A_62 = arith.constant 0 : i32
        %dma_wait3A_63 = tpu.memref_slice %arg14[%dma_wait3A_61, %dma_wait3A_62] : memref<10000x128xf32, #tpu.memory_space<vmem_shared>> -> memref<16x128xf32, #tpu.memory_space<vmem_shared>>
        %dma_wait3A_64 = arith.constant 9984 : i32
        %dma_wait3A_65 = arith.constant 0 : i32
        %dma_wait3A_66 = tpu.memref_slice %arg14[%dma_wait3A_64, %dma_wait3A_65] : memref<10000x128xf32, #tpu.memory_space<vmem_shared>> -> memref<16x128xf32, #tpu.memory_space<vmem_shared>>
        %dma_wait3A_67 = arith.constant 0 : i32
        %dma_wait3A_68 = arith.constant 0 : i32
        %dma_wait3A_69 = tpu.memref_slice %arg9[%dma_wait3A_67, %dma_wait3A_68] : memref<128x128xf32, #tpu.memory_space<vmem>> -> memref<16x128xf32, #tpu.memory_space<vmem>>
        tpu.wait_dma2 semaphore(%run_scoped3A : memref<!tpu.dma_semaphore, #tpu.memory_space<semaphore_mem>>) src(%dma_wait3A_69 : memref<16x128xf32, #tpu.memory_space<vmem>>) dst(%dma_wait3A_66 : memref<16x128xf32, #tpu.memory_space<vmem_shared>>)
        tpu.yield
      }) : () -> ()
    } else {
    }
    %barrier3A = arith.constant 0 : index
    tpu.barrier barrier_id(%barrier3A)
    %mul3A = arith.constant 20000 : i32
    %mul3A_15 = arith.muli %arg1, %mul3A : i32
    %mul3A_16 = arith.constant 10000 : i32
    %mul3A_17 = arith.muli %arg0, %mul3A_16 : i32
    %scan3A_18 = arith.constant 0 : i32
    %scan3A_19 = arith.constant 0 : i32
    %scan3A_20 = arith.constant 78 : i32
    %scan3A_21 = arith.addi %scan3A_19, %scan3A_20 : i32
    %scan3A_22 = arith.constant 1 : i32
    %scan3A_23 = scf.for %scan3A_48 = %scan3A_19 to %scan3A_21 step %scan3A_22 iter_args(%scan3A_49 = %scan3A_18) -> (i32)  : i32 {
      %mul3A_50 = arith.constant 2 : i32
      %mul3A_51 = arith.muli %mul3A_50, %scan3A_48 : i32
      %mul3A_52 = arith.constant 128 : i32
      %mul3A_53 = arith.muli %mul3A_51, %mul3A_52 : i32
      %add3A_54 = arith.addi %mul3A_15, %mul3A_53 : i32
      %add3A_55 = arith.constant 128 : i32
      %add3A_56 = arith.addi %add3A_54, %add3A_55 : i32
      "tpu.region"() ({
        %run_scoped3A = tpu.sem_alloc : memref<!tpu.dma_semaphore, #tpu.memory_space<semaphore_mem>>
        %dma_start3A_98 = tpu.memref_slice %arg3[%add3A_54] : memref<640000xi32, #tpu.memory_space<hbm>> -> memref<128xi32, #tpu.memory_space<hbm>>
        %dma_start3A_99 = tpu.memref_slice %arg3[%add3A_54] : memref<640000xi32, #tpu.memory_space<hbm>> -> memref<128xi32, #tpu.memory_space<hbm>>
        tpu.enqueue_dma source(%dma_start3A_99 : memref<128xi32, #tpu.memory_space<hbm>>) target(%arg5 : memref<128xi32, #tpu.memory_space<vmem>>) target_semaphore(%run_scoped3A : memref<!tpu.dma_semaphore, #tpu.memory_space<semaphore_mem>>)
        %dma_wait3A_100 = tpu.memref_slice %arg3[%add3A_54] : memref<640000xi32, #tpu.memory_space<hbm>> -> memref<128xi32, #tpu.memory_space<hbm>>
        %dma_wait3A_101 = tpu.memref_slice %arg3[%add3A_54] : memref<640000xi32, #tpu.memory_space<hbm>> -> memref<128xi32, #tpu.memory_space<hbm>>
        tpu.wait_dma2 semaphore(%run_scoped3A : memref<!tpu.dma_semaphore, #tpu.memory_space<semaphore_mem>>) src(%dma_wait3A_101 : memref<128xi32, #tpu.memory_space<hbm>>) dst(%arg5 : memref<128xi32, #tpu.memory_space<vmem>>)
        tpu.yield
      }) : () -> ()
      %add3A_57 = arith.constant 320000 : i32
      %add3A_58 = arith.addi %add3A_57, %add3A_54 : i32
      "tpu.region"() ({
        %run_scoped3A = tpu.sem_alloc : memref<!tpu.dma_semaphore, #tpu.memory_space<semaphore_mem>>
        %dma_start3A_98 = tpu.memref_slice %arg3[%add3A_58] : memref<640000xi32, #tpu.memory_space<hbm>> -> memref<128xi32, #tpu.memory_space<hbm>>
        %dma_start3A_99 = tpu.memref_slice %arg3[%add3A_58] : memref<640000xi32, #tpu.memory_space<hbm>> -> memref<128xi32, #tpu.memory_space<hbm>>
        tpu.enqueue_dma source(%dma_start3A_99 : memref<128xi32, #tpu.memory_space<hbm>>) target(%arg6 : memref<128xi32, #tpu.memory_space<vmem>>) target_semaphore(%run_scoped3A : memref<!tpu.dma_semaphore, #tpu.memory_space<semaphore_mem>>)
        %dma_wait3A_100 = tpu.memref_slice %arg3[%add3A_58] : memref<640000xi32, #tpu.memory_space<hbm>> -> memref<128xi32, #tpu.memory_space<hbm>>
        %dma_wait3A_101 = tpu.memref_slice %arg3[%add3A_58] : memref<640000xi32, #tpu.memory_space<hbm>> -> memref<128xi32, #tpu.memory_space<hbm>>
        tpu.wait_dma2 semaphore(%run_scoped3A : memref<!tpu.dma_semaphore, #tpu.memory_space<semaphore_mem>>) src(%dma_wait3A_101 : memref<128xi32, #tpu.memory_space<hbm>>) dst(%arg6 : memref<128xi32, #tpu.memory_space<vmem>>)
        tpu.yield
      }) : () -> ()
      %scan3A_59 = arith.constant 0 : i32
      %scan3A_60 = arith.constant 0 : i32
      %scan3A_61 = arith.constant 8 : i32
      %scan3A_62 = arith.addi %scan3A_60, %scan3A_61 : i32
      %scan3A_63 = arith.constant 1 : i32
      %scan3A_64 = scf.for %scan3A_98 = %scan3A_60 to %scan3A_62 step %scan3A_63 iter_args(%scan3A_99 = %scan3A_59) -> (i32)  : i32 {
        %mul3A_100 = arith.constant 16 : i32
        %mul3A_101 = arith.muli %scan3A_98, %mul3A_100 : i32
        %get3A = arith.index_cast %mul3A_101 : i32 to index
        %get3A_102 = tpu.vector_load %arg5[%get3A] {strides = array<i32>} : memref<128xi32, #tpu.memory_space<vmem>>, vector<16xi32>,
        %get3A_103 = vector.shape_cast %get3A_102 : vector<16xi32> to vector<16xi32>
        %add3A_104 = vector.broadcast %mul3A_17 : i32 to vector<16xi32>
        %add3A_105 = arith.addi %get3A_103, %add3A_104 : vector<16xi32>
        %mul3A_106 = arith.constant 16 : i32
        %mul3A_107 = arith.muli %scan3A_98, %mul3A_106 : i32
        %swap3A = arith.index_cast %mul3A_107 : i32 to index
        %swap3A_108 = tpu.vector_load %arg5[%swap3A] {strides = array<i32>} : memref<128xi32, #tpu.memory_space<vmem>>, vector<16xi32>,
        %swap3A_109 = vector.shape_cast %swap3A_108 : vector<16xi32> to vector<16xi32>
        %swap3A_110 = vector.shape_cast %add3A_105 : vector<16xi32> to vector<16xi32>
        tpu.vector_store %arg5[%swap3A], %swap3A_110 {strides = array<i32>} : memref<128xi32, #tpu.memory_space<vmem>>, vector<16xi32>,
        %scan3A_111 = arith.constant 0 : i32
        scf.yield %scan3A_111 : i32
      }
      %scan3A_65 = arith.constant 8 : i32
      %dma_start3A = arith.constant 0 : i32
      %dma_start3A_66 = arith.constant 0 : i32
      %dma_start3A_67 = tpu.memref_slice %arg2[%dma_start3A, %dma_start3A_66] : memref<20000x128xf32, #tpu.memory_space<hbm>> -> memref<20000x128xf32, #tpu.memory_space<hbm>>
      tpu.enqueue_indirect_dma source(%dma_start3A_67 : memref<20000x128xf32, #tpu.memory_space<hbm>>) target(%arg9 : memref<128x128xf32, #tpu.memory_space<vmem>>) offsets(%arg5 : memref<128xi32, #tpu.memory_space<vmem>>) semaphore(%arg15 : memref<!tpu.dma_semaphore, #tpu.memory_space<semaphore_mem>>)
      "tpu.region"() ({
        %run_scoped3A = tpu.sem_alloc : memref<!tpu.dma_semaphore, #tpu.memory_space<semaphore_mem>>
        %dma_start3A_98 = tpu.memref_slice %arg3[%add3A_56] : memref<640000xi32, #tpu.memory_space<hbm>> -> memref<128xi32, #tpu.memory_space<hbm>>
        %dma_start3A_99 = tpu.memref_slice %arg3[%add3A_56] : memref<640000xi32, #tpu.memory_space<hbm>> -> memref<128xi32, #tpu.memory_space<hbm>>
        tpu.enqueue_dma source(%dma_start3A_99 : memref<128xi32, #tpu.memory_space<hbm>>) target(%arg7 : memref<128xi32, #tpu.memory_space<vmem>>) target_semaphore(%run_scoped3A : memref<!tpu.dma_semaphore, #tpu.memory_space<semaphore_mem>>)
        %dma_wait3A_100 = tpu.memref_slice %arg3[%add3A_56] : memref<640000xi32, #tpu.memory_space<hbm>> -> memref<128xi32, #tpu.memory_space<hbm>>
        %dma_wait3A_101 = tpu.memref_slice %arg3[%add3A_56] : memref<640000xi32, #tpu.memory_space<hbm>> -> memref<128xi32, #tpu.memory_space<hbm>>
        tpu.wait_dma2 semaphore(%run_scoped3A : memref<!tpu.dma_semaphore, #tpu.memory_space<semaphore_mem>>) src(%dma_wait3A_101 : memref<128xi32, #tpu.memory_space<hbm>>) dst(%arg7 : memref<128xi32, #tpu.memory_space<vmem>>)
        tpu.yield
      }) : () -> ()
      %add3A_68 = arith.constant 320000 : i32
      %add3A_69 = arith.addi %add3A_68, %add3A_56 : i32
      "tpu.region"() ({
        %run_scoped3A = tpu.sem_alloc : memref<!tpu.dma_semaphore, #tpu.memory_space<semaphore_mem>>
        %dma_start3A_98 = tpu.memref_slice %arg3[%add3A_69] : memref<640000xi32, #tpu.memory_space<hbm>> -> memref<128xi32, #tpu.memory_space<hbm>>
        %dma_start3A_99 = tpu.memref_slice %arg3[%add3A_69] : memref<640000xi32, #tpu.memory_space<hbm>> -> memref<128xi32, #tpu.memory_space<hbm>>
        tpu.enqueue_dma source(%dma_start3A_99 : memref<128xi32, #tpu.memory_space<hbm>>) target(%arg8 : memref<128xi32, #tpu.memory_space<vmem>>) target_semaphore(%run_scoped3A : memref<!tpu.dma_semaphore, #tpu.memory_space<semaphore_mem>>)
        %dma_wait3A_100 = tpu.memref_slice %arg3[%add3A_69] : memref<640000xi32, #tpu.memory_space<hbm>> -> memref<128xi32, #tpu.memory_space<hbm>>
        %dma_wait3A_101 = tpu.memref_slice %arg3[%add3A_69] : memref<640000xi32, #tpu.memory_space<hbm>> -> memref<128xi32, #tpu.memory_space<hbm>>
        tpu.wait_dma2 semaphore(%run_scoped3A : memref<!tpu.dma_semaphore, #tpu.memory_space<semaphore_mem>>) src(%dma_wait3A_101 : memref<128xi32, #tpu.memory_space<hbm>>) dst(%arg8 : memref<128xi32, #tpu.memory_space<vmem>>)
        tpu.yield
      }) : () -> ()
      %scan3A_70 = arith.constant 0 : i32
      %scan3A_71 = arith.constant 0 : i32
      %scan3A_72 = arith.constant 8 : i32
      %scan3A_73 = arith.addi %scan3A_71, %scan3A_72 : i32
      %scan3A_74 = arith.constant 1 : i32
      %scan3A_75 = scf.for %scan3A_98 = %scan3A_71 to %scan3A_73 step %scan3A_74 iter_args(%scan3A_99 = %scan3A_70) -> (i32)  : i32 {
        %mul3A_100 = arith.constant 16 : i32
        %mul3A_101 = arith.muli %scan3A_98, %mul3A_100 : i32
        %get3A = arith.index_cast %mul3A_101 : i32 to index
        %get3A_102 = tpu.vector_load %arg7[%get3A] {strides = array<i32>} : memref<128xi32, #tpu.memory_space<vmem>>, vector<16xi32>,
        %get3A_103 = vector.shape_cast %get3A_102 : vector<16xi32> to vector<16xi32>
        %add3A_104 = vector.broadcast %mul3A_17 : i32 to vector<16xi32>
        %add3A_105 = arith.addi %get3A_103, %add3A_104 : vector<16xi32>
        %mul3A_106 = arith.constant 16 : i32
        %mul3A_107 = arith.muli %scan3A_98, %mul3A_106 : i32
        %swap3A = arith.index_cast %mul3A_107 : i32 to index
        %swap3A_108 = tpu.vector_load %arg7[%swap3A] {strides = array<i32>} : memref<128xi32, #tpu.memory_space<vmem>>, vector<16xi32>,
        %swap3A_109 = vector.shape_cast %swap3A_108 : vector<16xi32> to vector<16xi32>
        %swap3A_110 = vector.shape_cast %add3A_105 : vector<16xi32> to vector<16xi32>
        tpu.vector_store %arg7[%swap3A], %swap3A_110 {strides = array<i32>} : memref<128xi32, #tpu.memory_space<vmem>>, vector<16xi32>,
        %scan3A_111 = arith.constant 0 : i32
        scf.yield %scan3A_111 : i32
      }
      %scan3A_76 = arith.constant 8 : i32
      %dma_start3A_77 = arith.constant 0 : i32
      %dma_start3A_78 = arith.constant 0 : i32
      %dma_start3A_79 = tpu.memref_slice %arg2[%dma_start3A_77, %dma_start3A_78] : memref<20000x128xf32, #tpu.memory_space<hbm>> -> memref<20000x128xf32, #tpu.memory_space<hbm>>
      tpu.enqueue_indirect_dma source(%dma_start3A_79 : memref<20000x128xf32, #tpu.memory_space<hbm>>) target(%arg10 : memref<128x128xf32, #tpu.memory_space<vmem>>) offsets(%arg7 : memref<128xi32, #tpu.memory_space<vmem>>) semaphore(%arg16 : memref<!tpu.dma_semaphore, #tpu.memory_space<semaphore_mem>>)
      %dma_wait3A = arith.constant 0 : i32
      %dma_wait3A_80 = arith.constant 0 : i32
      %dma_wait3A_81 = tpu.memref_slice %arg2[%dma_wait3A, %dma_wait3A_80] : memref<20000x128xf32, #tpu.memory_space<hbm>> -> memref<20000x128xf32, #tpu.memory_space<hbm>>
      tpu.wait_indirect_dma semaphore(%arg15 : memref<!tpu.dma_semaphore, #tpu.memory_space<semaphore_mem>>) src(%dma_wait3A_81 : memref<20000x128xf32, #tpu.memory_space<hbm>>) dst(%arg9 : memref<128x128xf32, #tpu.memory_space<vmem>>)
      %dma_start3A_82 = arith.constant 0 : i32
      %dma_start3A_83 = arith.constant 0 : i32
      %dma_start3A_84 = tpu.memref_slice %arg14[%dma_start3A_82, %dma_start3A_83] : memref<10000x128xf32, #tpu.memory_space<vmem_shared>> -> memref<10000x128xf32, #tpu.memory_space<vmem_shared>>
      tpu.enqueue_indirect_dma source(%arg9 : memref<128x128xf32, #tpu.memory_space<vmem>>) target(%dma_start3A_84 : memref<10000x128xf32, #tpu.memory_space<vmem_shared>>) offsets(%arg6 : memref<128xi32, #tpu.memory_space<vmem>>) semaphore(%arg17 : memref<!tpu.dma_semaphore, #tpu.memory_space<semaphore_mem>>) {add = true}
      %dma_wait3A_85 = arith.constant 0 : i32
      %dma_wait3A_86 = arith.constant 0 : i32
      %dma_wait3A_87 = tpu.memref_slice %arg2[%dma_wait3A_85, %dma_wait3A_86] : memref<20000x128xf32, #tpu.memory_space<hbm>> -> memref<20000x128xf32, #tpu.memory_space<hbm>>
      tpu.wait_indirect_dma semaphore(%arg16 : memref<!tpu.dma_semaphore, #tpu.memory_space<semaphore_mem>>) src(%dma_wait3A_87 : memref<20000x128xf32, #tpu.memory_space<hbm>>) dst(%arg10 : memref<128x128xf32, #tpu.memory_space<vmem>>)
      %dma_start3A_88 = arith.constant 0 : i32
      %dma_start3A_89 = arith.constant 0 : i32
      %dma_start3A_90 = tpu.memref_slice %arg14[%dma_start3A_88, %dma_start3A_89] : memref<10000x128xf32, #tpu.memory_space<vmem_shared>> -> memref<10000x128xf32, #tpu.memory_space<vmem_shared>>
      tpu.enqueue_indirect_dma source(%arg10 : memref<128x128xf32, #tpu.memory_space<vmem>>) target(%dma_start3A_90 : memref<10000x128xf32, #tpu.memory_space<vmem_shared>>) offsets(%arg8 : memref<128xi32, #tpu.memory_space<vmem>>) semaphore(%arg18 : memref<!tpu.dma_semaphore, #tpu.memory_space<semaphore_mem>>) {add = true}
      %dma_wait3A_91 = arith.constant 0 : i32
      %dma_wait3A_92 = arith.constant 0 : i32
      %dma_wait3A_93 = tpu.memref_slice %arg14[%dma_wait3A_91, %dma_wait3A_92] : memref<10000x128xf32, #tpu.memory_space<vmem_shared>> -> memref<10000x128xf32, #tpu.memory_space<vmem_shared>>
      tpu.wait_indirect_dma semaphore(%arg17 : memref<!tpu.dma_semaphore, #tpu.memory_space<semaphore_mem>>) src(%arg9 : memref<128x128xf32, #tpu.memory_space<vmem>>) dst(%dma_wait3A_93 : memref<10000x128xf32, #tpu.memory_space<vmem_shared>>)
      %dma_wait3A_94 = arith.constant 0 : i32
      %dma_wait3A_95 = arith.constant 0 : i32
      %dma_wait3A_96 = tpu.memref_slice %arg14[%dma_wait3A_94, %dma_wait3A_95] : memref<10000x128xf32, #tpu.memory_space<vmem_shared>> -> memref<10000x128xf32, #tpu.memory_space<vmem_shared>>
      tpu.wait_indirect_dma semaphore(%arg18 : memref<!tpu.dma_semaphore, #tpu.memory_space<semaphore_mem>>) src(%arg10 : memref<128x128xf32, #tpu.memory_space<vmem>>) dst(%dma_wait3A_96 : memref<10000x128xf32, #tpu.memory_space<vmem_shared>>)
      %scan3A_97 = arith.constant 0 : i32
      scf.yield %scan3A_97 : i32
    }
    %scan3A_24 = arith.constant 78 : i32
    %add3A = arith.constant 19968 : i32
    %add3A_25 = arith.addi %mul3A_15, %add3A : i32
    "tpu.region"() ({
      %run_scoped3A = tpu.sem_alloc : memref<!tpu.dma_semaphore, #tpu.memory_space<semaphore_mem>>
      %dma_start3A = tpu.memref_slice %arg3[%add3A_25] : memref<640000xi32, #tpu.memory_space<hbm>> -> memref<32xi32, #tpu.memory_space<hbm>>
      %dma_start3A_48 = tpu.memref_slice %arg3[%add3A_25] : memref<640000xi32, #tpu.memory_space<hbm>> -> memref<32xi32, #tpu.memory_space<hbm>>
      tpu.enqueue_dma source(%dma_start3A_48 : memref<32xi32, #tpu.memory_space<hbm>>) target(%arg11 : memref<32xi32, #tpu.memory_space<vmem>>) target_semaphore(%run_scoped3A : memref<!tpu.dma_semaphore, #tpu.memory_space<semaphore_mem>>)
      %dma_wait3A = tpu.memref_slice %arg3[%add3A_25] : memref<640000xi32, #tpu.memory_space<hbm>> -> memref<32xi32, #tpu.memory_space<hbm>>
      %dma_wait3A_49 = tpu.memref_slice %arg3[%add3A_25] : memref<640000xi32, #tpu.memory_space<hbm>> -> memref<32xi32, #tpu.memory_space<hbm>>
      tpu.wait_dma2 semaphore(%run_scoped3A : memref<!tpu.dma_semaphore, #tpu.memory_space<semaphore_mem>>) src(%dma_wait3A_49 : memref<32xi32, #tpu.memory_space<hbm>>) dst(%arg11 : memref<32xi32, #tpu.memory_space<vmem>>)
      tpu.yield
    }) : () -> ()
    %add3A_26 = arith.constant 320000 : i32
    %add3A_27 = arith.addi %add3A_26, %add3A_25 : i32
    "tpu.region"() ({
      %run_scoped3A = tpu.sem_alloc : memref<!tpu.dma_semaphore, #tpu.memory_space<semaphore_mem>>
      %dma_start3A = tpu.memref_slice %arg3[%add3A_27] : memref<640000xi32, #tpu.memory_space<hbm>> -> memref<32xi32, #tpu.memory_space<hbm>>
      %dma_start3A_48 = tpu.memref_slice %arg3[%add3A_27] : memref<640000xi32, #tpu.memory_space<hbm>> -> memref<32xi32, #tpu.memory_space<hbm>>
      tpu.enqueue_dma source(%dma_start3A_48 : memref<32xi32, #tpu.memory_space<hbm>>) target(%arg12 : memref<32xi32, #tpu.memory_space<vmem>>) target_semaphore(%run_scoped3A : memref<!tpu.dma_semaphore, #tpu.memory_space<semaphore_mem>>)
      %dma_wait3A = tpu.memref_slice %arg3[%add3A_27] : memref<640000xi32, #tpu.memory_space<hbm>> -> memref<32xi32, #tpu.memory_space<hbm>>
      %dma_wait3A_49 = tpu.memref_slice %arg3[%add3A_27] : memref<640000xi32, #tpu.memory_space<hbm>> -> memref<32xi32, #tpu.memory_space<hbm>>
      tpu.wait_dma2 semaphore(%run_scoped3A : memref<!tpu.dma_semaphore, #tpu.memory_space<semaphore_mem>>) src(%dma_wait3A_49 : memref<32xi32, #tpu.memory_space<hbm>>) dst(%arg12 : memref<32xi32, #tpu.memory_space<vmem>>)
      tpu.yield
    }) : () -> ()
    %scan3A_28 = arith.constant 0 : i32
    %scan3A_29 = arith.constant 0 : i32
    %scan3A_30 = arith.constant 2 : i32
    %scan3A_31 = arith.addi %scan3A_29, %scan3A_30 : i32
    %scan3A_32 = arith.constant 1 : i32
    %scan3A_33 = scf.for %scan3A_48 = %scan3A_29 to %scan3A_31 step %scan3A_32 iter_args(%scan3A_49 = %scan3A_28) -> (i32)  : i32 {
      %mul3A_50 = arith.constant 16 : i32
      %mul3A_51 = arith.muli %scan3A_48, %mul3A_50 : i32
      %get3A = arith.index_cast %mul3A_51 : i32 to index
      %get3A_52 = tpu.vector_load %arg11[%get3A] {strides = array<i32>} : memref<32xi32, #tpu.memory_space<vmem>>, vector<16xi32>,
      %get3A_53 = vector.shape_cast %get3A_52 : vector<16xi32> to vector<16xi32>
      %add3A_54 = vector.broadcast %mul3A_17 : i32 to vector<16xi32>
      %add3A_55 = arith.addi %get3A_53, %add3A_54 : vector<16xi32>
      %mul3A_56 = arith.constant 16 : i32
      %mul3A_57 = arith.muli %scan3A_48, %mul3A_56 : i32
      %swap3A = arith.index_cast %mul3A_57 : i32 to index
      %swap3A_58 = tpu.vector_load %arg11[%swap3A] {strides = array<i32>} : memref<32xi32, #tpu.memory_space<vmem>>, vector<16xi32>,
      %swap3A_59 = vector.shape_cast %swap3A_58 : vector<16xi32> to vector<16xi32>
      %swap3A_60 = vector.shape_cast %add3A_55 : vector<16xi32> to vector<16xi32>
      tpu.vector_store %arg11[%swap3A], %swap3A_60 {strides = array<i32>} : memref<32xi32, #tpu.memory_space<vmem>>, vector<16xi32>,
      %scan3A_61 = arith.constant 0 : i32
      scf.yield %scan3A_61 : i32
    }
    %scan3A_34 = arith.constant 2 : i32
    "tpu.region"() ({
      %run_scoped3A = tpu.sem_alloc : memref<!tpu.dma_semaphore, #tpu.memory_space<semaphore_mem>>
      %dma_start3A = arith.constant 0 : i32
      %dma_start3A_48 = arith.constant 0 : i32
      %dma_start3A_49 = tpu.memref_slice %arg2[%dma_start3A, %dma_start3A_48] : memref<20000x128xf32, #tpu.memory_space<hbm>> -> memref<20000x128xf32, #tpu.memory_space<hbm>>
      tpu.enqueue_indirect_dma source(%dma_start3A_49 : memref<20000x128xf32, #tpu.memory_space<hbm>>) target(%arg13 : memref<32x128xf32, #tpu.memory_space<vmem>>) offsets(%arg11 : memref<32xi32, #tpu.memory_space<vmem>>) semaphore(%run_scoped3A : memref<!tpu.dma_semaphore, #tpu.memory_space<semaphore_mem>>)
      %dma_wait3A = arith.constant 0 : i32
      %dma_wait3A_50 = arith.constant 0 : i32
      %dma_wait3A_51 = tpu.memref_slice %arg2[%dma_wait3A, %dma_wait3A_50] : memref<20000x128xf32, #tpu.memory_space<hbm>> -> memref<20000x128xf32, #tpu.memory_space<hbm>>
      tpu.wait_indirect_dma semaphore(%run_scoped3A : memref<!tpu.dma_semaphore, #tpu.memory_space<semaphore_mem>>) src(%dma_wait3A_51 : memref<20000x128xf32, #tpu.memory_space<hbm>>) dst(%arg13 : memref<32x128xf32, #tpu.memory_space<vmem>>)
      tpu.yield
    }) : () -> ()
    "tpu.region"() ({
      %run_scoped3A = tpu.sem_alloc : memref<!tpu.dma_semaphore, #tpu.memory_space<semaphore_mem>>
      %dma_start3A = arith.constant 0 : i32
      %dma_start3A_48 = arith.constant 0 : i32
      %dma_start3A_49 = tpu.memref_slice %arg14[%dma_start3A, %dma_start3A_48] : memref<10000x128xf32, #tpu.memory_space<vmem_shared>> -> memref<10000x128xf32, #tpu.memory_space<vmem_shared>>
      tpu.enqueue_indirect_dma source(%arg13 : memref<32x128xf32, #tpu.memory_space<vmem>>) target(%dma_start3A_49 : memref<10000x128xf32, #tpu.memory_space<vmem_shared>>) offsets(%arg12 : memref<32xi32, #tpu.memory_space<vmem>>) semaphore(%run_scoped3A : memref<!tpu.dma_semaphore, #tpu.memory_space<semaphore_mem>>) {add = true}
      %dma_wait3A = arith.constant 0 : i32
      %dma_wait3A_50 = arith.constant 0 : i32
      %dma_wait3A_51 = tpu.memref_slice %arg14[%dma_wait3A, %dma_wait3A_50] : memref<10000x128xf32, #tpu.memory_space<vmem_shared>> -> memref<10000x128xf32, #tpu.memory_space<vmem_shared>>
      tpu.wait_indirect_dma semaphore(%run_scoped3A : memref<!tpu.dma_semaphore, #tpu.memory_space<semaphore_mem>>) src(%arg13 : memref<32x128xf32, #tpu.memory_space<vmem>>) dst(%dma_wait3A_51 : memref<10000x128xf32, #tpu.memory_space<vmem_shared>>)
      tpu.yield
    }) : () -> ()
    %barrier3A_35 = arith.constant 0 : index
    tpu.barrier barrier_id(%barrier3A_35)
    %scan3A_36 = arith.constant 0 : i32
    %scan3A_37 = arith.constant 0 : i32
    %scan3A_38 = arith.constant 6 : i32
    %scan3A_39 = arith.addi %scan3A_37, %scan3A_38 : i32
    %scan3A_40 = arith.constant 1 : i32
    %scan3A_41 = scf.for %scan3A_48 = %scan3A_37 to %scan3A_39 step %scan3A_40 iter_args(%scan3A_49 = %scan3A_36) -> (i32)  : i32 {
      %mul3A_50 = arith.constant 624 : i32
      %mul3A_51 = arith.muli %arg1, %mul3A_50 : i32
      %mul3A_52 = arith.constant 104 : i32
      %mul3A_53 = arith.muli %scan3A_48, %mul3A_52 : i32
      %add3A_54 = arith.addi %mul3A_51, %mul3A_53 : i32
      "tpu.region"() ({
        %run_scoped3A = tpu.sem_alloc : memref<!tpu.dma_semaphore, #tpu.memory_space<semaphore_mem>>
        %dma_start3A = arith.constant 0 : i32
        %dma_start3A_64 = arith.constant 0 : i32
        %dma_start3A_65 = tpu.memref_slice %arg9[%dma_start3A, %dma_start3A_64] : memref<128x128xf32, #tpu.memory_space<vmem>> -> memref<104x128xf32, #tpu.memory_space<vmem>>
        %dma_start3A_66 = arith.constant 0 : i32
        %dma_start3A_67 = tpu.memref_slice %arg14[%add3A_54, %dma_start3A_66] : memref<10000x128xf32, #tpu.memory_space<vmem_shared>> -> memref<104x128xf32, #tpu.memory_space<vmem_shared>>
        %dma_start3A_68 = arith.constant 0 : i32
        %dma_start3A_69 = arith.constant 0 : i32
        %dma_start3A_70 = tpu.memref_slice %arg9[%dma_start3A_68, %dma_start3A_69] : memref<128x128xf32, #tpu.memory_space<vmem>> -> memref<104x128xf32, #tpu.memory_space<vmem>>
        %dma_start3A_71 = arith.constant 0 : i32
        %dma_start3A_72 = tpu.memref_slice %arg14[%add3A_54, %dma_start3A_71] : memref<10000x128xf32, #tpu.memory_space<vmem_shared>> -> memref<104x128xf32, #tpu.memory_space<vmem_shared>>
        tpu.enqueue_dma source(%dma_start3A_72 : memref<104x128xf32, #tpu.memory_space<vmem_shared>>) target(%dma_start3A_70 : memref<104x128xf32, #tpu.memory_space<vmem>>) target_semaphore(%run_scoped3A : memref<!tpu.dma_semaphore, #tpu.memory_space<semaphore_mem>>)
        %dma_wait3A = arith.constant 0 : i32
        %dma_wait3A_73 = arith.constant 0 : i32
        %dma_wait3A_74 = tpu.memref_slice %arg9[%dma_wait3A, %dma_wait3A_73] : memref<128x128xf32, #tpu.memory_space<vmem>> -> memref<104x128xf32, #tpu.memory_space<vmem>>
        %dma_wait3A_75 = arith.constant 0 : i32
        %dma_wait3A_76 = tpu.memref_slice %arg14[%add3A_54, %dma_wait3A_75] : memref<10000x128xf32, #tpu.memory_space<vmem_shared>> -> memref<104x128xf32, #tpu.memory_space<vmem_shared>>
        %dma_wait3A_77 = arith.constant 0 : i32
        %dma_wait3A_78 = arith.constant 0 : i32
        %dma_wait3A_79 = tpu.memref_slice %arg9[%dma_wait3A_77, %dma_wait3A_78] : memref<128x128xf32, #tpu.memory_space<vmem>> -> memref<104x128xf32, #tpu.memory_space<vmem>>
        %dma_wait3A_80 = arith.constant 0 : i32
        %dma_wait3A_81 = tpu.memref_slice %arg14[%add3A_54, %dma_wait3A_80] : memref<10000x128xf32, #tpu.memory_space<vmem_shared>> -> memref<104x128xf32, #tpu.memory_space<vmem_shared>>
        tpu.wait_dma2 semaphore(%run_scoped3A : memref<!tpu.dma_semaphore, #tpu.memory_space<semaphore_mem>>) src(%dma_wait3A_81 : memref<104x128xf32, #tpu.memory_space<vmem_shared>>) dst(%dma_wait3A_79 : memref<104x128xf32, #tpu.memory_space<vmem>>)
        tpu.yield
      }) : () -> ()
      %mul3A_55 = arith.constant 10000 : i32
      %mul3A_56 = arith.muli %arg0, %mul3A_55 : i32
      %mul3A_57 = arith.constant 624 : i32
      %mul3A_58 = arith.muli %arg1, %mul3A_57 : i32
      %add3A_59 = arith.addi %mul3A_56, %mul3A_58 : i32
      %mul3A_60 = arith.constant 104 : i32
      %mul3A_61 = arith.muli %scan3A_48, %mul3A_60 : i32
      %add3A_62 = arith.addi %add3A_59, %mul3A_61 : i32
      "tpu.region"() ({
        %run_scoped3A = tpu.sem_alloc : memref<!tpu.dma_semaphore, #tpu.memory_space<semaphore_mem>>
        %dma_start3A = arith.constant 0 : i32
        %dma_start3A_64 = arith.constant 0 : i32
        %dma_start3A_65 = tpu.memref_slice %arg9[%dma_start3A, %dma_start3A_64] : memref<128x128xf32, #tpu.memory_space<vmem>> -> memref<104x128xf32, #tpu.memory_space<vmem>>
        %dma_start3A_66 = arith.constant 0 : i32
        %dma_start3A_67 = tpu.memref_slice %arg4[%add3A_62, %dma_start3A_66] : memref<20000x128xf32, #tpu.memory_space<hbm>> -> memref<104x128xf32, #tpu.memory_space<hbm>>
        %dma_start3A_68 = arith.constant 0 : i32
        %dma_start3A_69 = tpu.memref_slice %arg4[%add3A_62, %dma_start3A_68] : memref<20000x128xf32, #tpu.memory_space<hbm>> -> memref<104x128xf32, #tpu.memory_space<hbm>>
        %dma_start3A_70 = arith.constant 0 : i32
        %dma_start3A_71 = arith.constant 0 : i32
        %dma_start3A_72 = tpu.memref_slice %arg9[%dma_start3A_70, %dma_start3A_71] : memref<128x128xf32, #tpu.memory_space<vmem>> -> memref<104x128xf32, #tpu.memory_space<vmem>>
        tpu.enqueue_dma source(%dma_start3A_72 : memref<104x128xf32, #tpu.memory_space<vmem>>) target(%dma_start3A_69 : memref<104x128xf32, #tpu.memory_space<hbm>>) target_semaphore(%run_scoped3A : memref<!tpu.dma_semaphore, #tpu.memory_space<semaphore_mem>>)
        %dma_wait3A = arith.constant 0 : i32
        %dma_wait3A_73 = arith.constant 0 : i32
        %dma_wait3A_74 = tpu.memref_slice %arg9[%dma_wait3A, %dma_wait3A_73] : memref<128x128xf32, #tpu.memory_space<vmem>> -> memref<104x128xf32, #tpu.memory_space<vmem>>
        %dma_wait3A_75 = arith.constant 0 : i32
        %dma_wait3A_76 = tpu.memref_slice %arg4[%add3A_62, %dma_wait3A_75] : memref<20000x128xf32, #tpu.memory_space<hbm>> -> memref<104x128xf32, #tpu.memory_space<hbm>>
        %dma_wait3A_77 = arith.constant 0 : i32
        %dma_wait3A_78 = tpu.memref_slice %arg4[%add3A_62, %dma_wait3A_77] : memref<20000x128xf32, #tpu.memory_space<hbm>> -> memref<104x128xf32, #tpu.memory_space<hbm>>
        %dma_wait3A_79 = arith.constant 0 : i32
        %dma_wait3A_80 = arith.constant 0 : i32
        %dma_wait3A_81 = tpu.memref_slice %arg9[%dma_wait3A_79, %dma_wait3A_80] : memref<128x128xf32, #tpu.memory_space<vmem>> -> memref<104x128xf32, #tpu.memory_space<vmem>>
        tpu.wait_dma2 semaphore(%run_scoped3A : memref<!tpu.dma_semaphore, #tpu.memory_space<semaphore_mem>>) src(%dma_wait3A_81 : memref<104x128xf32, #tpu.memory_space<vmem>>) dst(%dma_wait3A_78 : memref<104x128xf32, #tpu.memory_space<hbm>>)
        tpu.yield
      }) : () -> ()
      %scan3A_63 = arith.constant 0 : i32
      scf.yield %scan3A_63 : i32
    }
    %scan3A_42 = arith.constant 6 : i32
    %eq3A_43 = arith.constant 0 : i32
    %eq3A_44 = arith.cmpi eq, %arg1, %eq3A_43 : i32
    %convert_element_type3A_45 = arith.extui %eq3A_44 : i1 to i32
    %cond3A_46 = arith.constant 0 : i32
    %cond3A_47 = arith.cmpi ne, %convert_element_type3A_45, %cond3A_46 : i32
    scf.if %cond3A_47 {
      "tpu.region"() ({
        %run_scoped3A = tpu.sem_alloc : memref<!tpu.dma_semaphore, #tpu.memory_space<semaphore_mem>>
        %dma_start3A = arith.constant 0 : i32
        %dma_start3A_52 = arith.constant 0 : i32
        %dma_start3A_53 = tpu.memref_slice %arg13[%dma_start3A, %dma_start3A_52] : memref<32x128xf32, #tpu.memory_space<vmem>> -> memref<16x128xf32, #tpu.memory_space<vmem>>
        %dma_start3A_54 = arith.constant 9984 : i32
        %dma_start3A_55 = arith.constant 0 : i32
        %dma_start3A_56 = tpu.memref_slice %arg14[%dma_start3A_54, %dma_start3A_55] : memref<10000x128xf32, #tpu.memory_space<vmem_shared>> -> memref<16x128xf32, #tpu.memory_space<vmem_shared>>
        %dma_start3A_57 = arith.constant 0 : i32
        %dma_start3A_58 = arith.constant 0 : i32
        %dma_start3A_59 = tpu.memref_slice %arg13[%dma_start3A_57, %dma_start3A_58] : memref<32x128xf32, #tpu.memory_space<vmem>> -> memref<16x128xf32, #tpu.memory_space<vmem>>
        %dma_start3A_60 = arith.constant 9984 : i32
        %dma_start3A_61 = arith.constant 0 : i32
        %dma_start3A_62 = tpu.memref_slice %arg14[%dma_start3A_60, %dma_start3A_61] : memref<10000x128xf32, #tpu.memory_space<vmem_shared>> -> memref<16x128xf32, #tpu.memory_space<vmem_shared>>
        tpu.enqueue_dma source(%dma_start3A_62 : memref<16x128xf32, #tpu.memory_space<vmem_shared>>) target(%dma_start3A_59 : memref<16x128xf32, #tpu.memory_space<vmem>>) target_semaphore(%run_scoped3A : memref<!tpu.dma_semaphore, #tpu.memory_space<semaphore_mem>>)
        %dma_wait3A = arith.constant 0 : i32
        %dma_wait3A_63 = arith.constant 0 : i32
        %dma_wait3A_64 = tpu.memref_slice %arg13[%dma_wait3A, %dma_wait3A_63] : memref<32x128xf32, #tpu.memory_space<vmem>> -> memref<16x128xf32, #tpu.memory_space<vmem>>
        %dma_wait3A_65 = arith.constant 9984 : i32
        %dma_wait3A_66 = arith.constant 0 : i32
        %dma_wait3A_67 = tpu.memref_slice %arg14[%dma_wait3A_65, %dma_wait3A_66] : memref<10000x128xf32, #tpu.memory_space<vmem_shared>> -> memref<16x128xf32, #tpu.memory_space<vmem_shared>>
        %dma_wait3A_68 = arith.constant 0 : i32
        %dma_wait3A_69 = arith.constant 0 : i32
        %dma_wait3A_70 = tpu.memref_slice %arg13[%dma_wait3A_68, %dma_wait3A_69] : memref<32x128xf32, #tpu.memory_space<vmem>> -> memref<16x128xf32, #tpu.memory_space<vmem>>
        %dma_wait3A_71 = arith.constant 9984 : i32
        %dma_wait3A_72 = arith.constant 0 : i32
        %dma_wait3A_73 = tpu.memref_slice %arg14[%dma_wait3A_71, %dma_wait3A_72] : memref<10000x128xf32, #tpu.memory_space<vmem_shared>> -> memref<16x128xf32, #tpu.memory_space<vmem_shared>>
        tpu.wait_dma2 semaphore(%run_scoped3A : memref<!tpu.dma_semaphore, #tpu.memory_space<semaphore_mem>>) src(%dma_wait3A_73 : memref<16x128xf32, #tpu.memory_space<vmem_shared>>) dst(%dma_wait3A_70 : memref<16x128xf32, #tpu.memory_space<vmem>>)
        tpu.yield
      }) : () -> ()
      %mul3A_48 = arith.constant 10000 : i32
      %mul3A_49 = arith.muli %arg0, %mul3A_48 : i32
      %add3A_50 = arith.constant 9984 : i32
      %add3A_51 = arith.addi %mul3A_49, %add3A_50 : i32
      "tpu.region"() ({
        %run_scoped3A = tpu.sem_alloc : memref<!tpu.dma_semaphore, #tpu.memory_space<semaphore_mem>>
        %dma_start3A = arith.constant 0 : i32
        %dma_start3A_52 = arith.constant 0 : i32
        %dma_start3A_53 = tpu.memref_slice %arg13[%dma_start3A, %dma_start3A_52] : memref<32x128xf32, #tpu.memory_space<vmem>> -> memref<16x128xf32, #tpu.memory_space<vmem>>
        %dma_start3A_54 = arith.constant 0 : i32
        %dma_start3A_55 = tpu.memref_slice %arg4[%add3A_51, %dma_start3A_54] : memref<20000x128xf32, #tpu.memory_space<hbm>> -> memref<16x128xf32, #tpu.memory_space<hbm>>
        %dma_start3A_56 = arith.constant 0 : i32
        %dma_start3A_57 = tpu.memref_slice %arg4[%add3A_51, %dma_start3A_56] : memref<20000x128xf32, #tpu.memory_space<hbm>> -> memref<16x128xf32, #tpu.memory_space<hbm>>
        %dma_start3A_58 = arith.constant 0 : i32
        %dma_start3A_59 = arith.constant 0 : i32
        %dma_start3A_60 = tpu.memref_slice %arg13[%dma_start3A_58, %dma_start3A_59] : memref<32x128xf32, #tpu.memory_space<vmem>> -> memref<16x128xf32, #tpu.memory_space<vmem>>
        tpu.enqueue_dma source(%dma_start3A_60 : memref<16x128xf32, #tpu.memory_space<vmem>>) target(%dma_start3A_57 : memref<16x128xf32, #tpu.memory_space<hbm>>) target_semaphore(%run_scoped3A : memref<!tpu.dma_semaphore, #tpu.memory_space<semaphore_mem>>)
        %dma_wait3A = arith.constant 0 : i32
        %dma_wait3A_61 = arith.constant 0 : i32
        %dma_wait3A_62 = tpu.memref_slice %arg13[%dma_wait3A, %dma_wait3A_61] : memref<32x128xf32, #tpu.memory_space<vmem>> -> memref<16x128xf32, #tpu.memory_space<vmem>>
        %dma_wait3A_63 = arith.constant 0 : i32
        %dma_wait3A_64 = tpu.memref_slice %arg4[%add3A_51, %dma_wait3A_63] : memref<20000x128xf32, #tpu.memory_space<hbm>> -> memref<16x128xf32, #tpu.memory_space<hbm>>
        %dma_wait3A_65 = arith.constant 0 : i32
        %dma_wait3A_66 = tpu.memref_slice %arg4[%add3A_51, %dma_wait3A_65] : memref<20000x128xf32, #tpu.memory_space<hbm>> -> memref<16x128xf32, #tpu.memory_space<hbm>>
        %dma_wait3A_67 = arith.constant 0 : i32
        %dma_wait3A_68 = arith.constant 0 : i32
        %dma_wait3A_69 = tpu.memref_slice %arg13[%dma_wait3A_67, %dma_wait3A_68] : memref<32x128xf32, #tpu.memory_space<vmem>> -> memref<16x128xf32, #tpu.memory_space<vmem>>
        tpu.wait_dma2 semaphore(%run_scoped3A : memref<!tpu.dma_semaphore, #tpu.memory_space<semaphore_mem>>) src(%dma_wait3A_69 : memref<16x128xf32, #tpu.memory_space<vmem>>) dst(%dma_wait3A_66 : memref<16x128xf32, #tpu.memory_space<hbm>>)
        tpu.yield
      }) : () -> ()
    } else {
    }
    return
  }
}

#map = affine_map<(d0, d1) -> (0, 0)>
#map1 = affine_map<(d0, d1) -> (0)>
module attributes {stable_mosaic.version = 14 : i64} {
  func.func @_deg_body(%arg0: i32, %arg1: i32, %arg2: memref<128x128xf32, #tpu.memory_space<hbm>>, %arg3: memref<640000xi32, #tpu.memory_space<hbm>>, %arg4: memref<20000x128xf32, #tpu.memory_space<hbm>>, %arg5: memref<128xi32, #tpu.memory_space<vmem>>, %arg6: memref<128xi32, #tpu.memory_space<vmem>>, %arg7: memref<128x128xf32, #tpu.memory_space<vmem>>, %arg8: memref<10000x128xf32, #tpu.memory_space<vmem_shared>>, %arg9: memref<!tpu.dma_semaphore, #tpu.memory_space<semaphore_mem>>, %arg10: memref<!tpu.dma_semaphore, #tpu.memory_space<semaphore_mem>>) attributes {dimension_semantics = [#tpu.dimension_semantics<core_parallel>, #tpu.dimension_semantics<subcore_parallel>], iteration_bounds = array<i64: 2, 16>, scalar_prefetch = 0 : i64, scratch_operands = 6 : i64, tpu.core_type = #tpu.core_type<sc_vector_subcore>, window_params = [{transform_indices = #map}, {transform_indices = #map1}, {transform_indices = #map}]} {
    %scan3A = arith.constant 0 : i32
    %scan3A_0 = arith.constant 0 : i32
    %scan3A_1 = arith.constant 1024 : i32
    %scan3A_2 = arith.addi %scan3A_0, %scan3A_1 : i32
    %scan3A_3 = arith.constant 1 : i32
    %scan3A_4 = scf.for %scan3A_40 = %scan3A_0 to %scan3A_2 step %scan3A_3 iter_args(%scan3A_41 = %scan3A) -> (i32)  : i32 {
      %broadcast_in_dim3A = arith.constant 0.000000e+00 : f32
      %broadcast_in_dim3A_42 = vector.broadcast %broadcast_in_dim3A : f32 to vector<16xf32>
      %jit3A = arith.constant 8 : i32
      %div3A = arith.divsi %scan3A_40, %jit3A : i32
      %sign3A = arith.constant 0 : i32
      %sign3A_43 = arith.cmpi sgt, %scan3A_40, %sign3A : i32
      %sign3A_44 = arith.extui %sign3A_43 : i1 to i32
      %sign3A_45 = arith.constant 0 : i32
      %sign3A_46 = arith.cmpi slt, %scan3A_40, %sign3A_45 : i32
      %sign3A_47 = arith.extui %sign3A_46 : i1 to i32
      %sign3A_48 = arith.subi %sign3A_44, %sign3A_47 : i32
      %sign3A_49 = arith.constant 0 : i32
      %sign3A_50 = arith.cmpi sgt, %jit3A, %sign3A_49 : i32
      %sign3A_51 = arith.extui %sign3A_50 : i1 to i32
      %sign3A_52 = arith.constant 0 : i32
      %sign3A_53 = arith.cmpi slt, %jit3A, %sign3A_52 : i32
      %sign3A_54 = arith.extui %sign3A_53 : i1 to i32
      %sign3A_55 = arith.subi %sign3A_51, %sign3A_54 : i32
      %ne3A = arith.cmpi ne, %sign3A_48, %sign3A_55 : i32
      %rem3A = arith.remsi %scan3A_40, %jit3A : i32
      %ne3A_56 = arith.constant 0 : i32
      %ne3A_57 = arith.cmpi ne, %rem3A, %ne3A_56 : i32
      %and3A = arith.andi %ne3A, %ne3A_57 : i1
      %sub3A = arith.constant 1 : i32
      %sub3A_58 = arith.subi %div3A, %sub3A : i32
      %select_n3A = arith.select %and3A, %sub3A_58, %div3A : i32
      %jit3A_59 = arith.constant 8 : i32
      %eq3A_60 = arith.constant 0 : i32
      %eq3A_61 = arith.cmpi eq, %jit3A_59, %eq3A_60 : i32
      %jit3A_62 = arith.constant 1 : i32
      %select_n3A_63 = arith.select %eq3A_61, %jit3A_62, %jit3A_59 : i32
      %rem3A_64 = arith.remsi %scan3A_40, %select_n3A_63 : i32
      %ne3A_65 = arith.constant 0 : i32
      %ne3A_66 = arith.cmpi ne, %rem3A_64, %ne3A_65 : i32
      %lt3A_67 = arith.constant 0 : i32
      %lt3A_68 = arith.cmpi slt, %rem3A_64, %lt3A_67 : i32
      %lt3A_69 = arith.constant 0 : i32
      %lt3A_70 = arith.cmpi slt, %select_n3A_63, %lt3A_69 : i32
      %ne3A_71 = arith.xori %lt3A_68, %lt3A_70 : i1
      %and3A_72 = arith.andi %ne3A_71, %ne3A_66 : i1
      %add3A_73 = arith.addi %rem3A_64, %select_n3A_63 : i32
      %select_n3A_74 = arith.select %and3A_72, %add3A_73, %rem3A_64 : i32
      %mul3A_75 = arith.constant 16 : i32
      %mul3A_76 = arith.muli %select_n3A_74, %mul3A_75 : i32
      %swap3A = arith.index_cast %select_n3A : i32 to index
      %swap3A_77 = arith.index_cast %mul3A_76 : i32 to index
      %swap3A_78 = tpu.vector_load %arg7[%swap3A, %swap3A_77] {strides = array<i32>} : memref<128x128xf32, #tpu.memory_space<vmem>>, vector<1x16xf32>,
      %swap3A_79 = vector.shape_cast %swap3A_78 : vector<1x16xf32> to vector<16xf32>
      %swap3A_80 = vector.shape_cast %broadcast_in_dim3A_42 : vector<16xf32> to vector<1x16xf32>
      tpu.vector_store %arg7[%swap3A, %swap3A_77], %swap3A_80 {strides = array<i32>} : memref<128x128xf32, #tpu.memory_space<vmem>>, vector<1x16xf32>,
      %scan3A_81 = arith.constant 0 : i32
      scf.yield %scan3A_81 : i32
    }
    %scan3A_5 = arith.constant 1024 : i32
    %scan3A_6 = arith.constant 0 : i32
    %scan3A_7 = arith.constant 0 : i32
    %scan3A_8 = arith.constant 6 : i32
    %scan3A_9 = arith.addi %scan3A_7, %scan3A_8 : i32
    %scan3A_10 = arith.constant 1 : i32
    %scan3A_11 = scf.for %scan3A_40 = %scan3A_7 to %scan3A_9 step %scan3A_10 iter_args(%scan3A_41 = %scan3A_6) -> (i32)  : i32 {
      %mul3A_42 = arith.constant 624 : i32
      %mul3A_43 = arith.muli %arg1, %mul3A_42 : i32
      %mul3A_44 = arith.constant 104 : i32
      %mul3A_45 = arith.muli %scan3A_40, %mul3A_44 : i32
      %add3A_46 = arith.addi %mul3A_43, %mul3A_45 : i32
      "tpu.region"() ({
        %run_scoped3A = tpu.sem_alloc : memref<!tpu.dma_semaphore, #tpu.memory_space<semaphore_mem>>
        %dma_start3A = arith.constant 0 : i32
        %dma_start3A_48 = arith.constant 0 : i32
        %dma_start3A_49 = tpu.memref_slice %arg7[%dma_start3A, %dma_start3A_48] : memref<128x128xf32, #tpu.memory_space<vmem>> -> memref<104x128xf32, #tpu.memory_space<vmem>>
        %dma_start3A_50 = arith.constant 0 : i32
        %dma_start3A_51 = tpu.memref_slice %arg8[%add3A_46, %dma_start3A_50] : memref<10000x128xf32, #tpu.memory_space<vmem_shared>> -> memref<104x128xf32, #tpu.memory_space<vmem_shared>>
        %dma_start3A_52 = arith.constant 0 : i32
        %dma_start3A_53 = tpu.memref_slice %arg8[%add3A_46, %dma_start3A_52] : memref<10000x128xf32, #tpu.memory_space<vmem_shared>> -> memref<104x128xf32, #tpu.memory_space<vmem_shared>>
        %dma_start3A_54 = arith.constant 0 : i32
        %dma_start3A_55 = arith.constant 0 : i32
        %dma_start3A_56 = tpu.memref_slice %arg7[%dma_start3A_54, %dma_start3A_55] : memref<128x128xf32, #tpu.memory_space<vmem>> -> memref<104x128xf32, #tpu.memory_space<vmem>>
        tpu.enqueue_dma source(%dma_start3A_56 : memref<104x128xf32, #tpu.memory_space<vmem>>) target(%dma_start3A_53 : memref<104x128xf32, #tpu.memory_space<vmem_shared>>) target_semaphore(%run_scoped3A : memref<!tpu.dma_semaphore, #tpu.memory_space<semaphore_mem>>)
        %dma_wait3A = arith.constant 0 : i32
        %dma_wait3A_57 = arith.constant 0 : i32
        %dma_wait3A_58 = tpu.memref_slice %arg7[%dma_wait3A, %dma_wait3A_57] : memref<128x128xf32, #tpu.memory_space<vmem>> -> memref<104x128xf32, #tpu.memory_space<vmem>>
        %dma_wait3A_59 = arith.constant 0 : i32
        %dma_wait3A_60 = tpu.memref_slice %arg8[%add3A_46, %dma_wait3A_59] : memref<10000x128xf32, #tpu.memory_space<vmem_shared>> -> memref<104x128xf32, #tpu.memory_space<vmem_shared>>
        %dma_wait3A_61 = arith.constant 0 : i32
        %dma_wait3A_62 = tpu.memref_slice %arg8[%add3A_46, %dma_wait3A_61] : memref<10000x128xf32, #tpu.memory_space<vmem_shared>> -> memref<104x128xf32, #tpu.memory_space<vmem_shared>>
        %dma_wait3A_63 = arith.constant 0 : i32
        %dma_wait3A_64 = arith.constant 0 : i32
        %dma_wait3A_65 = tpu.memref_slice %arg7[%dma_wait3A_63, %dma_wait3A_64] : memref<128x128xf32, #tpu.memory_space<vmem>> -> memref<104x128xf32, #tpu.memory_space<vmem>>
        tpu.wait_dma2 semaphore(%run_scoped3A : memref<!tpu.dma_semaphore, #tpu.memory_space<semaphore_mem>>) src(%dma_wait3A_65 : memref<104x128xf32, #tpu.memory_space<vmem>>) dst(%dma_wait3A_62 : memref<104x128xf32, #tpu.memory_space<vmem_shared>>)
        tpu.yield
      }) : () -> ()
      %scan3A_47 = arith.constant 0 : i32
      scf.yield %scan3A_47 : i32
    }
    %scan3A_12 = arith.constant 6 : i32
    %eq3A = arith.constant 0 : i32
    %eq3A_13 = arith.cmpi eq, %arg1, %eq3A : i32
    %convert_element_type3A = arith.extui %eq3A_13 : i1 to i32
    %cond3A = arith.constant 0 : i32
    %cond3A_14 = arith.cmpi ne, %convert_element_type3A, %cond3A : i32
    scf.if %cond3A_14 {
      "tpu.region"() ({
        %run_scoped3A = tpu.sem_alloc : memref<!tpu.dma_semaphore, #tpu.memory_space<semaphore_mem>>
        %dma_start3A = arith.constant 0 : i32
        %dma_start3A_40 = arith.constant 0 : i32
        %dma_start3A_41 = tpu.memref_slice %arg7[%dma_start3A, %dma_start3A_40] : memref<128x128xf32, #tpu.memory_space<vmem>> -> memref<16x128xf32, #tpu.memory_space<vmem>>
        %dma_start3A_42 = arith.constant 9984 : i32
        %dma_start3A_43 = arith.constant 0 : i32
        %dma_start3A_44 = tpu.memref_slice %arg8[%dma_start3A_42, %dma_start3A_43] : memref<10000x128xf32, #tpu.memory_space<vmem_shared>> -> memref<16x128xf32, #tpu.memory_space<vmem_shared>>
        %dma_start3A_45 = arith.constant 9984 : i32
        %dma_start3A_46 = arith.constant 0 : i32
        %dma_start3A_47 = tpu.memref_slice %arg8[%dma_start3A_45, %dma_start3A_46] : memref<10000x128xf32, #tpu.memory_space<vmem_shared>> -> memref<16x128xf32, #tpu.memory_space<vmem_shared>>
        %dma_start3A_48 = arith.constant 0 : i32
        %dma_start3A_49 = arith.constant 0 : i32
        %dma_start3A_50 = tpu.memref_slice %arg7[%dma_start3A_48, %dma_start3A_49] : memref<128x128xf32, #tpu.memory_space<vmem>> -> memref<16x128xf32, #tpu.memory_space<vmem>>
        tpu.enqueue_dma source(%dma_start3A_50 : memref<16x128xf32, #tpu.memory_space<vmem>>) target(%dma_start3A_47 : memref<16x128xf32, #tpu.memory_space<vmem_shared>>) target_semaphore(%run_scoped3A : memref<!tpu.dma_semaphore, #tpu.memory_space<semaphore_mem>>)
        %dma_wait3A = arith.constant 0 : i32
        %dma_wait3A_51 = arith.constant 0 : i32
        %dma_wait3A_52 = tpu.memref_slice %arg7[%dma_wait3A, %dma_wait3A_51] : memref<128x128xf32, #tpu.memory_space<vmem>> -> memref<16x128xf32, #tpu.memory_space<vmem>>
        %dma_wait3A_53 = arith.constant 9984 : i32
        %dma_wait3A_54 = arith.constant 0 : i32
        %dma_wait3A_55 = tpu.memref_slice %arg8[%dma_wait3A_53, %dma_wait3A_54] : memref<10000x128xf32, #tpu.memory_space<vmem_shared>> -> memref<16x128xf32, #tpu.memory_space<vmem_shared>>
        %dma_wait3A_56 = arith.constant 9984 : i32
        %dma_wait3A_57 = arith.constant 0 : i32
        %dma_wait3A_58 = tpu.memref_slice %arg8[%dma_wait3A_56, %dma_wait3A_57] : memref<10000x128xf32, #tpu.memory_space<vmem_shared>> -> memref<16x128xf32, #tpu.memory_space<vmem_shared>>
        %dma_wait3A_59 = arith.constant 0 : i32
        %dma_wait3A_60 = arith.constant 0 : i32
        %dma_wait3A_61 = tpu.memref_slice %arg7[%dma_wait3A_59, %dma_wait3A_60] : memref<128x128xf32, #tpu.memory_space<vmem>> -> memref<16x128xf32, #tpu.memory_space<vmem>>
        tpu.wait_dma2 semaphore(%run_scoped3A : memref<!tpu.dma_semaphore, #tpu.memory_space<semaphore_mem>>) src(%dma_wait3A_61 : memref<16x128xf32, #tpu.memory_space<vmem>>) dst(%dma_wait3A_58 : memref<16x128xf32, #tpu.memory_space<vmem_shared>>)
        tpu.yield
      }) : () -> ()
    } else {
    }
    %barrier3A = arith.constant 0 : index
    tpu.barrier barrier_id(%barrier3A)
    "tpu.region"() ({
      %run_scoped3A = tpu.sem_alloc : memref<!tpu.dma_semaphore, #tpu.memory_space<semaphore_mem>>
      %dma_start3A = arith.constant 0 : i32
      %dma_start3A_40 = arith.constant 0 : i32
      %dma_start3A_41 = tpu.memref_slice %arg2[%dma_start3A, %dma_start3A_40] : memref<128x128xf32, #tpu.memory_space<hbm>> -> memref<128x128xf32, #tpu.memory_space<hbm>>
      %dma_start3A_42 = arith.constant 0 : i32
      %dma_start3A_43 = arith.constant 0 : i32
      %dma_start3A_44 = tpu.memref_slice %arg2[%dma_start3A_42, %dma_start3A_43] : memref<128x128xf32, #tpu.memory_space<hbm>> -> memref<128x128xf32, #tpu.memory_space<hbm>>
      tpu.enqueue_dma source(%dma_start3A_44 : memref<128x128xf32, #tpu.memory_space<hbm>>) target(%arg7 : memref<128x128xf32, #tpu.memory_space<vmem>>) target_semaphore(%run_scoped3A : memref<!tpu.dma_semaphore, #tpu.memory_space<semaphore_mem>>)
      %dma_wait3A = arith.constant 0 : i32
      %dma_wait3A_45 = arith.constant 0 : i32
      %dma_wait3A_46 = tpu.memref_slice %arg2[%dma_wait3A, %dma_wait3A_45] : memref<128x128xf32, #tpu.memory_space<hbm>> -> memref<128x128xf32, #tpu.memory_space<hbm>>
      %dma_wait3A_47 = arith.constant 0 : i32
      %dma_wait3A_48 = arith.constant 0 : i32
      %dma_wait3A_49 = tpu.memref_slice %arg2[%dma_wait3A_47, %dma_wait3A_48] : memref<128x128xf32, #tpu.memory_space<hbm>> -> memref<128x128xf32, #tpu.memory_space<hbm>>
      tpu.wait_dma2 semaphore(%run_scoped3A : memref<!tpu.dma_semaphore, #tpu.memory_space<semaphore_mem>>) src(%dma_wait3A_49 : memref<128x128xf32, #tpu.memory_space<hbm>>) dst(%arg7 : memref<128x128xf32, #tpu.memory_space<vmem>>)
      tpu.yield
    }) : () -> ()
    %mul3A = arith.constant 16 : i32
    %mul3A_15 = arith.muli %arg0, %mul3A : i32
    %add3A = arith.addi %mul3A_15, %arg1 : i32
    %scan3A_16 = arith.constant 0 : i32
    %scan3A_17 = arith.constant 0 : i32
    %scan3A_18 = arith.constant 39 : i32
    %scan3A_19 = arith.addi %scan3A_17, %scan3A_18 : i32
    %scan3A_20 = arith.constant 1 : i32
    %scan3A_21 = scf.for %scan3A_40 = %scan3A_17 to %scan3A_19 step %scan3A_20 iter_args(%scan3A_41 = %scan3A_16) -> (i32)  : i32 {
      %mul3A_42 = arith.constant 2 : i32
      %mul3A_43 = arith.muli %mul3A_42, %scan3A_40 : i32
      %mul3A_44 = arith.constant 32 : i32
      %mul3A_45 = arith.muli %mul3A_43, %mul3A_44 : i32
      %add3A_46 = arith.addi %mul3A_45, %add3A : i32
      %mul3A_47 = arith.constant 128 : i32
      %mul3A_48 = arith.muli %add3A_46, %mul3A_47 : i32
      %mul3A_49 = arith.constant 2 : i32
      %mul3A_50 = arith.muli %mul3A_49, %scan3A_40 : i32
      %add3A_51 = arith.constant 1 : i32
      %add3A_52 = arith.addi %mul3A_50, %add3A_51 : i32
      %mul3A_53 = arith.constant 32 : i32
      %mul3A_54 = arith.muli %add3A_52, %mul3A_53 : i32
      %add3A_55 = arith.addi %mul3A_54, %add3A : i32
      %mul3A_56 = arith.constant 128 : i32
      %mul3A_57 = arith.muli %add3A_55, %mul3A_56 : i32
      %add3A_58 = arith.constant 320000 : i32
      %add3A_59 = arith.addi %add3A_58, %mul3A_48 : i32
      "tpu.region"() ({
        %run_scoped3A = tpu.sem_alloc : memref<!tpu.dma_semaphore, #tpu.memory_space<semaphore_mem>>
        %dma_start3A_73 = tpu.memref_slice %arg3[%add3A_59] : memref<640000xi32, #tpu.memory_space<hbm>> -> memref<128xi32, #tpu.memory_space<hbm>>
        %dma_start3A_74 = tpu.memref_slice %arg3[%add3A_59] : memref<640000xi32, #tpu.memory_space<hbm>> -> memref<128xi32, #tpu.memory_space<hbm>>
        tpu.enqueue_dma source(%dma_start3A_74 : memref<128xi32, #tpu.memory_space<hbm>>) target(%arg5 : memref<128xi32, #tpu.memory_space<vmem>>) target_semaphore(%run_scoped3A : memref<!tpu.dma_semaphore, #tpu.memory_space<semaphore_mem>>)
        %dma_wait3A_75 = tpu.memref_slice %arg3[%add3A_59] : memref<640000xi32, #tpu.memory_space<hbm>> -> memref<128xi32, #tpu.memory_space<hbm>>
        %dma_wait3A_76 = tpu.memref_slice %arg3[%add3A_59] : memref<640000xi32, #tpu.memory_space<hbm>> -> memref<128xi32, #tpu.memory_space<hbm>>
        tpu.wait_dma2 semaphore(%run_scoped3A : memref<!tpu.dma_semaphore, #tpu.memory_space<semaphore_mem>>) src(%dma_wait3A_76 : memref<128xi32, #tpu.memory_space<hbm>>) dst(%arg5 : memref<128xi32, #tpu.memory_space<vmem>>)
        tpu.yield
      }) : () -> ()
      %dma_start3A = arith.constant 0 : i32
      %dma_start3A_60 = arith.constant 0 : i32
      %dma_start3A_61 = tpu.memref_slice %arg8[%dma_start3A, %dma_start3A_60] : memref<10000x128xf32, #tpu.memory_space<vmem_shared>> -> memref<10000x128xf32, #tpu.memory_space<vmem_shared>>
      tpu.enqueue_indirect_dma source(%arg7 : memref<128x128xf32, #tpu.memory_space<vmem>>) target(%dma_start3A_61 : memref<10000x128xf32, #tpu.memory_space<vmem_shared>>) offsets(%arg5 : memref<128xi32, #tpu.memory_space<vmem>>) semaphore(%arg9 : memref<!tpu.dma_semaphore, #tpu.memory_space<semaphore_mem>>) {add = true}
      %add3A_62 = arith.constant 320000 : i32
      %add3A_63 = arith.addi %add3A_62, %mul3A_57 : i32
      "tpu.region"() ({
        %run_scoped3A = tpu.sem_alloc : memref<!tpu.dma_semaphore, #tpu.memory_space<semaphore_mem>>
        %dma_start3A_73 = tpu.memref_slice %arg3[%add3A_63] : memref<640000xi32, #tpu.memory_space<hbm>> -> memref<128xi32, #tpu.memory_space<hbm>>
        %dma_start3A_74 = tpu.memref_slice %arg3[%add3A_63] : memref<640000xi32, #tpu.memory_space<hbm>> -> memref<128xi32, #tpu.memory_space<hbm>>
        tpu.enqueue_dma source(%dma_start3A_74 : memref<128xi32, #tpu.memory_space<hbm>>) target(%arg6 : memref<128xi32, #tpu.memory_space<vmem>>) target_semaphore(%run_scoped3A : memref<!tpu.dma_semaphore, #tpu.memory_space<semaphore_mem>>)
        %dma_wait3A_75 = tpu.memref_slice %arg3[%add3A_63] : memref<640000xi32, #tpu.memory_space<hbm>> -> memref<128xi32, #tpu.memory_space<hbm>>
        %dma_wait3A_76 = tpu.memref_slice %arg3[%add3A_63] : memref<640000xi32, #tpu.memory_space<hbm>> -> memref<128xi32, #tpu.memory_space<hbm>>
        tpu.wait_dma2 semaphore(%run_scoped3A : memref<!tpu.dma_semaphore, #tpu.memory_space<semaphore_mem>>) src(%dma_wait3A_76 : memref<128xi32, #tpu.memory_space<hbm>>) dst(%arg6 : memref<128xi32, #tpu.memory_space<vmem>>)
        tpu.yield
      }) : () -> ()
      %dma_start3A_64 = arith.constant 0 : i32
      %dma_start3A_65 = arith.constant 0 : i32
      %dma_start3A_66 = tpu.memref_slice %arg8[%dma_start3A_64, %dma_start3A_65] : memref<10000x128xf32, #tpu.memory_space<vmem_shared>> -> memref<10000x128xf32, #tpu.memory_space<vmem_shared>>
      tpu.enqueue_indirect_dma source(%arg7 : memref<128x128xf32, #tpu.memory_space<vmem>>) target(%dma_start3A_66 : memref<10000x128xf32, #tpu.memory_space<vmem_shared>>) offsets(%arg6 : memref<128xi32, #tpu.memory_space<vmem>>) semaphore(%arg10 : memref<!tpu.dma_semaphore, #tpu.memory_space<semaphore_mem>>) {add = true}
      %dma_wait3A = arith.constant 0 : i32
      %dma_wait3A_67 = arith.constant 0 : i32
      %dma_wait3A_68 = tpu.memref_slice %arg8[%dma_wait3A, %dma_wait3A_67] : memref<10000x128xf32, #tpu.memory_space<vmem_shared>> -> memref<10000x128xf32, #tpu.memory_space<vmem_shared>>
      tpu.wait_indirect_dma semaphore(%arg9 : memref<!tpu.dma_semaphore, #tpu.memory_space<semaphore_mem>>) src(%arg7 : memref<128x128xf32, #tpu.memory_space<vmem>>) dst(%dma_wait3A_68 : memref<10000x128xf32, #tpu.memory_space<vmem_shared>>)
      %dma_wait3A_69 = arith.constant 0 : i32
      %dma_wait3A_70 = arith.constant 0 : i32
      %dma_wait3A_71 = tpu.memref_slice %arg8[%dma_wait3A_69, %dma_wait3A_70] : memref<10000x128xf32, #tpu.memory_space<vmem_shared>> -> memref<10000x128xf32, #tpu.memory_space<vmem_shared>>
      tpu.wait_indirect_dma semaphore(%arg10 : memref<!tpu.dma_semaphore, #tpu.memory_space<semaphore_mem>>) src(%arg7 : memref<128x128xf32, #tpu.memory_space<vmem>>) dst(%dma_wait3A_71 : memref<10000x128xf32, #tpu.memory_space<vmem_shared>>)
      %scan3A_72 = arith.constant 0 : i32
      scf.yield %scan3A_72 : i32
    }
    %scan3A_22 = arith.constant 39 : i32
    %lt3A = arith.constant 4 : i32
    %lt3A_23 = arith.cmpi slt, %add3A, %lt3A : i32
    %convert_element_type3A_24 = arith.extui %lt3A_23 : i1 to i32
    %cond3A_25 = arith.constant 0 : i32
    %cond3A_26 = arith.cmpi ne, %convert_element_type3A_24, %cond3A_25 : i32
    scf.if %cond3A_26 {
      %add3A_40 = arith.constant 2496 : i32
      %add3A_41 = arith.addi %add3A_40, %add3A : i32
      %mul3A_42 = arith.constant 128 : i32
      %mul3A_43 = arith.muli %add3A_41, %mul3A_42 : i32
      %add3A_44 = arith.constant 320000 : i32
      %add3A_45 = arith.addi %add3A_44, %mul3A_43 : i32
      "tpu.region"() ({
        %run_scoped3A = tpu.sem_alloc : memref<!tpu.dma_semaphore, #tpu.memory_space<semaphore_mem>>
        %dma_start3A = tpu.memref_slice %arg3[%add3A_45] : memref<640000xi32, #tpu.memory_space<hbm>> -> memref<128xi32, #tpu.memory_space<hbm>>
        %dma_start3A_46 = tpu.memref_slice %arg3[%add3A_45] : memref<640000xi32, #tpu.memory_space<hbm>> -> memref<128xi32, #tpu.memory_space<hbm>>
        tpu.enqueue_dma source(%dma_start3A_46 : memref<128xi32, #tpu.memory_space<hbm>>) target(%arg5 : memref<128xi32, #tpu.memory_space<vmem>>) target_semaphore(%run_scoped3A : memref<!tpu.dma_semaphore, #tpu.memory_space<semaphore_mem>>)
        %dma_wait3A = tpu.memref_slice %arg3[%add3A_45] : memref<640000xi32, #tpu.memory_space<hbm>> -> memref<128xi32, #tpu.memory_space<hbm>>
        %dma_wait3A_47 = tpu.memref_slice %arg3[%add3A_45] : memref<640000xi32, #tpu.memory_space<hbm>> -> memref<128xi32, #tpu.memory_space<hbm>>
        tpu.wait_dma2 semaphore(%run_scoped3A : memref<!tpu.dma_semaphore, #tpu.memory_space<semaphore_mem>>) src(%dma_wait3A_47 : memref<128xi32, #tpu.memory_space<hbm>>) dst(%arg5 : memref<128xi32, #tpu.memory_space<vmem>>)
        tpu.yield
      }) : () -> ()
      "tpu.region"() ({
        %run_scoped3A = tpu.sem_alloc : memref<!tpu.dma_semaphore, #tpu.memory_space<semaphore_mem>>
        %dma_start3A = arith.constant 0 : i32
        %dma_start3A_46 = arith.constant 0 : i32
        %dma_start3A_47 = tpu.memref_slice %arg8[%dma_start3A, %dma_start3A_46] : memref<10000x128xf32, #tpu.memory_space<vmem_shared>> -> memref<10000x128xf32, #tpu.memory_space<vmem_shared>>
        tpu.enqueue_indirect_dma source(%arg7 : memref<128x128xf32, #tpu.memory_space<vmem>>) target(%dma_start3A_47 : memref<10000x128xf32, #tpu.memory_space<vmem_shared>>) offsets(%arg5 : memref<128xi32, #tpu.memory_space<vmem>>) semaphore(%run_scoped3A : memref<!tpu.dma_semaphore, #tpu.memory_space<semaphore_mem>>) {add = true}
        %dma_wait3A = arith.constant 0 : i32
        %dma_wait3A_48 = arith.constant 0 : i32
        %dma_wait3A_49 = tpu.memref_slice %arg8[%dma_wait3A, %dma_wait3A_48] : memref<10000x128xf32, #tpu.memory_space<vmem_shared>> -> memref<10000x128xf32, #tpu.memory_space<vmem_shared>>
        tpu.wait_indirect_dma semaphore(%run_scoped3A : memref<!tpu.dma_semaphore, #tpu.memory_space<semaphore_mem>>) src(%arg7 : memref<128x128xf32, #tpu.memory_space<vmem>>) dst(%dma_wait3A_49 : memref<10000x128xf32, #tpu.memory_space<vmem_shared>>)
        tpu.yield
      }) : () -> ()
    } else {
    }
    %barrier3A_27 = arith.constant 0 : index
    tpu.barrier barrier_id(%barrier3A_27)
    %scan3A_28 = arith.constant 0 : i32
    %scan3A_29 = arith.constant 0 : i32
    %scan3A_30 = arith.constant 6 : i32
    %scan3A_31 = arith.addi %scan3A_29, %scan3A_30 : i32
    %scan3A_32 = arith.constant 1 : i32
    %scan3A_33 = scf.for %scan3A_40 = %scan3A_29 to %scan3A_31 step %scan3A_32 iter_args(%scan3A_41 = %scan3A_28) -> (i32)  : i32 {
      %mul3A_42 = arith.constant 624 : i32
      %mul3A_43 = arith.muli %arg1, %mul3A_42 : i32
      %mul3A_44 = arith.constant 104 : i32
      %mul3A_45 = arith.muli %scan3A_40, %mul3A_44 : i32
      %add3A_46 = arith.addi %mul3A_43, %mul3A_45 : i32
      "tpu.region"() ({
        %run_scoped3A = tpu.sem_alloc : memref<!tpu.dma_semaphore, #tpu.memory_space<semaphore_mem>>
        %dma_start3A = arith.constant 0 : i32
        %dma_start3A_56 = arith.constant 0 : i32
        %dma_start3A_57 = tpu.memref_slice %arg7[%dma_start3A, %dma_start3A_56] : memref<128x128xf32, #tpu.memory_space<vmem>> -> memref<104x128xf32, #tpu.memory_space<vmem>>
        %dma_start3A_58 = arith.constant 0 : i32
        %dma_start3A_59 = tpu.memref_slice %arg8[%add3A_46, %dma_start3A_58] : memref<10000x128xf32, #tpu.memory_space<vmem_shared>> -> memref<104x128xf32, #tpu.memory_space<vmem_shared>>
        %dma_start3A_60 = arith.constant 0 : i32
        %dma_start3A_61 = arith.constant 0 : i32
        %dma_start3A_62 = tpu.memref_slice %arg7[%dma_start3A_60, %dma_start3A_61] : memref<128x128xf32, #tpu.memory_space<vmem>> -> memref<104x128xf32, #tpu.memory_space<vmem>>
        %dma_start3A_63 = arith.constant 0 : i32
        %dma_start3A_64 = tpu.memref_slice %arg8[%add3A_46, %dma_start3A_63] : memref<10000x128xf32, #tpu.memory_space<vmem_shared>> -> memref<104x128xf32, #tpu.memory_space<vmem_shared>>
        tpu.enqueue_dma source(%dma_start3A_64 : memref<104x128xf32, #tpu.memory_space<vmem_shared>>) target(%dma_start3A_62 : memref<104x128xf32, #tpu.memory_space<vmem>>) target_semaphore(%run_scoped3A : memref<!tpu.dma_semaphore, #tpu.memory_space<semaphore_mem>>)
        %dma_wait3A = arith.constant 0 : i32
        %dma_wait3A_65 = arith.constant 0 : i32
        %dma_wait3A_66 = tpu.memref_slice %arg7[%dma_wait3A, %dma_wait3A_65] : memref<128x128xf32, #tpu.memory_space<vmem>> -> memref<104x128xf32, #tpu.memory_space<vmem>>
        %dma_wait3A_67 = arith.constant 0 : i32
        %dma_wait3A_68 = tpu.memref_slice %arg8[%add3A_46, %dma_wait3A_67] : memref<10000x128xf32, #tpu.memory_space<vmem_shared>> -> memref<104x128xf32, #tpu.memory_space<vmem_shared>>
        %dma_wait3A_69 = arith.constant 0 : i32
        %dma_wait3A_70 = arith.constant 0 : i32
        %dma_wait3A_71 = tpu.memref_slice %arg7[%dma_wait3A_69, %dma_wait3A_70] : memref<128x128xf32, #tpu.memory_space<vmem>> -> memref<104x128xf32, #tpu.memory_space<vmem>>
        %dma_wait3A_72 = arith.constant 0 : i32
        %dma_wait3A_73 = tpu.memref_slice %arg8[%add3A_46, %dma_wait3A_72] : memref<10000x128xf32, #tpu.memory_space<vmem_shared>> -> memref<104x128xf32, #tpu.memory_space<vmem_shared>>
        tpu.wait_dma2 semaphore(%run_scoped3A : memref<!tpu.dma_semaphore, #tpu.memory_space<semaphore_mem>>) src(%dma_wait3A_73 : memref<104x128xf32, #tpu.memory_space<vmem_shared>>) dst(%dma_wait3A_71 : memref<104x128xf32, #tpu.memory_space<vmem>>)
        tpu.yield
      }) : () -> ()
      %mul3A_47 = arith.constant 10000 : i32
      %mul3A_48 = arith.muli %arg0, %mul3A_47 : i32
      %mul3A_49 = arith.constant 624 : i32
      %mul3A_50 = arith.muli %arg1, %mul3A_49 : i32
      %add3A_51 = arith.addi %mul3A_48, %mul3A_50 : i32
      %mul3A_52 = arith.constant 104 : i32
      %mul3A_53 = arith.muli %scan3A_40, %mul3A_52 : i32
      %add3A_54 = arith.addi %add3A_51, %mul3A_53 : i32
      "tpu.region"() ({
        %run_scoped3A = tpu.sem_alloc : memref<!tpu.dma_semaphore, #tpu.memory_space<semaphore_mem>>
        %dma_start3A = arith.constant 0 : i32
        %dma_start3A_56 = arith.constant 0 : i32
        %dma_start3A_57 = tpu.memref_slice %arg7[%dma_start3A, %dma_start3A_56] : memref<128x128xf32, #tpu.memory_space<vmem>> -> memref<104x128xf32, #tpu.memory_space<vmem>>
        %dma_start3A_58 = arith.constant 0 : i32
        %dma_start3A_59 = tpu.memref_slice %arg4[%add3A_54, %dma_start3A_58] : memref<20000x128xf32, #tpu.memory_space<hbm>> -> memref<104x128xf32, #tpu.memory_space<hbm>>
        %dma_start3A_60 = arith.constant 0 : i32
        %dma_start3A_61 = tpu.memref_slice %arg4[%add3A_54, %dma_start3A_60] : memref<20000x128xf32, #tpu.memory_space<hbm>> -> memref<104x128xf32, #tpu.memory_space<hbm>>
        %dma_start3A_62 = arith.constant 0 : i32
        %dma_start3A_63 = arith.constant 0 : i32
        %dma_start3A_64 = tpu.memref_slice %arg7[%dma_start3A_62, %dma_start3A_63] : memref<128x128xf32, #tpu.memory_space<vmem>> -> memref<104x128xf32, #tpu.memory_space<vmem>>
        tpu.enqueue_dma source(%dma_start3A_64 : memref<104x128xf32, #tpu.memory_space<vmem>>) target(%dma_start3A_61 : memref<104x128xf32, #tpu.memory_space<hbm>>) target_semaphore(%run_scoped3A : memref<!tpu.dma_semaphore, #tpu.memory_space<semaphore_mem>>)
        %dma_wait3A = arith.constant 0 : i32
        %dma_wait3A_65 = arith.constant 0 : i32
        %dma_wait3A_66 = tpu.memref_slice %arg7[%dma_wait3A, %dma_wait3A_65] : memref<128x128xf32, #tpu.memory_space<vmem>> -> memref<104x128xf32, #tpu.memory_space<vmem>>
        %dma_wait3A_67 = arith.constant 0 : i32
        %dma_wait3A_68 = tpu.memref_slice %arg4[%add3A_54, %dma_wait3A_67] : memref<20000x128xf32, #tpu.memory_space<hbm>> -> memref<104x128xf32, #tpu.memory_space<hbm>>
        %dma_wait3A_69 = arith.constant 0 : i32
        %dma_wait3A_70 = tpu.memref_slice %arg4[%add3A_54, %dma_wait3A_69] : memref<20000x128xf32, #tpu.memory_space<hbm>> -> memref<104x128xf32, #tpu.memory_space<hbm>>
        %dma_wait3A_71 = arith.constant 0 : i32
        %dma_wait3A_72 = arith.constant 0 : i32
        %dma_wait3A_73 = tpu.memref_slice %arg7[%dma_wait3A_71, %dma_wait3A_72] : memref<128x128xf32, #tpu.memory_space<vmem>> -> memref<104x128xf32, #tpu.memory_space<vmem>>
        tpu.wait_dma2 semaphore(%run_scoped3A : memref<!tpu.dma_semaphore, #tpu.memory_space<semaphore_mem>>) src(%dma_wait3A_73 : memref<104x128xf32, #tpu.memory_space<vmem>>) dst(%dma_wait3A_70 : memref<104x128xf32, #tpu.memory_space<hbm>>)
        tpu.yield
      }) : () -> ()
      %scan3A_55 = arith.constant 0 : i32
      scf.yield %scan3A_55 : i32
    }
    %scan3A_34 = arith.constant 6 : i32
    %eq3A_35 = arith.constant 0 : i32
    %eq3A_36 = arith.cmpi eq, %arg1, %eq3A_35 : i32
    %convert_element_type3A_37 = arith.extui %eq3A_36 : i1 to i32
    %cond3A_38 = arith.constant 0 : i32
    %cond3A_39 = arith.cmpi ne, %convert_element_type3A_37, %cond3A_38 : i32
    scf.if %cond3A_39 {
      "tpu.region"() ({
        %run_scoped3A = tpu.sem_alloc : memref<!tpu.dma_semaphore, #tpu.memory_space<semaphore_mem>>
        %dma_start3A = arith.constant 0 : i32
        %dma_start3A_44 = arith.constant 0 : i32
        %dma_start3A_45 = tpu.memref_slice %arg7[%dma_start3A, %dma_start3A_44] : memref<128x128xf32, #tpu.memory_space<vmem>> -> memref<16x128xf32, #tpu.memory_space<vmem>>
        %dma_start3A_46 = arith.constant 9984 : i32
        %dma_start3A_47 = arith.constant 0 : i32
        %dma_start3A_48 = tpu.memref_slice %arg8[%dma_start3A_46, %dma_start3A_47] : memref<10000x128xf32, #tpu.memory_space<vmem_shared>> -> memref<16x128xf32, #tpu.memory_space<vmem_shared>>
        %dma_start3A_49 = arith.constant 0 : i32
        %dma_start3A_50 = arith.constant 0 : i32
        %dma_start3A_51 = tpu.memref_slice %arg7[%dma_start3A_49, %dma_start3A_50] : memref<128x128xf32, #tpu.memory_space<vmem>> -> memref<16x128xf32, #tpu.memory_space<vmem>>
        %dma_start3A_52 = arith.constant 9984 : i32
        %dma_start3A_53 = arith.constant 0 : i32
        %dma_start3A_54 = tpu.memref_slice %arg8[%dma_start3A_52, %dma_start3A_53] : memref<10000x128xf32, #tpu.memory_space<vmem_shared>> -> memref<16x128xf32, #tpu.memory_space<vmem_shared>>
        tpu.enqueue_dma source(%dma_start3A_54 : memref<16x128xf32, #tpu.memory_space<vmem_shared>>) target(%dma_start3A_51 : memref<16x128xf32, #tpu.memory_space<vmem>>) target_semaphore(%run_scoped3A : memref<!tpu.dma_semaphore, #tpu.memory_space<semaphore_mem>>)
        %dma_wait3A = arith.constant 0 : i32
        %dma_wait3A_55 = arith.constant 0 : i32
        %dma_wait3A_56 = tpu.memref_slice %arg7[%dma_wait3A, %dma_wait3A_55] : memref<128x128xf32, #tpu.memory_space<vmem>> -> memref<16x128xf32, #tpu.memory_space<vmem>>
        %dma_wait3A_57 = arith.constant 9984 : i32
        %dma_wait3A_58 = arith.constant 0 : i32
        %dma_wait3A_59 = tpu.memref_slice %arg8[%dma_wait3A_57, %dma_wait3A_58] : memref<10000x128xf32, #tpu.memory_space<vmem_shared>> -> memref<16x128xf32, #tpu.memory_space<vmem_shared>>
        %dma_wait3A_60 = arith.constant 0 : i32
        %dma_wait3A_61 = arith.constant 0 : i32
        %dma_wait3A_62 = tpu.memref_slice %arg7[%dma_wait3A_60, %dma_wait3A_61] : memref<128x128xf32, #tpu.memory_space<vmem>> -> memref<16x128xf32, #tpu.memory_space<vmem>>
        %dma_wait3A_63 = arith.constant 9984 : i32
        %dma_wait3A_64 = arith.constant 0 : i32
        %dma_wait3A_65 = tpu.memref_slice %arg8[%dma_wait3A_63, %dma_wait3A_64] : memref<10000x128xf32, #tpu.memory_space<vmem_shared>> -> memref<16x128xf32, #tpu.memory_space<vmem_shared>>
        tpu.wait_dma2 semaphore(%run_scoped3A : memref<!tpu.dma_semaphore, #tpu.memory_space<semaphore_mem>>) src(%dma_wait3A_65 : memref<16x128xf32, #tpu.memory_space<vmem_shared>>) dst(%dma_wait3A_62 : memref<16x128xf32, #tpu.memory_space<vmem>>)
        tpu.yield
      }) : () -> ()
      %mul3A_40 = arith.constant 10000 : i32
      %mul3A_41 = arith.muli %arg0, %mul3A_40 : i32
      %add3A_42 = arith.constant 9984 : i32
      %add3A_43 = arith.addi %mul3A_41, %add3A_42 : i32
      "tpu.region"() ({
        %run_scoped3A = tpu.sem_alloc : memref<!tpu.dma_semaphore, #tpu.memory_space<semaphore_mem>>
        %dma_start3A = arith.constant 0 : i32
        %dma_start3A_44 = arith.constant 0 : i32
        %dma_start3A_45 = tpu.memref_slice %arg7[%dma_start3A, %dma_start3A_44] : memref<128x128xf32, #tpu.memory_space<vmem>> -> memref<16x128xf32, #tpu.memory_space<vmem>>
        %dma_start3A_46 = arith.constant 0 : i32
        %dma_start3A_47 = tpu.memref_slice %arg4[%add3A_43, %dma_start3A_46] : memref<20000x128xf32, #tpu.memory_space<hbm>> -> memref<16x128xf32, #tpu.memory_space<hbm>>
        %dma_start3A_48 = arith.constant 0 : i32
        %dma_start3A_49 = tpu.memref_slice %arg4[%add3A_43, %dma_start3A_48] : memref<20000x128xf32, #tpu.memory_space<hbm>> -> memref<16x128xf32, #tpu.memory_space<hbm>>
        %dma_start3A_50 = arith.constant 0 : i32
        %dma_start3A_51 = arith.constant 0 : i32
        %dma_start3A_52 = tpu.memref_slice %arg7[%dma_start3A_50, %dma_start3A_51] : memref<128x128xf32, #tpu.memory_space<vmem>> -> memref<16x128xf32, #tpu.memory_space<vmem>>
        tpu.enqueue_dma source(%dma_start3A_52 : memref<16x128xf32, #tpu.memory_space<vmem>>) target(%dma_start3A_49 : memref<16x128xf32, #tpu.memory_space<hbm>>) target_semaphore(%run_scoped3A : memref<!tpu.dma_semaphore, #tpu.memory_space<semaphore_mem>>)
        %dma_wait3A = arith.constant 0 : i32
        %dma_wait3A_53 = arith.constant 0 : i32
        %dma_wait3A_54 = tpu.memref_slice %arg7[%dma_wait3A, %dma_wait3A_53] : memref<128x128xf32, #tpu.memory_space<vmem>> -> memref<16x128xf32, #tpu.memory_space<vmem>>
        %dma_wait3A_55 = arith.constant 0 : i32
        %dma_wait3A_56 = tpu.memref_slice %arg4[%add3A_43, %dma_wait3A_55] : memref<20000x128xf32, #tpu.memory_space<hbm>> -> memref<16x128xf32, #tpu.memory_space<hbm>>
        %dma_wait3A_57 = arith.constant 0 : i32
        %dma_wait3A_58 = tpu.memref_slice %arg4[%add3A_43, %dma_wait3A_57] : memref<20000x128xf32, #tpu.memory_space<hbm>> -> memref<16x128xf32, #tpu.memory_space<hbm>>
        %dma_wait3A_59 = arith.constant 0 : i32
        %dma_wait3A_60 = arith.constant 0 : i32
        %dma_wait3A_61 = tpu.memref_slice %arg7[%dma_wait3A_59, %dma_wait3A_60] : memref<128x128xf32, #tpu.memory_space<vmem>> -> memref<16x128xf32, #tpu.memory_space<vmem>>
        tpu.wait_dma2 semaphore(%run_scoped3A : memref<!tpu.dma_semaphore, #tpu.memory_space<semaphore_mem>>) src(%dma_wait3A_61 : memref<16x128xf32, #tpu.memory_space<vmem>>) dst(%dma_wait3A_58 : memref<16x128xf32, #tpu.memory_space<hbm>>)
        tpu.yield
      }) : () -> ()
    } else {
    }
    return
  }
}

#map = affine_map<(d0, d1) -> (0, 0)>
#map1 = affine_map<(d0, d1) -> (0)>
module attributes {stable_mosaic.version = 14 : i64} {
  func.func @_spmm_body(%arg0: i32, %arg1: i32, %arg2: memref<20000x128xf32, #tpu.memory_space<hbm>>, %arg3: memref<640000xi32, #tpu.memory_space<hbm>>, %arg4: memref<20000x128xf32, #tpu.memory_space<hbm>>, %arg5: memref<128xi32, #tpu.memory_space<vmem>>, %arg6: memref<128xi32, #tpu.memory_space<vmem>>, %arg7: memref<128xi32, #tpu.memory_space<vmem>>, %arg8: memref<128xi32, #tpu.memory_space<vmem>>, %arg9: memref<128x128xf32, #tpu.memory_space<vmem>>, %arg10: memref<128x128xf32, #tpu.memory_space<vmem>>, %arg11: memref<32xi32, #tpu.memory_space<vmem>>, %arg12: memref<32xi32, #tpu.memory_space<vmem>>, %arg13: memref<32x128xf32, #tpu.memory_space<vmem>>, %arg14: memref<10000x128xf32, #tpu.memory_space<vmem_shared>>, %arg15: memref<!tpu.dma_semaphore, #tpu.memory_space<semaphore_mem>>, %arg16: memref<!tpu.dma_semaphore, #tpu.memory_space<semaphore_mem>>, %arg17: memref<!tpu.dma_semaphore, #tpu.memory_space<semaphore_mem>>, %arg18: memref<!tpu.dma_semaphore, #tpu.memory_space<semaphore_mem>>) attributes {dimension_semantics = [#tpu.dimension_semantics<core_parallel>, #tpu.dimension_semantics<subcore_parallel>], iteration_bounds = array<i64: 2, 16>, scalar_prefetch = 0 : i64, scratch_operands = 14 : i64, tpu.core_type = #tpu.core_type<sc_vector_subcore>, window_params = [{transform_indices = #map}, {transform_indices = #map1}, {transform_indices = #map}]} {
    %scan3A = arith.constant 0 : i32
    %scan3A_0 = arith.constant 0 : i32
    %scan3A_1 = arith.constant 1024 : i32
    %scan3A_2 = arith.addi %scan3A_0, %scan3A_1 : i32
    %scan3A_3 = arith.constant 1 : i32
    %scan3A_4 = scf.for %scan3A_48 = %scan3A_0 to %scan3A_2 step %scan3A_3 iter_args(%scan3A_49 = %scan3A) -> (i32)  : i32 {
      %broadcast_in_dim3A = arith.constant 0.000000e+00 : f32
      %broadcast_in_dim3A_50 = vector.broadcast %broadcast_in_dim3A : f32 to vector<16xf32>
      %jit3A = arith.constant 8 : i32
      %div3A = arith.divsi %scan3A_48, %jit3A : i32
      %sign3A = arith.constant 0 : i32
      %sign3A_51 = arith.cmpi sgt, %scan3A_48, %sign3A : i32
      %sign3A_52 = arith.extui %sign3A_51 : i1 to i32
      %sign3A_53 = arith.constant 0 : i32
      %sign3A_54 = arith.cmpi slt, %scan3A_48, %sign3A_53 : i32
      %sign3A_55 = arith.extui %sign3A_54 : i1 to i32
      %sign3A_56 = arith.subi %sign3A_52, %sign3A_55 : i32
      %sign3A_57 = arith.constant 0 : i32
      %sign3A_58 = arith.cmpi sgt, %jit3A, %sign3A_57 : i32
      %sign3A_59 = arith.extui %sign3A_58 : i1 to i32
      %sign3A_60 = arith.constant 0 : i32
      %sign3A_61 = arith.cmpi slt, %jit3A, %sign3A_60 : i32
      %sign3A_62 = arith.extui %sign3A_61 : i1 to i32
      %sign3A_63 = arith.subi %sign3A_59, %sign3A_62 : i32
      %ne3A = arith.cmpi ne, %sign3A_56, %sign3A_63 : i32
      %rem3A = arith.remsi %scan3A_48, %jit3A : i32
      %ne3A_64 = arith.constant 0 : i32
      %ne3A_65 = arith.cmpi ne, %rem3A, %ne3A_64 : i32
      %and3A = arith.andi %ne3A, %ne3A_65 : i1
      %sub3A = arith.constant 1 : i32
      %sub3A_66 = arith.subi %div3A, %sub3A : i32
      %select_n3A = arith.select %and3A, %sub3A_66, %div3A : i32
      %jit3A_67 = arith.constant 8 : i32
      %eq3A_68 = arith.constant 0 : i32
      %eq3A_69 = arith.cmpi eq, %jit3A_67, %eq3A_68 : i32
      %jit3A_70 = arith.constant 1 : i32
      %select_n3A_71 = arith.select %eq3A_69, %jit3A_70, %jit3A_67 : i32
      %rem3A_72 = arith.remsi %scan3A_48, %select_n3A_71 : i32
      %ne3A_73 = arith.constant 0 : i32
      %ne3A_74 = arith.cmpi ne, %rem3A_72, %ne3A_73 : i32
      %lt3A = arith.constant 0 : i32
      %lt3A_75 = arith.cmpi slt, %rem3A_72, %lt3A : i32
      %lt3A_76 = arith.constant 0 : i32
      %lt3A_77 = arith.cmpi slt, %select_n3A_71, %lt3A_76 : i32
      %ne3A_78 = arith.xori %lt3A_75, %lt3A_77 : i1
      %and3A_79 = arith.andi %ne3A_78, %ne3A_74 : i1
      %add3A_80 = arith.addi %rem3A_72, %select_n3A_71 : i32
      %select_n3A_81 = arith.select %and3A_79, %add3A_80, %rem3A_72 : i32
      %mul3A_82 = arith.constant 16 : i32
      %mul3A_83 = arith.muli %select_n3A_81, %mul3A_82 : i32
      %swap3A = arith.index_cast %select_n3A : i32 to index
      %swap3A_84 = arith.index_cast %mul3A_83 : i32 to index
      %swap3A_85 = tpu.vector_load %arg9[%swap3A, %swap3A_84] {strides = array<i32>} : memref<128x128xf32, #tpu.memory_space<vmem>>, vector<1x16xf32>,
      %swap3A_86 = vector.shape_cast %swap3A_85 : vector<1x16xf32> to vector<16xf32>
      %swap3A_87 = vector.shape_cast %broadcast_in_dim3A_50 : vector<16xf32> to vector<1x16xf32>
      tpu.vector_store %arg9[%swap3A, %swap3A_84], %swap3A_87 {strides = array<i32>} : memref<128x128xf32, #tpu.memory_space<vmem>>, vector<1x16xf32>,
      %scan3A_88 = arith.constant 0 : i32
      scf.yield %scan3A_88 : i32
    }
    %scan3A_5 = arith.constant 1024 : i32
    %scan3A_6 = arith.constant 0 : i32
    %scan3A_7 = arith.constant 0 : i32
    %scan3A_8 = arith.constant 6 : i32
    %scan3A_9 = arith.addi %scan3A_7, %scan3A_8 : i32
    %scan3A_10 = arith.constant 1 : i32
    %scan3A_11 = scf.for %scan3A_48 = %scan3A_7 to %scan3A_9 step %scan3A_10 iter_args(%scan3A_49 = %scan3A_6) -> (i32)  : i32 {
      %mul3A_50 = arith.constant 624 : i32
      %mul3A_51 = arith.muli %arg1, %mul3A_50 : i32
      %mul3A_52 = arith.constant 104 : i32
      %mul3A_53 = arith.muli %scan3A_48, %mul3A_52 : i32
      %add3A_54 = arith.addi %mul3A_51, %mul3A_53 : i32
      "tpu.region"() ({
        %run_scoped3A = tpu.sem_alloc : memref<!tpu.dma_semaphore, #tpu.memory_space<semaphore_mem>>
        %dma_start3A = arith.constant 0 : i32
        %dma_start3A_56 = arith.constant 0 : i32
        %dma_start3A_57 = tpu.memref_slice %arg9[%dma_start3A, %dma_start3A_56] : memref<128x128xf32, #tpu.memory_space<vmem>> -> memref<104x128xf32, #tpu.memory_space<vmem>>
        %dma_start3A_58 = arith.constant 0 : i32
        %dma_start3A_59 = tpu.memref_slice %arg14[%add3A_54, %dma_start3A_58] : memref<10000x128xf32, #tpu.memory_space<vmem_shared>> -> memref<104x128xf32, #tpu.memory_space<vmem_shared>>
        %dma_start3A_60 = arith.constant 0 : i32
        %dma_start3A_61 = tpu.memref_slice %arg14[%add3A_54, %dma_start3A_60] : memref<10000x128xf32, #tpu.memory_space<vmem_shared>> -> memref<104x128xf32, #tpu.memory_space<vmem_shared>>
        %dma_start3A_62 = arith.constant 0 : i32
        %dma_start3A_63 = arith.constant 0 : i32
        %dma_start3A_64 = tpu.memref_slice %arg9[%dma_start3A_62, %dma_start3A_63] : memref<128x128xf32, #tpu.memory_space<vmem>> -> memref<104x128xf32, #tpu.memory_space<vmem>>
        tpu.enqueue_dma source(%dma_start3A_64 : memref<104x128xf32, #tpu.memory_space<vmem>>) target(%dma_start3A_61 : memref<104x128xf32, #tpu.memory_space<vmem_shared>>) target_semaphore(%run_scoped3A : memref<!tpu.dma_semaphore, #tpu.memory_space<semaphore_mem>>)
        %dma_wait3A = arith.constant 0 : i32
        %dma_wait3A_65 = arith.constant 0 : i32
        %dma_wait3A_66 = tpu.memref_slice %arg9[%dma_wait3A, %dma_wait3A_65] : memref<128x128xf32, #tpu.memory_space<vmem>> -> memref<104x128xf32, #tpu.memory_space<vmem>>
        %dma_wait3A_67 = arith.constant 0 : i32
        %dma_wait3A_68 = tpu.memref_slice %arg14[%add3A_54, %dma_wait3A_67] : memref<10000x128xf32, #tpu.memory_space<vmem_shared>> -> memref<104x128xf32, #tpu.memory_space<vmem_shared>>
        %dma_wait3A_69 = arith.constant 0 : i32
        %dma_wait3A_70 = tpu.memref_slice %arg14[%add3A_54, %dma_wait3A_69] : memref<10000x128xf32, #tpu.memory_space<vmem_shared>> -> memref<104x128xf32, #tpu.memory_space<vmem_shared>>
        %dma_wait3A_71 = arith.constant 0 : i32
        %dma_wait3A_72 = arith.constant 0 : i32
        %dma_wait3A_73 = tpu.memref_slice %arg9[%dma_wait3A_71, %dma_wait3A_72] : memref<128x128xf32, #tpu.memory_space<vmem>> -> memref<104x128xf32, #tpu.memory_space<vmem>>
        tpu.wait_dma2 semaphore(%run_scoped3A : memref<!tpu.dma_semaphore, #tpu.memory_space<semaphore_mem>>) src(%dma_wait3A_73 : memref<104x128xf32, #tpu.memory_space<vmem>>) dst(%dma_wait3A_70 : memref<104x128xf32, #tpu.memory_space<vmem_shared>>)
        tpu.yield
      }) : () -> ()
      %scan3A_55 = arith.constant 0 : i32
      scf.yield %scan3A_55 : i32
    }
    %scan3A_12 = arith.constant 6 : i32
    %eq3A = arith.constant 0 : i32
    %eq3A_13 = arith.cmpi eq, %arg1, %eq3A : i32
    %convert_element_type3A = arith.extui %eq3A_13 : i1 to i32
    %cond3A = arith.constant 0 : i32
    %cond3A_14 = arith.cmpi ne, %convert_element_type3A, %cond3A : i32
    scf.if %cond3A_14 {
      "tpu.region"() ({
        %run_scoped3A = tpu.sem_alloc : memref<!tpu.dma_semaphore, #tpu.memory_space<semaphore_mem>>
        %dma_start3A = arith.constant 0 : i32
        %dma_start3A_48 = arith.constant 0 : i32
        %dma_start3A_49 = tpu.memref_slice %arg9[%dma_start3A, %dma_start3A_48] : memref<128x128xf32, #tpu.memory_space<vmem>> -> memref<16x128xf32, #tpu.memory_space<vmem>>
        %dma_start3A_50 = arith.constant 9984 : i32
        %dma_start3A_51 = arith.constant 0 : i32
        %dma_start3A_52 = tpu.memref_slice %arg14[%dma_start3A_50, %dma_start3A_51] : memref<10000x128xf32, #tpu.memory_space<vmem_shared>> -> memref<16x128xf32, #tpu.memory_space<vmem_shared>>
        %dma_start3A_53 = arith.constant 9984 : i32
        %dma_start3A_54 = arith.constant 0 : i32
        %dma_start3A_55 = tpu.memref_slice %arg14[%dma_start3A_53, %dma_start3A_54] : memref<10000x128xf32, #tpu.memory_space<vmem_shared>> -> memref<16x128xf32, #tpu.memory_space<vmem_shared>>
        %dma_start3A_56 = arith.constant 0 : i32
        %dma_start3A_57 = arith.constant 0 : i32
        %dma_start3A_58 = tpu.memref_slice %arg9[%dma_start3A_56, %dma_start3A_57] : memref<128x128xf32, #tpu.memory_space<vmem>> -> memref<16x128xf32, #tpu.memory_space<vmem>>
        tpu.enqueue_dma source(%dma_start3A_58 : memref<16x128xf32, #tpu.memory_space<vmem>>) target(%dma_start3A_55 : memref<16x128xf32, #tpu.memory_space<vmem_shared>>) target_semaphore(%run_scoped3A : memref<!tpu.dma_semaphore, #tpu.memory_space<semaphore_mem>>)
        %dma_wait3A = arith.constant 0 : i32
        %dma_wait3A_59 = arith.constant 0 : i32
        %dma_wait3A_60 = tpu.memref_slice %arg9[%dma_wait3A, %dma_wait3A_59] : memref<128x128xf32, #tpu.memory_space<vmem>> -> memref<16x128xf32, #tpu.memory_space<vmem>>
        %dma_wait3A_61 = arith.constant 9984 : i32
        %dma_wait3A_62 = arith.constant 0 : i32
        %dma_wait3A_63 = tpu.memref_slice %arg14[%dma_wait3A_61, %dma_wait3A_62] : memref<10000x128xf32, #tpu.memory_space<vmem_shared>> -> memref<16x128xf32, #tpu.memory_space<vmem_shared>>
        %dma_wait3A_64 = arith.constant 9984 : i32
        %dma_wait3A_65 = arith.constant 0 : i32
        %dma_wait3A_66 = tpu.memref_slice %arg14[%dma_wait3A_64, %dma_wait3A_65] : memref<10000x128xf32, #tpu.memory_space<vmem_shared>> -> memref<16x128xf32, #tpu.memory_space<vmem_shared>>
        %dma_wait3A_67 = arith.constant 0 : i32
        %dma_wait3A_68 = arith.constant 0 : i32
        %dma_wait3A_69 = tpu.memref_slice %arg9[%dma_wait3A_67, %dma_wait3A_68] : memref<128x128xf32, #tpu.memory_space<vmem>> -> memref<16x128xf32, #tpu.memory_space<vmem>>
        tpu.wait_dma2 semaphore(%run_scoped3A : memref<!tpu.dma_semaphore, #tpu.memory_space<semaphore_mem>>) src(%dma_wait3A_69 : memref<16x128xf32, #tpu.memory_space<vmem>>) dst(%dma_wait3A_66 : memref<16x128xf32, #tpu.memory_space<vmem_shared>>)
        tpu.yield
      }) : () -> ()
    } else {
    }
    %barrier3A = arith.constant 0 : index
    tpu.barrier barrier_id(%barrier3A)
    %mul3A = arith.constant 20000 : i32
    %mul3A_15 = arith.muli %arg1, %mul3A : i32
    %mul3A_16 = arith.constant 10000 : i32
    %mul3A_17 = arith.muli %arg0, %mul3A_16 : i32
    %scan3A_18 = arith.constant 0 : i32
    %scan3A_19 = arith.constant 0 : i32
    %scan3A_20 = arith.constant 78 : i32
    %scan3A_21 = arith.addi %scan3A_19, %scan3A_20 : i32
    %scan3A_22 = arith.constant 1 : i32
    %scan3A_23 = scf.for %scan3A_48 = %scan3A_19 to %scan3A_21 step %scan3A_22 iter_args(%scan3A_49 = %scan3A_18) -> (i32)  : i32 {
      %mul3A_50 = arith.constant 2 : i32
      %mul3A_51 = arith.muli %mul3A_50, %scan3A_48 : i32
      %mul3A_52 = arith.constant 128 : i32
      %mul3A_53 = arith.muli %mul3A_51, %mul3A_52 : i32
      %add3A_54 = arith.addi %mul3A_15, %mul3A_53 : i32
      %add3A_55 = arith.constant 128 : i32
      %add3A_56 = arith.addi %add3A_54, %add3A_55 : i32
      "tpu.region"() ({
        %run_scoped3A = tpu.sem_alloc : memref<!tpu.dma_semaphore, #tpu.memory_space<semaphore_mem>>
        %dma_start3A_98 = tpu.memref_slice %arg3[%add3A_54] : memref<640000xi32, #tpu.memory_space<hbm>> -> memref<128xi32, #tpu.memory_space<hbm>>
        %dma_start3A_99 = tpu.memref_slice %arg3[%add3A_54] : memref<640000xi32, #tpu.memory_space<hbm>> -> memref<128xi32, #tpu.memory_space<hbm>>
        tpu.enqueue_dma source(%dma_start3A_99 : memref<128xi32, #tpu.memory_space<hbm>>) target(%arg5 : memref<128xi32, #tpu.memory_space<vmem>>) target_semaphore(%run_scoped3A : memref<!tpu.dma_semaphore, #tpu.memory_space<semaphore_mem>>)
        %dma_wait3A_100 = tpu.memref_slice %arg3[%add3A_54] : memref<640000xi32, #tpu.memory_space<hbm>> -> memref<128xi32, #tpu.memory_space<hbm>>
        %dma_wait3A_101 = tpu.memref_slice %arg3[%add3A_54] : memref<640000xi32, #tpu.memory_space<hbm>> -> memref<128xi32, #tpu.memory_space<hbm>>
        tpu.wait_dma2 semaphore(%run_scoped3A : memref<!tpu.dma_semaphore, #tpu.memory_space<semaphore_mem>>) src(%dma_wait3A_101 : memref<128xi32, #tpu.memory_space<hbm>>) dst(%arg5 : memref<128xi32, #tpu.memory_space<vmem>>)
        tpu.yield
      }) : () -> ()
      %add3A_57 = arith.constant 320000 : i32
      %add3A_58 = arith.addi %add3A_57, %add3A_54 : i32
      "tpu.region"() ({
        %run_scoped3A = tpu.sem_alloc : memref<!tpu.dma_semaphore, #tpu.memory_space<semaphore_mem>>
        %dma_start3A_98 = tpu.memref_slice %arg3[%add3A_58] : memref<640000xi32, #tpu.memory_space<hbm>> -> memref<128xi32, #tpu.memory_space<hbm>>
        %dma_start3A_99 = tpu.memref_slice %arg3[%add3A_58] : memref<640000xi32, #tpu.memory_space<hbm>> -> memref<128xi32, #tpu.memory_space<hbm>>
        tpu.enqueue_dma source(%dma_start3A_99 : memref<128xi32, #tpu.memory_space<hbm>>) target(%arg6 : memref<128xi32, #tpu.memory_space<vmem>>) target_semaphore(%run_scoped3A : memref<!tpu.dma_semaphore, #tpu.memory_space<semaphore_mem>>)
        %dma_wait3A_100 = tpu.memref_slice %arg3[%add3A_58] : memref<640000xi32, #tpu.memory_space<hbm>> -> memref<128xi32, #tpu.memory_space<hbm>>
        %dma_wait3A_101 = tpu.memref_slice %arg3[%add3A_58] : memref<640000xi32, #tpu.memory_space<hbm>> -> memref<128xi32, #tpu.memory_space<hbm>>
        tpu.wait_dma2 semaphore(%run_scoped3A : memref<!tpu.dma_semaphore, #tpu.memory_space<semaphore_mem>>) src(%dma_wait3A_101 : memref<128xi32, #tpu.memory_space<hbm>>) dst(%arg6 : memref<128xi32, #tpu.memory_space<vmem>>)
        tpu.yield
      }) : () -> ()
      %scan3A_59 = arith.constant 0 : i32
      %scan3A_60 = arith.constant 0 : i32
      %scan3A_61 = arith.constant 8 : i32
      %scan3A_62 = arith.addi %scan3A_60, %scan3A_61 : i32
      %scan3A_63 = arith.constant 1 : i32
      %scan3A_64 = scf.for %scan3A_98 = %scan3A_60 to %scan3A_62 step %scan3A_63 iter_args(%scan3A_99 = %scan3A_59) -> (i32)  : i32 {
        %mul3A_100 = arith.constant 16 : i32
        %mul3A_101 = arith.muli %scan3A_98, %mul3A_100 : i32
        %get3A = arith.index_cast %mul3A_101 : i32 to index
        %get3A_102 = tpu.vector_load %arg5[%get3A] {strides = array<i32>} : memref<128xi32, #tpu.memory_space<vmem>>, vector<16xi32>,
        %get3A_103 = vector.shape_cast %get3A_102 : vector<16xi32> to vector<16xi32>
        %add3A_104 = vector.broadcast %mul3A_17 : i32 to vector<16xi32>
        %add3A_105 = arith.addi %get3A_103, %add3A_104 : vector<16xi32>
        %mul3A_106 = arith.constant 16 : i32
        %mul3A_107 = arith.muli %scan3A_98, %mul3A_106 : i32
        %swap3A = arith.index_cast %mul3A_107 : i32 to index
        %swap3A_108 = tpu.vector_load %arg5[%swap3A] {strides = array<i32>} : memref<128xi32, #tpu.memory_space<vmem>>, vector<16xi32>,
        %swap3A_109 = vector.shape_cast %swap3A_108 : vector<16xi32> to vector<16xi32>
        %swap3A_110 = vector.shape_cast %add3A_105 : vector<16xi32> to vector<16xi32>
        tpu.vector_store %arg5[%swap3A], %swap3A_110 {strides = array<i32>} : memref<128xi32, #tpu.memory_space<vmem>>, vector<16xi32>,
        %scan3A_111 = arith.constant 0 : i32
        scf.yield %scan3A_111 : i32
      }
      %scan3A_65 = arith.constant 8 : i32
      %dma_start3A = arith.constant 0 : i32
      %dma_start3A_66 = arith.constant 0 : i32
      %dma_start3A_67 = tpu.memref_slice %arg2[%dma_start3A, %dma_start3A_66] : memref<20000x128xf32, #tpu.memory_space<hbm>> -> memref<20000x128xf32, #tpu.memory_space<hbm>>
      tpu.enqueue_indirect_dma source(%dma_start3A_67 : memref<20000x128xf32, #tpu.memory_space<hbm>>) target(%arg9 : memref<128x128xf32, #tpu.memory_space<vmem>>) offsets(%arg5 : memref<128xi32, #tpu.memory_space<vmem>>) semaphore(%arg15 : memref<!tpu.dma_semaphore, #tpu.memory_space<semaphore_mem>>)
      "tpu.region"() ({
        %run_scoped3A = tpu.sem_alloc : memref<!tpu.dma_semaphore, #tpu.memory_space<semaphore_mem>>
        %dma_start3A_98 = tpu.memref_slice %arg3[%add3A_56] : memref<640000xi32, #tpu.memory_space<hbm>> -> memref<128xi32, #tpu.memory_space<hbm>>
        %dma_start3A_99 = tpu.memref_slice %arg3[%add3A_56] : memref<640000xi32, #tpu.memory_space<hbm>> -> memref<128xi32, #tpu.memory_space<hbm>>
        tpu.enqueue_dma source(%dma_start3A_99 : memref<128xi32, #tpu.memory_space<hbm>>) target(%arg7 : memref<128xi32, #tpu.memory_space<vmem>>) target_semaphore(%run_scoped3A : memref<!tpu.dma_semaphore, #tpu.memory_space<semaphore_mem>>)
        %dma_wait3A_100 = tpu.memref_slice %arg3[%add3A_56] : memref<640000xi32, #tpu.memory_space<hbm>> -> memref<128xi32, #tpu.memory_space<hbm>>
        %dma_wait3A_101 = tpu.memref_slice %arg3[%add3A_56] : memref<640000xi32, #tpu.memory_space<hbm>> -> memref<128xi32, #tpu.memory_space<hbm>>
        tpu.wait_dma2 semaphore(%run_scoped3A : memref<!tpu.dma_semaphore, #tpu.memory_space<semaphore_mem>>) src(%dma_wait3A_101 : memref<128xi32, #tpu.memory_space<hbm>>) dst(%arg7 : memref<128xi32, #tpu.memory_space<vmem>>)
        tpu.yield
      }) : () -> ()
      %add3A_68 = arith.constant 320000 : i32
      %add3A_69 = arith.addi %add3A_68, %add3A_56 : i32
      "tpu.region"() ({
        %run_scoped3A = tpu.sem_alloc : memref<!tpu.dma_semaphore, #tpu.memory_space<semaphore_mem>>
        %dma_start3A_98 = tpu.memref_slice %arg3[%add3A_69] : memref<640000xi32, #tpu.memory_space<hbm>> -> memref<128xi32, #tpu.memory_space<hbm>>
        %dma_start3A_99 = tpu.memref_slice %arg3[%add3A_69] : memref<640000xi32, #tpu.memory_space<hbm>> -> memref<128xi32, #tpu.memory_space<hbm>>
        tpu.enqueue_dma source(%dma_start3A_99 : memref<128xi32, #tpu.memory_space<hbm>>) target(%arg8 : memref<128xi32, #tpu.memory_space<vmem>>) target_semaphore(%run_scoped3A : memref<!tpu.dma_semaphore, #tpu.memory_space<semaphore_mem>>)
        %dma_wait3A_100 = tpu.memref_slice %arg3[%add3A_69] : memref<640000xi32, #tpu.memory_space<hbm>> -> memref<128xi32, #tpu.memory_space<hbm>>
        %dma_wait3A_101 = tpu.memref_slice %arg3[%add3A_69] : memref<640000xi32, #tpu.memory_space<hbm>> -> memref<128xi32, #tpu.memory_space<hbm>>
        tpu.wait_dma2 semaphore(%run_scoped3A : memref<!tpu.dma_semaphore, #tpu.memory_space<semaphore_mem>>) src(%dma_wait3A_101 : memref<128xi32, #tpu.memory_space<hbm>>) dst(%arg8 : memref<128xi32, #tpu.memory_space<vmem>>)
        tpu.yield
      }) : () -> ()
      %scan3A_70 = arith.constant 0 : i32
      %scan3A_71 = arith.constant 0 : i32
      %scan3A_72 = arith.constant 8 : i32
      %scan3A_73 = arith.addi %scan3A_71, %scan3A_72 : i32
      %scan3A_74 = arith.constant 1 : i32
      %scan3A_75 = scf.for %scan3A_98 = %scan3A_71 to %scan3A_73 step %scan3A_74 iter_args(%scan3A_99 = %scan3A_70) -> (i32)  : i32 {
        %mul3A_100 = arith.constant 16 : i32
        %mul3A_101 = arith.muli %scan3A_98, %mul3A_100 : i32
        %get3A = arith.index_cast %mul3A_101 : i32 to index
        %get3A_102 = tpu.vector_load %arg7[%get3A] {strides = array<i32>} : memref<128xi32, #tpu.memory_space<vmem>>, vector<16xi32>,
        %get3A_103 = vector.shape_cast %get3A_102 : vector<16xi32> to vector<16xi32>
        %add3A_104 = vector.broadcast %mul3A_17 : i32 to vector<16xi32>
        %add3A_105 = arith.addi %get3A_103, %add3A_104 : vector<16xi32>
        %mul3A_106 = arith.constant 16 : i32
        %mul3A_107 = arith.muli %scan3A_98, %mul3A_106 : i32
        %swap3A = arith.index_cast %mul3A_107 : i32 to index
        %swap3A_108 = tpu.vector_load %arg7[%swap3A] {strides = array<i32>} : memref<128xi32, #tpu.memory_space<vmem>>, vector<16xi32>,
        %swap3A_109 = vector.shape_cast %swap3A_108 : vector<16xi32> to vector<16xi32>
        %swap3A_110 = vector.shape_cast %add3A_105 : vector<16xi32> to vector<16xi32>
        tpu.vector_store %arg7[%swap3A], %swap3A_110 {strides = array<i32>} : memref<128xi32, #tpu.memory_space<vmem>>, vector<16xi32>,
        %scan3A_111 = arith.constant 0 : i32
        scf.yield %scan3A_111 : i32
      }
      %scan3A_76 = arith.constant 8 : i32
      %dma_start3A_77 = arith.constant 0 : i32
      %dma_start3A_78 = arith.constant 0 : i32
      %dma_start3A_79 = tpu.memref_slice %arg2[%dma_start3A_77, %dma_start3A_78] : memref<20000x128xf32, #tpu.memory_space<hbm>> -> memref<20000x128xf32, #tpu.memory_space<hbm>>
      tpu.enqueue_indirect_dma source(%dma_start3A_79 : memref<20000x128xf32, #tpu.memory_space<hbm>>) target(%arg10 : memref<128x128xf32, #tpu.memory_space<vmem>>) offsets(%arg7 : memref<128xi32, #tpu.memory_space<vmem>>) semaphore(%arg16 : memref<!tpu.dma_semaphore, #tpu.memory_space<semaphore_mem>>)
      %dma_wait3A = arith.constant 0 : i32
      %dma_wait3A_80 = arith.constant 0 : i32
      %dma_wait3A_81 = tpu.memref_slice %arg2[%dma_wait3A, %dma_wait3A_80] : memref<20000x128xf32, #tpu.memory_space<hbm>> -> memref<20000x128xf32, #tpu.memory_space<hbm>>
      tpu.wait_indirect_dma semaphore(%arg15 : memref<!tpu.dma_semaphore, #tpu.memory_space<semaphore_mem>>) src(%dma_wait3A_81 : memref<20000x128xf32, #tpu.memory_space<hbm>>) dst(%arg9 : memref<128x128xf32, #tpu.memory_space<vmem>>)
      %dma_start3A_82 = arith.constant 0 : i32
      %dma_start3A_83 = arith.constant 0 : i32
      %dma_start3A_84 = tpu.memref_slice %arg14[%dma_start3A_82, %dma_start3A_83] : memref<10000x128xf32, #tpu.memory_space<vmem_shared>> -> memref<10000x128xf32, #tpu.memory_space<vmem_shared>>
      tpu.enqueue_indirect_dma source(%arg9 : memref<128x128xf32, #tpu.memory_space<vmem>>) target(%dma_start3A_84 : memref<10000x128xf32, #tpu.memory_space<vmem_shared>>) offsets(%arg6 : memref<128xi32, #tpu.memory_space<vmem>>) semaphore(%arg17 : memref<!tpu.dma_semaphore, #tpu.memory_space<semaphore_mem>>) {add = true}
      %dma_wait3A_85 = arith.constant 0 : i32
      %dma_wait3A_86 = arith.constant 0 : i32
      %dma_wait3A_87 = tpu.memref_slice %arg2[%dma_wait3A_85, %dma_wait3A_86] : memref<20000x128xf32, #tpu.memory_space<hbm>> -> memref<20000x128xf32, #tpu.memory_space<hbm>>
      tpu.wait_indirect_dma semaphore(%arg16 : memref<!tpu.dma_semaphore, #tpu.memory_space<semaphore_mem>>) src(%dma_wait3A_87 : memref<20000x128xf32, #tpu.memory_space<hbm>>) dst(%arg10 : memref<128x128xf32, #tpu.memory_space<vmem>>)
      %dma_start3A_88 = arith.constant 0 : i32
      %dma_start3A_89 = arith.constant 0 : i32
      %dma_start3A_90 = tpu.memref_slice %arg14[%dma_start3A_88, %dma_start3A_89] : memref<10000x128xf32, #tpu.memory_space<vmem_shared>> -> memref<10000x128xf32, #tpu.memory_space<vmem_shared>>
      tpu.enqueue_indirect_dma source(%arg10 : memref<128x128xf32, #tpu.memory_space<vmem>>) target(%dma_start3A_90 : memref<10000x128xf32, #tpu.memory_space<vmem_shared>>) offsets(%arg8 : memref<128xi32, #tpu.memory_space<vmem>>) semaphore(%arg18 : memref<!tpu.dma_semaphore, #tpu.memory_space<semaphore_mem>>) {add = true}
      %dma_wait3A_91 = arith.constant 0 : i32
      %dma_wait3A_92 = arith.constant 0 : i32
      %dma_wait3A_93 = tpu.memref_slice %arg14[%dma_wait3A_91, %dma_wait3A_92] : memref<10000x128xf32, #tpu.memory_space<vmem_shared>> -> memref<10000x128xf32, #tpu.memory_space<vmem_shared>>
      tpu.wait_indirect_dma semaphore(%arg17 : memref<!tpu.dma_semaphore, #tpu.memory_space<semaphore_mem>>) src(%arg9 : memref<128x128xf32, #tpu.memory_space<vmem>>) dst(%dma_wait3A_93 : memref<10000x128xf32, #tpu.memory_space<vmem_shared>>)
      %dma_wait3A_94 = arith.constant 0 : i32
      %dma_wait3A_95 = arith.constant 0 : i32
      %dma_wait3A_96 = tpu.memref_slice %arg14[%dma_wait3A_94, %dma_wait3A_95] : memref<10000x128xf32, #tpu.memory_space<vmem_shared>> -> memref<10000x128xf32, #tpu.memory_space<vmem_shared>>
      tpu.wait_indirect_dma semaphore(%arg18 : memref<!tpu.dma_semaphore, #tpu.memory_space<semaphore_mem>>) src(%arg10 : memref<128x128xf32, #tpu.memory_space<vmem>>) dst(%dma_wait3A_96 : memref<10000x128xf32, #tpu.memory_space<vmem_shared>>)
      %scan3A_97 = arith.constant 0 : i32
      scf.yield %scan3A_97 : i32
    }
    %scan3A_24 = arith.constant 78 : i32
    %add3A = arith.constant 19968 : i32
    %add3A_25 = arith.addi %mul3A_15, %add3A : i32
    "tpu.region"() ({
      %run_scoped3A = tpu.sem_alloc : memref<!tpu.dma_semaphore, #tpu.memory_space<semaphore_mem>>
      %dma_start3A = tpu.memref_slice %arg3[%add3A_25] : memref<640000xi32, #tpu.memory_space<hbm>> -> memref<32xi32, #tpu.memory_space<hbm>>
      %dma_start3A_48 = tpu.memref_slice %arg3[%add3A_25] : memref<640000xi32, #tpu.memory_space<hbm>> -> memref<32xi32, #tpu.memory_space<hbm>>
      tpu.enqueue_dma source(%dma_start3A_48 : memref<32xi32, #tpu.memory_space<hbm>>) target(%arg11 : memref<32xi32, #tpu.memory_space<vmem>>) target_semaphore(%run_scoped3A : memref<!tpu.dma_semaphore, #tpu.memory_space<semaphore_mem>>)
      %dma_wait3A = tpu.memref_slice %arg3[%add3A_25] : memref<640000xi32, #tpu.memory_space<hbm>> -> memref<32xi32, #tpu.memory_space<hbm>>
      %dma_wait3A_49 = tpu.memref_slice %arg3[%add3A_25] : memref<640000xi32, #tpu.memory_space<hbm>> -> memref<32xi32, #tpu.memory_space<hbm>>
      tpu.wait_dma2 semaphore(%run_scoped3A : memref<!tpu.dma_semaphore, #tpu.memory_space<semaphore_mem>>) src(%dma_wait3A_49 : memref<32xi32, #tpu.memory_space<hbm>>) dst(%arg11 : memref<32xi32, #tpu.memory_space<vmem>>)
      tpu.yield
    }) : () -> ()
    %add3A_26 = arith.constant 320000 : i32
    %add3A_27 = arith.addi %add3A_26, %add3A_25 : i32
    "tpu.region"() ({
      %run_scoped3A = tpu.sem_alloc : memref<!tpu.dma_semaphore, #tpu.memory_space<semaphore_mem>>
      %dma_start3A = tpu.memref_slice %arg3[%add3A_27] : memref<640000xi32, #tpu.memory_space<hbm>> -> memref<32xi32, #tpu.memory_space<hbm>>
      %dma_start3A_48 = tpu.memref_slice %arg3[%add3A_27] : memref<640000xi32, #tpu.memory_space<hbm>> -> memref<32xi32, #tpu.memory_space<hbm>>
      tpu.enqueue_dma source(%dma_start3A_48 : memref<32xi32, #tpu.memory_space<hbm>>) target(%arg12 : memref<32xi32, #tpu.memory_space<vmem>>) target_semaphore(%run_scoped3A : memref<!tpu.dma_semaphore, #tpu.memory_space<semaphore_mem>>)
      %dma_wait3A = tpu.memref_slice %arg3[%add3A_27] : memref<640000xi32, #tpu.memory_space<hbm>> -> memref<32xi32, #tpu.memory_space<hbm>>
      %dma_wait3A_49 = tpu.memref_slice %arg3[%add3A_27] : memref<640000xi32, #tpu.memory_space<hbm>> -> memref<32xi32, #tpu.memory_space<hbm>>
      tpu.wait_dma2 semaphore(%run_scoped3A : memref<!tpu.dma_semaphore, #tpu.memory_space<semaphore_mem>>) src(%dma_wait3A_49 : memref<32xi32, #tpu.memory_space<hbm>>) dst(%arg12 : memref<32xi32, #tpu.memory_space<vmem>>)
      tpu.yield
    }) : () -> ()
    %scan3A_28 = arith.constant 0 : i32
    %scan3A_29 = arith.constant 0 : i32
    %scan3A_30 = arith.constant 2 : i32
    %scan3A_31 = arith.addi %scan3A_29, %scan3A_30 : i32
    %scan3A_32 = arith.constant 1 : i32
    %scan3A_33 = scf.for %scan3A_48 = %scan3A_29 to %scan3A_31 step %scan3A_32 iter_args(%scan3A_49 = %scan3A_28) -> (i32)  : i32 {
      %mul3A_50 = arith.constant 16 : i32
      %mul3A_51 = arith.muli %scan3A_48, %mul3A_50 : i32
      %get3A = arith.index_cast %mul3A_51 : i32 to index
      %get3A_52 = tpu.vector_load %arg11[%get3A] {strides = array<i32>} : memref<32xi32, #tpu.memory_space<vmem>>, vector<16xi32>,
      %get3A_53 = vector.shape_cast %get3A_52 : vector<16xi32> to vector<16xi32>
      %add3A_54 = vector.broadcast %mul3A_17 : i32 to vector<16xi32>
      %add3A_55 = arith.addi %get3A_53, %add3A_54 : vector<16xi32>
      %mul3A_56 = arith.constant 16 : i32
      %mul3A_57 = arith.muli %scan3A_48, %mul3A_56 : i32
      %swap3A = arith.index_cast %mul3A_57 : i32 to index
      %swap3A_58 = tpu.vector_load %arg11[%swap3A] {strides = array<i32>} : memref<32xi32, #tpu.memory_space<vmem>>, vector<16xi32>,
      %swap3A_59 = vector.shape_cast %swap3A_58 : vector<16xi32> to vector<16xi32>
      %swap3A_60 = vector.shape_cast %add3A_55 : vector<16xi32> to vector<16xi32>
      tpu.vector_store %arg11[%swap3A], %swap3A_60 {strides = array<i32>} : memref<32xi32, #tpu.memory_space<vmem>>, vector<16xi32>,
      %scan3A_61 = arith.constant 0 : i32
      scf.yield %scan3A_61 : i32
    }
    %scan3A_34 = arith.constant 2 : i32
    "tpu.region"() ({
      %run_scoped3A = tpu.sem_alloc : memref<!tpu.dma_semaphore, #tpu.memory_space<semaphore_mem>>
      %dma_start3A = arith.constant 0 : i32
      %dma_start3A_48 = arith.constant 0 : i32
      %dma_start3A_49 = tpu.memref_slice %arg2[%dma_start3A, %dma_start3A_48] : memref<20000x128xf32, #tpu.memory_space<hbm>> -> memref<20000x128xf32, #tpu.memory_space<hbm>>
      tpu.enqueue_indirect_dma source(%dma_start3A_49 : memref<20000x128xf32, #tpu.memory_space<hbm>>) target(%arg13 : memref<32x128xf32, #tpu.memory_space<vmem>>) offsets(%arg11 : memref<32xi32, #tpu.memory_space<vmem>>) semaphore(%run_scoped3A : memref<!tpu.dma_semaphore, #tpu.memory_space<semaphore_mem>>)
      %dma_wait3A = arith.constant 0 : i32
      %dma_wait3A_50 = arith.constant 0 : i32
      %dma_wait3A_51 = tpu.memref_slice %arg2[%dma_wait3A, %dma_wait3A_50] : memref<20000x128xf32, #tpu.memory_space<hbm>> -> memref<20000x128xf32, #tpu.memory_space<hbm>>
      tpu.wait_indirect_dma semaphore(%run_scoped3A : memref<!tpu.dma_semaphore, #tpu.memory_space<semaphore_mem>>) src(%dma_wait3A_51 : memref<20000x128xf32, #tpu.memory_space<hbm>>) dst(%arg13 : memref<32x128xf32, #tpu.memory_space<vmem>>)
      tpu.yield
    }) : () -> ()
    "tpu.region"() ({
      %run_scoped3A = tpu.sem_alloc : memref<!tpu.dma_semaphore, #tpu.memory_space<semaphore_mem>>
      %dma_start3A = arith.constant 0 : i32
      %dma_start3A_48 = arith.constant 0 : i32
      %dma_start3A_49 = tpu.memref_slice %arg14[%dma_start3A, %dma_start3A_48] : memref<10000x128xf32, #tpu.memory_space<vmem_shared>> -> memref<10000x128xf32, #tpu.memory_space<vmem_shared>>
      tpu.enqueue_indirect_dma source(%arg13 : memref<32x128xf32, #tpu.memory_space<vmem>>) target(%dma_start3A_49 : memref<10000x128xf32, #tpu.memory_space<vmem_shared>>) offsets(%arg12 : memref<32xi32, #tpu.memory_space<vmem>>) semaphore(%run_scoped3A : memref<!tpu.dma_semaphore, #tpu.memory_space<semaphore_mem>>) {add = true}
      %dma_wait3A = arith.constant 0 : i32
      %dma_wait3A_50 = arith.constant 0 : i32
      %dma_wait3A_51 = tpu.memref_slice %arg14[%dma_wait3A, %dma_wait3A_50] : memref<10000x128xf32, #tpu.memory_space<vmem_shared>> -> memref<10000x128xf32, #tpu.memory_space<vmem_shared>>
      tpu.wait_indirect_dma semaphore(%run_scoped3A : memref<!tpu.dma_semaphore, #tpu.memory_space<semaphore_mem>>) src(%arg13 : memref<32x128xf32, #tpu.memory_space<vmem>>) dst(%dma_wait3A_51 : memref<10000x128xf32, #tpu.memory_space<vmem_shared>>)
      tpu.yield
    }) : () -> ()
    %barrier3A_35 = arith.constant 0 : index
    tpu.barrier barrier_id(%barrier3A_35)
    %scan3A_36 = arith.constant 0 : i32
    %scan3A_37 = arith.constant 0 : i32
    %scan3A_38 = arith.constant 6 : i32
    %scan3A_39 = arith.addi %scan3A_37, %scan3A_38 : i32
    %scan3A_40 = arith.constant 1 : i32
    %scan3A_41 = scf.for %scan3A_48 = %scan3A_37 to %scan3A_39 step %scan3A_40 iter_args(%scan3A_49 = %scan3A_36) -> (i32)  : i32 {
      %mul3A_50 = arith.constant 624 : i32
      %mul3A_51 = arith.muli %arg1, %mul3A_50 : i32
      %mul3A_52 = arith.constant 104 : i32
      %mul3A_53 = arith.muli %scan3A_48, %mul3A_52 : i32
      %add3A_54 = arith.addi %mul3A_51, %mul3A_53 : i32
      "tpu.region"() ({
        %run_scoped3A = tpu.sem_alloc : memref<!tpu.dma_semaphore, #tpu.memory_space<semaphore_mem>>
        %dma_start3A = arith.constant 0 : i32
        %dma_start3A_64 = arith.constant 0 : i32
        %dma_start3A_65 = tpu.memref_slice %arg9[%dma_start3A, %dma_start3A_64] : memref<128x128xf32, #tpu.memory_space<vmem>> -> memref<104x128xf32, #tpu.memory_space<vmem>>
        %dma_start3A_66 = arith.constant 0 : i32
        %dma_start3A_67 = tpu.memref_slice %arg14[%add3A_54, %dma_start3A_66] : memref<10000x128xf32, #tpu.memory_space<vmem_shared>> -> memref<104x128xf32, #tpu.memory_space<vmem_shared>>
        %dma_start3A_68 = arith.constant 0 : i32
        %dma_start3A_69 = arith.constant 0 : i32
        %dma_start3A_70 = tpu.memref_slice %arg9[%dma_start3A_68, %dma_start3A_69] : memref<128x128xf32, #tpu.memory_space<vmem>> -> memref<104x128xf32, #tpu.memory_space<vmem>>
        %dma_start3A_71 = arith.constant 0 : i32
        %dma_start3A_72 = tpu.memref_slice %arg14[%add3A_54, %dma_start3A_71] : memref<10000x128xf32, #tpu.memory_space<vmem_shared>> -> memref<104x128xf32, #tpu.memory_space<vmem_shared>>
        tpu.enqueue_dma source(%dma_start3A_72 : memref<104x128xf32, #tpu.memory_space<vmem_shared>>) target(%dma_start3A_70 : memref<104x128xf32, #tpu.memory_space<vmem>>) target_semaphore(%run_scoped3A : memref<!tpu.dma_semaphore, #tpu.memory_space<semaphore_mem>>)
        %dma_wait3A = arith.constant 0 : i32
        %dma_wait3A_73 = arith.constant 0 : i32
        %dma_wait3A_74 = tpu.memref_slice %arg9[%dma_wait3A, %dma_wait3A_73] : memref<128x128xf32, #tpu.memory_space<vmem>> -> memref<104x128xf32, #tpu.memory_space<vmem>>
        %dma_wait3A_75 = arith.constant 0 : i32
        %dma_wait3A_76 = tpu.memref_slice %arg14[%add3A_54, %dma_wait3A_75] : memref<10000x128xf32, #tpu.memory_space<vmem_shared>> -> memref<104x128xf32, #tpu.memory_space<vmem_shared>>
        %dma_wait3A_77 = arith.constant 0 : i32
        %dma_wait3A_78 = arith.constant 0 : i32
        %dma_wait3A_79 = tpu.memref_slice %arg9[%dma_wait3A_77, %dma_wait3A_78] : memref<128x128xf32, #tpu.memory_space<vmem>> -> memref<104x128xf32, #tpu.memory_space<vmem>>
        %dma_wait3A_80 = arith.constant 0 : i32
        %dma_wait3A_81 = tpu.memref_slice %arg14[%add3A_54, %dma_wait3A_80] : memref<10000x128xf32, #tpu.memory_space<vmem_shared>> -> memref<104x128xf32, #tpu.memory_space<vmem_shared>>
        tpu.wait_dma2 semaphore(%run_scoped3A : memref<!tpu.dma_semaphore, #tpu.memory_space<semaphore_mem>>) src(%dma_wait3A_81 : memref<104x128xf32, #tpu.memory_space<vmem_shared>>) dst(%dma_wait3A_79 : memref<104x128xf32, #tpu.memory_space<vmem>>)
        tpu.yield
      }) : () -> ()
      %mul3A_55 = arith.constant 10000 : i32
      %mul3A_56 = arith.muli %arg0, %mul3A_55 : i32
      %mul3A_57 = arith.constant 624 : i32
      %mul3A_58 = arith.muli %arg1, %mul3A_57 : i32
      %add3A_59 = arith.addi %mul3A_56, %mul3A_58 : i32
      %mul3A_60 = arith.constant 104 : i32
      %mul3A_61 = arith.muli %scan3A_48, %mul3A_60 : i32
      %add3A_62 = arith.addi %add3A_59, %mul3A_61 : i32
      "tpu.region"() ({
        %run_scoped3A = tpu.sem_alloc : memref<!tpu.dma_semaphore, #tpu.memory_space<semaphore_mem>>
        %dma_start3A = arith.constant 0 : i32
        %dma_start3A_64 = arith.constant 0 : i32
        %dma_start3A_65 = tpu.memref_slice %arg9[%dma_start3A, %dma_start3A_64] : memref<128x128xf32, #tpu.memory_space<vmem>> -> memref<104x128xf32, #tpu.memory_space<vmem>>
        %dma_start3A_66 = arith.constant 0 : i32
        %dma_start3A_67 = tpu.memref_slice %arg4[%add3A_62, %dma_start3A_66] : memref<20000x128xf32, #tpu.memory_space<hbm>> -> memref<104x128xf32, #tpu.memory_space<hbm>>
        %dma_start3A_68 = arith.constant 0 : i32
        %dma_start3A_69 = tpu.memref_slice %arg4[%add3A_62, %dma_start3A_68] : memref<20000x128xf32, #tpu.memory_space<hbm>> -> memref<104x128xf32, #tpu.memory_space<hbm>>
        %dma_start3A_70 = arith.constant 0 : i32
        %dma_start3A_71 = arith.constant 0 : i32
        %dma_start3A_72 = tpu.memref_slice %arg9[%dma_start3A_70, %dma_start3A_71] : memref<128x128xf32, #tpu.memory_space<vmem>> -> memref<104x128xf32, #tpu.memory_space<vmem>>
        tpu.enqueue_dma source(%dma_start3A_72 : memref<104x128xf32, #tpu.memory_space<vmem>>) target(%dma_start3A_69 : memref<104x128xf32, #tpu.memory_space<hbm>>) target_semaphore(%run_scoped3A : memref<!tpu.dma_semaphore, #tpu.memory_space<semaphore_mem>>)
        %dma_wait3A = arith.constant 0 : i32
        %dma_wait3A_73 = arith.constant 0 : i32
        %dma_wait3A_74 = tpu.memref_slice %arg9[%dma_wait3A, %dma_wait3A_73] : memref<128x128xf32, #tpu.memory_space<vmem>> -> memref<104x128xf32, #tpu.memory_space<vmem>>
        %dma_wait3A_75 = arith.constant 0 : i32
        %dma_wait3A_76 = tpu.memref_slice %arg4[%add3A_62, %dma_wait3A_75] : memref<20000x128xf32, #tpu.memory_space<hbm>> -> memref<104x128xf32, #tpu.memory_space<hbm>>
        %dma_wait3A_77 = arith.constant 0 : i32
        %dma_wait3A_78 = tpu.memref_slice %arg4[%add3A_62, %dma_wait3A_77] : memref<20000x128xf32, #tpu.memory_space<hbm>> -> memref<104x128xf32, #tpu.memory_space<hbm>>
        %dma_wait3A_79 = arith.constant 0 : i32
        %dma_wait3A_80 = arith.constant 0 : i32
        %dma_wait3A_81 = tpu.memref_slice %arg9[%dma_wait3A_79, %dma_wait3A_80] : memref<128x128xf32, #tpu.memory_space<vmem>> -> memref<104x128xf32, #tpu.memory_space<vmem>>
        tpu.wait_dma2 semaphore(%run_scoped3A : memref<!tpu.dma_semaphore, #tpu.memory_space<semaphore_mem>>) src(%dma_wait3A_81 : memref<104x128xf32, #tpu.memory_space<vmem>>) dst(%dma_wait3A_78 : memref<104x128xf32, #tpu.memory_space<hbm>>)
        tpu.yield
      }) : () -> ()
      %scan3A_63 = arith.constant 0 : i32
      scf.yield %scan3A_63 : i32
    }
    %scan3A_42 = arith.constant 6 : i32
    %eq3A_43 = arith.constant 0 : i32
    %eq3A_44 = arith.cmpi eq, %arg1, %eq3A_43 : i32
    %convert_element_type3A_45 = arith.extui %eq3A_44 : i1 to i32
    %cond3A_46 = arith.constant 0 : i32
    %cond3A_47 = arith.cmpi ne, %convert_element_type3A_45, %cond3A_46 : i32
    scf.if %cond3A_47 {
      "tpu.region"() ({
        %run_scoped3A = tpu.sem_alloc : memref<!tpu.dma_semaphore, #tpu.memory_space<semaphore_mem>>
        %dma_start3A = arith.constant 0 : i32
        %dma_start3A_52 = arith.constant 0 : i32
        %dma_start3A_53 = tpu.memref_slice %arg13[%dma_start3A, %dma_start3A_52] : memref<32x128xf32, #tpu.memory_space<vmem>> -> memref<16x128xf32, #tpu.memory_space<vmem>>
        %dma_start3A_54 = arith.constant 9984 : i32
        %dma_start3A_55 = arith.constant 0 : i32
        %dma_start3A_56 = tpu.memref_slice %arg14[%dma_start3A_54, %dma_start3A_55] : memref<10000x128xf32, #tpu.memory_space<vmem_shared>> -> memref<16x128xf32, #tpu.memory_space<vmem_shared>>
        %dma_start3A_57 = arith.constant 0 : i32
        %dma_start3A_58 = arith.constant 0 : i32
        %dma_start3A_59 = tpu.memref_slice %arg13[%dma_start3A_57, %dma_start3A_58] : memref<32x128xf32, #tpu.memory_space<vmem>> -> memref<16x128xf32, #tpu.memory_space<vmem>>
        %dma_start3A_60 = arith.constant 9984 : i32
        %dma_start3A_61 = arith.constant 0 : i32
        %dma_start3A_62 = tpu.memref_slice %arg14[%dma_start3A_60, %dma_start3A_61] : memref<10000x128xf32, #tpu.memory_space<vmem_shared>> -> memref<16x128xf32, #tpu.memory_space<vmem_shared>>
        tpu.enqueue_dma source(%dma_start3A_62 : memref<16x128xf32, #tpu.memory_space<vmem_shared>>) target(%dma_start3A_59 : memref<16x128xf32, #tpu.memory_space<vmem>>) target_semaphore(%run_scoped3A : memref<!tpu.dma_semaphore, #tpu.memory_space<semaphore_mem>>)
        %dma_wait3A = arith.constant 0 : i32
        %dma_wait3A_63 = arith.constant 0 : i32
        %dma_wait3A_64 = tpu.memref_slice %arg13[%dma_wait3A, %dma_wait3A_63] : memref<32x128xf32, #tpu.memory_space<vmem>> -> memref<16x128xf32, #tpu.memory_space<vmem>>
        %dma_wait3A_65 = arith.constant 9984 : i32
        %dma_wait3A_66 = arith.constant 0 : i32
        %dma_wait3A_67 = tpu.memref_slice %arg14[%dma_wait3A_65, %dma_wait3A_66] : memref<10000x128xf32, #tpu.memory_space<vmem_shared>> -> memref<16x128xf32, #tpu.memory_space<vmem_shared>>
        %dma_wait3A_68 = arith.constant 0 : i32
        %dma_wait3A_69 = arith.constant 0 : i32
        %dma_wait3A_70 = tpu.memref_slice %arg13[%dma_wait3A_68, %dma_wait3A_69] : memref<32x128xf32, #tpu.memory_space<vmem>> -> memref<16x128xf32, #tpu.memory_space<vmem>>
        %dma_wait3A_71 = arith.constant 9984 : i32
        %dma_wait3A_72 = arith.constant 0 : i32
        %dma_wait3A_73 = tpu.memref_slice %arg14[%dma_wait3A_71, %dma_wait3A_72] : memref<10000x128xf32, #tpu.memory_space<vmem_shared>> -> memref<16x128xf32, #tpu.memory_space<vmem_shared>>
        tpu.wait_dma2 semaphore(%run_scoped3A : memref<!tpu.dma_semaphore, #tpu.memory_space<semaphore_mem>>) src(%dma_wait3A_73 : memref<16x128xf32, #tpu.memory_space<vmem_shared>>) dst(%dma_wait3A_70 : memref<16x128xf32, #tpu.memory_space<vmem>>)
        tpu.yield
      }) : () -> ()
      %mul3A_48 = arith.constant 10000 : i32
      %mul3A_49 = arith.muli %arg0, %mul3A_48 : i32
      %add3A_50 = arith.constant 9984 : i32
      %add3A_51 = arith.addi %mul3A_49, %add3A_50 : i32
      "tpu.region"() ({
        %run_scoped3A = tpu.sem_alloc : memref<!tpu.dma_semaphore, #tpu.memory_space<semaphore_mem>>
        %dma_start3A = arith.constant 0 : i32
        %dma_start3A_52 = arith.constant 0 : i32
        %dma_start3A_53 = tpu.memref_slice %arg13[%dma_start3A, %dma_start3A_52] : memref<32x128xf32, #tpu.memory_space<vmem>> -> memref<16x128xf32, #tpu.memory_space<vmem>>
        %dma_start3A_54 = arith.constant 0 : i32
        %dma_start3A_55 = tpu.memref_slice %arg4[%add3A_51, %dma_start3A_54] : memref<20000x128xf32, #tpu.memory_space<hbm>> -> memref<16x128xf32, #tpu.memory_space<hbm>>
        %dma_start3A_56 = arith.constant 0 : i32
        %dma_start3A_57 = tpu.memref_slice %arg4[%add3A_51, %dma_start3A_56] : memref<20000x128xf32, #tpu.memory_space<hbm>> -> memref<16x128xf32, #tpu.memory_space<hbm>>
        %dma_start3A_58 = arith.constant 0 : i32
        %dma_start3A_59 = arith.constant 0 : i32
        %dma_start3A_60 = tpu.memref_slice %arg13[%dma_start3A_58, %dma_start3A_59] : memref<32x128xf32, #tpu.memory_space<vmem>> -> memref<16x128xf32, #tpu.memory_space<vmem>>
        tpu.enqueue_dma source(%dma_start3A_60 : memref<16x128xf32, #tpu.memory_space<vmem>>) target(%dma_start3A_57 : memref<16x128xf32, #tpu.memory_space<hbm>>) target_semaphore(%run_scoped3A : memref<!tpu.dma_semaphore, #tpu.memory_space<semaphore_mem>>)
        %dma_wait3A = arith.constant 0 : i32
        %dma_wait3A_61 = arith.constant 0 : i32
        %dma_wait3A_62 = tpu.memref_slice %arg13[%dma_wait3A, %dma_wait3A_61] : memref<32x128xf32, #tpu.memory_space<vmem>> -> memref<16x128xf32, #tpu.memory_space<vmem>>
        %dma_wait3A_63 = arith.constant 0 : i32
        %dma_wait3A_64 = tpu.memref_slice %arg4[%add3A_51, %dma_wait3A_63] : memref<20000x128xf32, #tpu.memory_space<hbm>> -> memref<16x128xf32, #tpu.memory_space<hbm>>
        %dma_wait3A_65 = arith.constant 0 : i32
        %dma_wait3A_66 = tpu.memref_slice %arg4[%add3A_51, %dma_wait3A_65] : memref<20000x128xf32, #tpu.memory_space<hbm>> -> memref<16x128xf32, #tpu.memory_space<hbm>>
        %dma_wait3A_67 = arith.constant 0 : i32
        %dma_wait3A_68 = arith.constant 0 : i32
        %dma_wait3A_69 = tpu.memref_slice %arg13[%dma_wait3A_67, %dma_wait3A_68] : memref<32x128xf32, #tpu.memory_space<vmem>> -> memref<16x128xf32, #tpu.memory_space<vmem>>
        tpu.wait_dma2 semaphore(%run_scoped3A : memref<!tpu.dma_semaphore, #tpu.memory_space<semaphore_mem>>) src(%dma_wait3A_69 : memref<16x128xf32, #tpu.memory_space<vmem>>) dst(%dma_wait3A_66 : memref<16x128xf32, #tpu.memory_space<hbm>>)
        tpu.yield
      }) : () -> ()
    } else {
    }
    return
  }
}

module attributes {stable_mosaic.version = 14 : i64} {
  func.func @_ka_body(%arg0: i32, %arg1: memref<200x113xf32, #tpu.memory_space<vmem>>, %arg2: memref<200x128xf32, #tpu.memory_space<vmem>>, %arg3: memref<200x128xf32, #tpu.memory_space<vmem>>, %arg4: memref<400x16xf32, #tpu.memory_space<vmem>>, %arg5: memref<112x256xf32, #tpu.memory_space<vmem>>, %arg6: memref<16x256xf32, #tpu.memory_space<vmem>>, %arg7: memref<200x128xf32, #tpu.memory_space<vmem>>, %arg8: memref<200x128xf32, #tpu.memory_space<vmem>>, %arg9: memref<200x1xf32, #tpu.memory_space<vmem>>) attributes {dimension_semantics = [#tpu.dimension_semantics<arbitrary>], iteration_bounds = array<i64: 50>, scalar_prefetch = 0 : i64, scratch_operands = 0 : i64, tpu.core_type = #tpu.core_type<tc>, window_params = [{transform_indices = @transform_0, window_bounds = array<i64: 200, 113>}, {transform_indices = @transform_1, window_bounds = array<i64: 200, 128>}, {transform_indices = @transform_2, window_bounds = array<i64: 200, 128>}, {pipeline_mode = #tpu.pipeline_mode<synchronous>, transform_indices = @transform_3, window_bounds = array<i64: 400, 16>}, {pipeline_mode = #tpu.pipeline_mode<synchronous>, transform_indices = @transform_4, window_bounds = array<i64: 112, 256>}, {pipeline_mode = #tpu.pipeline_mode<synchronous>, transform_indices = @transform_5, window_bounds = array<i64: 16, 256>}, {transform_indices = @transform_6, window_bounds = array<i64: 200, 128>}, {transform_indices = @transform_7, window_bounds = array<i64: 200, 128>}, {transform_indices = @transform_8, window_bounds = array<i64: 200, 1>}]} {
    %get3A = arith.constant 0 : index
    %get3A_0 = arith.constant 0 : index
    %get3A_1 = vector.load %arg1[%get3A, %get3A_0] : memref<200x113xf32, #tpu.memory_space<vmem>>, vector<200x1xf32>
    %convert_element_type3A = arith.fptosi %get3A_1 : vector<200x1xf32> to vector<200x1xi32>
    %get3A_2 = arith.constant 0 : index
    %get3A_3 = arith.constant 1 : index
    %get3A_4 = vector.load %arg1[%get3A_2, %get3A_3] : memref<200x113xf32, #tpu.memory_space<vmem>>, vector<200x112xf32>
    %iota3A = tpu.iota {dimensions = array<i32: 1>} : vector<200x400xi32>
    %eq3A = vector.broadcast %convert_element_type3A : vector<200x1xi32> to vector<200x400xi32>
    %eq3A_5 = arith.cmpi eq, %eq3A, %iota3A : vector<200x400xi32>
    %convert_element_type3A_6 = arith.extui %eq3A_5 : vector<200x400xi1> to vector<200x400xi32>
    %convert_element_type3A_7 = arith.sitofp %convert_element_type3A_6 : vector<200x400xi32> to vector<200x400xf32>
    %get3A_8 = arith.constant 0 : index
    %get3A_9 = arith.constant 0 : index
    %get3A_10 = vector.load %arg4[%get3A_8, %get3A_9] : memref<400x16xf32, #tpu.memory_space<vmem>>, vector<400x16xf32>
    %dot_general3A = arith.constant dense<0.000000e+00> : vector<200x16xf32>
    %dot_general3A_11 = tpu.matmul %convert_element_type3A_7, %get3A_10, %dot_general3A {dimension_numbers = #tpu.dot_dimension_numbers<[1], [0], [0], [1], [0, 0, 1, 1], [], []>, transpose_lhs_hint = false} : vector<200x400xf32>, vector<400x16xf32>, vector<200x16xf32> -> vector<200x16xf32>
    %get3A_12 = arith.constant 0 : index
    %get3A_13 = arith.constant 0 : index
    %get3A_14 = vector.load %arg5[%get3A_12, %get3A_13] : memref<112x256xf32, #tpu.memory_space<vmem>>, vector<112x256xf32>
    %dot_general3A_15 = arith.constant dense<0.000000e+00> : vector<200x256xf32>
    %dot_general3A_16 = tpu.matmul %get3A_4, %get3A_14, %dot_general3A_15 {dimension_numbers = #tpu.dot_dimension_numbers<[1], [0], [0], [1], [0, 0, 1, 1], [], []>, transpose_lhs_hint = false} : vector<200x112xf32>, vector<112x256xf32>, vector<200x256xf32> -> vector<200x256xf32>
    %get3A_17 = arith.constant 0 : index
    %get3A_18 = arith.constant 0 : index
    %get3A_19 = vector.load %arg6[%get3A_17, %get3A_18] : memref<16x256xf32, #tpu.memory_space<vmem>>, vector<16x256xf32>
    %dot_general3A_20 = arith.constant dense<0.000000e+00> : vector<200x256xf32>
    %dot_general3A_21 = tpu.matmul %dot_general3A_11, %get3A_19, %dot_general3A_20 {dimension_numbers = #tpu.dot_dimension_numbers<[1], [0], [0], [1], [0, 0, 1, 1], [], []>, transpose_lhs_hint = false} : vector<200x16xf32>, vector<16x256xf32>, vector<200x256xf32> -> vector<200x256xf32>
    %add3A = arith.addf %dot_general3A_16, %dot_general3A_21 : vector<200x256xf32>
    %get3A_22 = arith.constant 0 : index
    %get3A_23 = arith.constant 0 : index
    %get3A_24 = vector.load %arg2[%get3A_22, %get3A_23] : memref<200x128xf32, #tpu.memory_space<vmem>>, vector<200x1xf32>
    %add3A_25 = arith.constant 1.000000e+00 : f32
    %add3A_26 = vector.broadcast %add3A_25 : f32 to vector<200x1xf32>
    %add3A_27 = arith.addf %add3A_26, %get3A_24 : vector<200x1xf32>
    %get3A_28 = arith.constant 0 : index
    %get3A_29 = arith.constant 0 : index
    %get3A_30 = vector.load %arg3[%get3A_28, %get3A_29] : memref<200x128xf32, #tpu.memory_space<vmem>>, vector<200x1xf32>
    %add3A_31 = arith.addf %add3A_27, %get3A_30 : vector<200x1xf32>
    %sqrt3A = math.sqrt %add3A_31 : vector<200x1xf32>
    %div3A = arith.constant 1.000000e+00 : f32
    %div3A_32 = vector.broadcast %div3A : f32 to vector<200x1xf32>
    %div3A_33 = arith.divf %div3A_32, %sqrt3A : vector<200x1xf32>
    %mul3A = vector.broadcast %div3A_33 : vector<200x1xf32> to vector<200x256xf32>
    %mul3A_34 = arith.mulf %mul3A, %add3A : vector<200x256xf32>
    %slice3A = vector.extract_strided_slice %mul3A_34 {offsets = [0, 0], sizes = [200, 128], strides = [1, 1]} : vector<200x256xf32> to vector<200x128xf32>
    %swap3A = arith.constant 0 : index
    %swap3A_35 = arith.constant 0 : index
    %swap3A_36 = vector.load %arg7[%swap3A, %swap3A_35] : memref<200x128xf32, #tpu.memory_space<vmem>>, vector<200x128xf32>
    tpu.vector_store %arg7[%swap3A, %swap3A_35], %slice3A {strides = array<i32>} : memref<200x128xf32, #tpu.memory_space<vmem>>, vector<200x128xf32>,
    %slice3A_37 = vector.extract_strided_slice %mul3A_34 {offsets = [0, 128], sizes = [200, 128], strides = [1, 1]} : vector<200x256xf32> to vector<200x128xf32>
    %swap3A_38 = arith.constant 0 : index
    %swap3A_39 = arith.constant 0 : index
    %swap3A_40 = vector.load %arg8[%swap3A_38, %swap3A_39] : memref<200x128xf32, #tpu.memory_space<vmem>>, vector<200x128xf32>
    tpu.vector_store %arg8[%swap3A_38, %swap3A_39], %slice3A_37 {strides = array<i32>} : memref<200x128xf32, #tpu.memory_space<vmem>>, vector<200x128xf32>,
    %swap3A_41 = arith.constant 0 : index
    %swap3A_42 = arith.constant 0 : index
    %swap3A_43 = vector.load %arg9[%swap3A_41, %swap3A_42] : memref<200x1xf32, #tpu.memory_space<vmem>>, vector<200x1xf32>
    tpu.vector_store %arg9[%swap3A_41, %swap3A_42], %div3A_33 {strides = array<i32>} : memref<200x1xf32, #tpu.memory_space<vmem>>, vector<200x1xf32>,
    return
  }
  func.func @transform_0(%arg0: i32) -> (i32, i32) {
    %c0_i32 = arith.constant 0 : i32
    %c0_i32_0 = arith.constant 0 : i32
    return %arg0, %c0_i32 : i32, i32
  }
  func.func @transform_1(%arg0: i32) -> (i32, i32) {
    %c0_i32 = arith.constant 0 : i32
    %c0_i32_0 = arith.constant 0 : i32
    return %arg0, %c0_i32 : i32, i32
  }
  func.func @transform_2(%arg0: i32) -> (i32, i32) {
    %add3A = arith.constant 50 : i32
    %add3A_0 = arith.addi %arg0, %add3A : i32
    %c0_i32 = arith.constant 0 : i32
    %c0_i32_1 = arith.constant 0 : i32
    return %add3A_0, %c0_i32 : i32, i32
  }
  func.func @transform_3(%arg0: i32) -> (i32, i32) {
    %c0_i32 = arith.constant 0 : i32
    %c0_i32_0 = arith.constant 0 : i32
    %c0_i32_1 = arith.constant 0 : i32
    return %c0_i32, %c0_i32_0 : i32, i32
  }
  func.func @transform_4(%arg0: i32) -> (i32, i32) {
    %c0_i32 = arith.constant 0 : i32
    %c0_i32_0 = arith.constant 0 : i32
    %c0_i32_1 = arith.constant 0 : i32
    return %c0_i32, %c0_i32_0 : i32, i32
  }
  func.func @transform_5(%arg0: i32) -> (i32, i32) {
    %c0_i32 = arith.constant 0 : i32
    %c0_i32_0 = arith.constant 0 : i32
    %c0_i32_1 = arith.constant 0 : i32
    return %c0_i32, %c0_i32_0 : i32, i32
  }
  func.func @transform_6(%arg0: i32) -> (i32, i32) {
    %c0_i32 = arith.constant 0 : i32
    %c0_i32_0 = arith.constant 0 : i32
    return %arg0, %c0_i32 : i32, i32
  }
  func.func @transform_7(%arg0: i32) -> (i32, i32) {
    %c0_i32 = arith.constant 0 : i32
    %c0_i32_0 = arith.constant 0 : i32
    return %arg0, %c0_i32 : i32, i32
  }
  func.func @transform_8(%arg0: i32) -> (i32, i32) {
    %c0_i32 = arith.constant 0 : i32
    %c0_i32_0 = arith.constant 0 : i32
    return %arg0, %c0_i32 : i32, i32
  }
}

module attributes {stable_mosaic.version = 14 : i64} {
  func.func @_kb_body(%arg0: i32, %arg1: memref<200x128xf32, #tpu.memory_space<vmem>>, %arg2: memref<200x128xf32, #tpu.memory_space<vmem>>, %arg3: memref<200x128xf32, #tpu.memory_space<vmem>>, %arg4: memref<200x128xf32, #tpu.memory_space<vmem>>, %arg5: memref<200x1xf32, #tpu.memory_space<vmem>>, %arg6: memref<1x256xf32, #tpu.memory_space<vmem>>, %arg7: memref<1x256xf32, #tpu.memory_space<vmem>>, %arg8: memref<1x256xf32, #tpu.memory_space<vmem>>, %arg9: memref<256x256xf32, #tpu.memory_space<vmem>>, %arg10: memref<200x128xf32, #tpu.memory_space<vmem>>, %arg11: memref<200x128xf32, #tpu.memory_space<vmem>>) attributes {dimension_semantics = [#tpu.dimension_semantics<arbitrary>], iteration_bounds = array<i64: 50>, scalar_prefetch = 0 : i64, scratch_operands = 0 : i64, tpu.core_type = #tpu.core_type<tc>, window_params = [{transform_indices = @transform_0, window_bounds = array<i64: 200, 128>}, {transform_indices = @transform_1, window_bounds = array<i64: 200, 128>}, {transform_indices = @transform_2, window_bounds = array<i64: 200, 128>}, {transform_indices = @transform_3, window_bounds = array<i64: 200, 128>}, {transform_indices = @transform_4, window_bounds = array<i64: 200, 1>}, {pipeline_mode = #tpu.pipeline_mode<synchronous>, transform_indices = @transform_5, window_bounds = array<i64: 1, 256>}, {pipeline_mode = #tpu.pipeline_mode<synchronous>, transform_indices = @transform_6, window_bounds = array<i64: 1, 256>}, {pipeline_mode = #tpu.pipeline_mode<synchronous>, transform_indices = @transform_7, window_bounds = array<i64: 1, 256>}, {pipeline_mode = #tpu.pipeline_mode<synchronous>, transform_indices = @transform_8, window_bounds = array<i64: 256, 256>}, {transform_indices = @transform_9, window_bounds = array<i64: 200, 128>}, {transform_indices = @transform_10, window_bounds = array<i64: 200, 128>}]} {
    %get3A = arith.constant 0 : index
    %get3A_0 = arith.constant 0 : index
    %get3A_1 = vector.load %arg5[%get3A, %get3A_0] : memref<200x1xf32, #tpu.memory_space<vmem>>, vector<200x1xf32>
    %get3A_2 = arith.constant 0 : index
    %get3A_3 = arith.constant 0 : index
    %get3A_4 = vector.load %arg1[%get3A_2, %get3A_3] : memref<200x128xf32, #tpu.memory_space<vmem>>, vector<200x128xf32>
    %get3A_5 = arith.constant 0 : index
    %get3A_6 = arith.constant 0 : index
    %get3A_7 = vector.load %arg2[%get3A_5, %get3A_6] : memref<200x128xf32, #tpu.memory_space<vmem>>, vector<200x128xf32>
    %concatenate3A = tpu.concatenate %get3A_4, %get3A_7 in 1 : vector<200x128xf32>, vector<200x128xf32> -> vector<200x256xf32>
    %get3A_8 = arith.constant 0 : index
    %get3A_9 = arith.constant 0 : index
    %get3A_10 = vector.load %arg3[%get3A_8, %get3A_9] : memref<200x128xf32, #tpu.memory_space<vmem>>, vector<200x128xf32>
    %get3A_11 = arith.constant 0 : index
    %get3A_12 = arith.constant 0 : index
    %get3A_13 = vector.load %arg4[%get3A_11, %get3A_12] : memref<200x128xf32, #tpu.memory_space<vmem>>, vector<200x128xf32>
    %concatenate3A_14 = tpu.concatenate %get3A_10, %get3A_13 in 1 : vector<200x128xf32>, vector<200x128xf32> -> vector<200x256xf32>
    %add3A = arith.addf %concatenate3A, %concatenate3A_14 : vector<200x256xf32>
    %mul3A = vector.broadcast %get3A_1 : vector<200x1xf32> to vector<200x256xf32>
    %mul3A_15 = arith.mulf %mul3A, %add3A : vector<200x256xf32>
    %get3A_16 = arith.constant 0 : index
    %get3A_17 = arith.constant 0 : index
    %get3A_18 = vector.load %arg6[%get3A_16, %get3A_17] : memref<1x256xf32, #tpu.memory_space<vmem>>, vector<1x256xf32>
    %add3A_19 = vector.broadcast %get3A_18 : vector<1x256xf32> to vector<200x256xf32>
    %add3A_20 = arith.addf %mul3A_15, %add3A_19 : vector<200x256xf32>
    %reduce_sum3A = arith.constant dense<0.000000e+00> : vector<200xf32>
    %reduce_sum3A_21 = vector.multi_reduction <add>, %add3A_20, %reduce_sum3A [1] : vector<200x256xf32> to vector<200xf32>
    %broadcast_in_dim3A = vector.shape_cast %reduce_sum3A_21 : vector<200xf32> to vector<200x1xf32>
    %div3A = arith.constant 2.560000e+02 : f32
    %div3A_22 = vector.broadcast %div3A : f32 to vector<200x1xf32>
    %div3A_23 = arith.divf %broadcast_in_dim3A, %div3A_22 : vector<200x1xf32>
    %sub3A = vector.broadcast %div3A_23 : vector<200x1xf32> to vector<200x256xf32>
    %sub3A_24 = arith.subf %add3A_20, %sub3A : vector<200x256xf32>
    %integer_pow3A = arith.mulf %sub3A_24, %sub3A_24 : vector<200x256xf32>
    %reduce_sum3A_25 = arith.constant dense<0.000000e+00> : vector<200xf32>
    %reduce_sum3A_26 = vector.multi_reduction <add>, %integer_pow3A, %reduce_sum3A_25 [1] : vector<200x256xf32> to vector<200xf32>
    %broadcast_in_dim3A_27 = vector.shape_cast %reduce_sum3A_26 : vector<200xf32> to vector<200x1xf32>
    %div3A_28 = arith.constant 2.560000e+02 : f32
    %div3A_29 = vector.broadcast %div3A_28 : f32 to vector<200x1xf32>
    %div3A_30 = arith.divf %broadcast_in_dim3A_27, %div3A_29 : vector<200x1xf32>
    %sub3A_31 = vector.broadcast %div3A_23 : vector<200x1xf32> to vector<200x256xf32>
    %sub3A_32 = arith.subf %add3A_20, %sub3A_31 : vector<200x256xf32>
    %add3A_33 = arith.constant 9.99999974E-6 : f32
    %add3A_34 = vector.broadcast %add3A_33 : f32 to vector<200x1xf32>
    %add3A_35 = arith.addf %div3A_30, %add3A_34 : vector<200x1xf32>
    %sqrt3A = math.sqrt %add3A_35 : vector<200x1xf32>
    %div3A_36 = vector.broadcast %sqrt3A : vector<200x1xf32> to vector<200x256xf32>
    %div3A_37 = arith.divf %sub3A_32, %div3A_36 : vector<200x256xf32>
    %get3A_38 = arith.constant 0 : index
    %get3A_39 = arith.constant 0 : index
    %get3A_40 = vector.load %arg7[%get3A_38, %get3A_39] : memref<1x256xf32, #tpu.memory_space<vmem>>, vector<1x256xf32>
    %mul3A_41 = vector.broadcast %get3A_40 : vector<1x256xf32> to vector<200x256xf32>
    %mul3A_42 = arith.mulf %div3A_37, %mul3A_41 : vector<200x256xf32>
    %get3A_43 = arith.constant 0 : index
    %get3A_44 = arith.constant 0 : index
    %get3A_45 = vector.load %arg8[%get3A_43, %get3A_44] : memref<1x256xf32, #tpu.memory_space<vmem>>, vector<1x256xf32>
    %add3A_46 = vector.broadcast %get3A_45 : vector<1x256xf32> to vector<200x256xf32>
    %add3A_47 = arith.addf %mul3A_42, %add3A_46 : vector<200x256xf32>
    %max3A = arith.constant 0.000000e+00 : f32
    %max3A_48 = vector.broadcast %max3A : f32 to vector<200x256xf32>
    %max3A_49 = arith.maximumf %add3A_47, %max3A_48 : vector<200x256xf32>
    %get3A_50 = arith.constant 0 : index
    %get3A_51 = arith.constant 0 : index
    %get3A_52 = vector.load %arg9[%get3A_50, %get3A_51] : memref<256x256xf32, #tpu.memory_space<vmem>>, vector<256x256xf32>
    %dot_general3A = arith.constant dense<0.000000e+00> : vector<200x256xf32>
    %dot_general3A_53 = tpu.matmul %max3A_49, %get3A_52, %dot_general3A {dimension_numbers = #tpu.dot_dimension_numbers<[1], [0], [0], [1], [0, 0, 1, 1], [], []>, transpose_lhs_hint = false} : vector<200x256xf32>, vector<256x256xf32>, vector<200x256xf32> -> vector<200x256xf32>
    %mul3A_54 = vector.broadcast %get3A_1 : vector<200x1xf32> to vector<200x256xf32>
    %mul3A_55 = arith.mulf %mul3A_54, %dot_general3A_53 : vector<200x256xf32>
    %slice3A = vector.extract_strided_slice %mul3A_55 {offsets = [0, 0], sizes = [200, 128], strides = [1, 1]} : vector<200x256xf32> to vector<200x128xf32>
    %swap3A = arith.constant 0 : index
    %swap3A_56 = arith.constant 0 : index
    %swap3A_57 = vector.load %arg10[%swap3A, %swap3A_56] : memref<200x128xf32, #tpu.memory_space<vmem>>, vector<200x128xf32>
    tpu.vector_store %arg10[%swap3A, %swap3A_56], %slice3A {strides = array<i32>} : memref<200x128xf32, #tpu.memory_space<vmem>>, vector<200x128xf32>,
    %slice3A_58 = vector.extract_strided_slice %mul3A_55 {offsets = [0, 128], sizes = [200, 128], strides = [1, 1]} : vector<200x256xf32> to vector<200x128xf32>
    %swap3A_59 = arith.constant 0 : index
    %swap3A_60 = arith.constant 0 : index
    %swap3A_61 = vector.load %arg11[%swap3A_59, %swap3A_60] : memref<200x128xf32, #tpu.memory_space<vmem>>, vector<200x128xf32>
    tpu.vector_store %arg11[%swap3A_59, %swap3A_60], %slice3A_58 {strides = array<i32>} : memref<200x128xf32, #tpu.memory_space<vmem>>, vector<200x128xf32>,
    return
  }
  func.func @transform_0(%arg0: i32) -> (i32, i32) {
    %c0_i32 = arith.constant 0 : i32
    %c0_i32_0 = arith.constant 0 : i32
    return %arg0, %c0_i32 : i32, i32
  }
  func.func @transform_1(%arg0: i32) -> (i32, i32) {
    %add3A = arith.constant 50 : i32
    %add3A_0 = arith.addi %arg0, %add3A : i32
    %c0_i32 = arith.constant 0 : i32
    %c0_i32_1 = arith.constant 0 : i32
    return %add3A_0, %c0_i32 : i32, i32
  }
  func.func @transform_2(%arg0: i32) -> (i32, i32) {
    %c0_i32 = arith.constant 0 : i32
    %c0_i32_0 = arith.constant 0 : i32
    return %arg0, %c0_i32 : i32, i32
  }
  func.func @transform_3(%arg0: i32) -> (i32, i32) {
    %c0_i32 = arith.constant 0 : i32
    %c0_i32_0 = arith.constant 0 : i32
    return %arg0, %c0_i32 : i32, i32
  }
  func.func @transform_4(%arg0: i32) -> (i32, i32) {
    %c0_i32 = arith.constant 0 : i32
    %c0_i32_0 = arith.constant 0 : i32
    return %arg0, %c0_i32 : i32, i32
  }
  func.func @transform_5(%arg0: i32) -> (i32, i32) {
    %c0_i32 = arith.constant 0 : i32
    %c0_i32_0 = arith.constant 0 : i32
    %c0_i32_1 = arith.constant 0 : i32
    return %c0_i32, %c0_i32_0 : i32, i32
  }
  func.func @transform_6(%arg0: i32) -> (i32, i32) {
    %c0_i32 = arith.constant 0 : i32
    %c0_i32_0 = arith.constant 0 : i32
    %c0_i32_1 = arith.constant 0 : i32
    return %c0_i32, %c0_i32_0 : i32, i32
  }
  func.func @transform_7(%arg0: i32) -> (i32, i32) {
    %c0_i32 = arith.constant 0 : i32
    %c0_i32_0 = arith.constant 0 : i32
    %c0_i32_1 = arith.constant 0 : i32
    return %c0_i32, %c0_i32_0 : i32, i32
  }
  func.func @transform_8(%arg0: i32) -> (i32, i32) {
    %c0_i32 = arith.constant 0 : i32
    %c0_i32_0 = arith.constant 0 : i32
    %c0_i32_1 = arith.constant 0 : i32
    return %c0_i32, %c0_i32_0 : i32, i32
  }
  func.func @transform_9(%arg0: i32) -> (i32, i32) {
    %c0_i32 = arith.constant 0 : i32
    %c0_i32_0 = arith.constant 0 : i32
    return %arg0, %c0_i32 : i32, i32
  }
  func.func @transform_10(%arg0: i32) -> (i32, i32) {
    %c0_i32 = arith.constant 0 : i32
    %c0_i32_0 = arith.constant 0 : i32
    return %arg0, %c0_i32 : i32, i32
  }
}

module attributes {stable_mosaic.version = 14 : i64} {
  func.func @_kc_body(%arg0: i32, %arg1: memref<200x128xf32, #tpu.memory_space<vmem>>, %arg2: memref<200x128xf32, #tpu.memory_space<vmem>>, %arg3: memref<200x128xf32, #tpu.memory_space<vmem>>, %arg4: memref<200x128xf32, #tpu.memory_space<vmem>>, %arg5: memref<200x1xf32, #tpu.memory_space<vmem>>, %arg6: memref<200x1xi32, #tpu.memory_space<vmem>>, %arg7: memref<1x256xf32, #tpu.memory_space<vmem>>, %arg8: memref<1x256xf32, #tpu.memory_space<vmem>>, %arg9: memref<1x256xf32, #tpu.memory_space<vmem>>, %arg10: memref<256x128xf32, #tpu.memory_space<vmem>>, %arg11: memref<1x128xf32, #tpu.memory_space<vmem>>, %arg12: memref<128x1xf32, #tpu.memory_space<vmem>>, %arg13: memref<1x1xf32, #tpu.memory_space<vmem>>, %arg14: memref<200x256xf32, #tpu.memory_space<vmem>>, %arg15: memref<200x1xf32, #tpu.memory_space<vmem>>, %arg16: memref<1x64xf32, #tpu.memory_space<vmem>>) attributes {dimension_semantics = [#tpu.dimension_semantics<arbitrary>], iteration_bounds = array<i64: 50>, scalar_prefetch = 0 : i64, scratch_operands = 0 : i64, tpu.core_type = #tpu.core_type<tc>, window_params = [{transform_indices = @transform_0, window_bounds = array<i64: 200, 128>}, {transform_indices = @transform_1, window_bounds = array<i64: 200, 128>}, {transform_indices = @transform_2, window_bounds = array<i64: 200, 128>}, {transform_indices = @transform_3, window_bounds = array<i64: 200, 128>}, {transform_indices = @transform_4, window_bounds = array<i64: 200, 1>}, {transform_indices = @transform_5, window_bounds = array<i64: 200, 1>}, {pipeline_mode = #tpu.pipeline_mode<synchronous>, transform_indices = @transform_6, window_bounds = array<i64: 1, 256>}, {pipeline_mode = #tpu.pipeline_mode<synchronous>, transform_indices = @transform_7, window_bounds = array<i64: 1, 256>}, {pipeline_mode = #tpu.pipeline_mode<synchronous>, transform_indices = @transform_8, window_bounds = array<i64: 1, 256>}, {pipeline_mode = #tpu.pipeline_mode<synchronous>, transform_indices = @transform_9, window_bounds = array<i64: 256, 128>}, {pipeline_mode = #tpu.pipeline_mode<synchronous>, transform_indices = @transform_10, window_bounds = array<i64: 1, 128>}, {pipeline_mode = #tpu.pipeline_mode<synchronous>, transform_indices = @transform_11, window_bounds = array<i64: 128, 1>}, {pipeline_mode = #tpu.pipeline_mode<synchronous>, transform_indices = @transform_12, window_bounds = array<i64: 1, 1>}, {transform_indices = @transform_13, window_bounds = array<i64: 200, 256>}, {transform_indices = @transform_14, window_bounds = array<i64: 200, 1>}, {pipeline_mode = #tpu.pipeline_mode<synchronous>, transform_indices = @transform_15, window_bounds = array<i64: 1, 64>}]} {
    %get3A = arith.constant 0 : index
    %get3A_0 = arith.constant 0 : index
    %get3A_1 = vector.load %arg5[%get3A, %get3A_0] : memref<200x1xf32, #tpu.memory_space<vmem>>, vector<200x1xf32>
    %get3A_2 = arith.constant 0 : index
    %get3A_3 = arith.constant 0 : index
    %get3A_4 = vector.load %arg1[%get3A_2, %get3A_3] : memref<200x128xf32, #tpu.memory_space<vmem>>, vector<200x128xf32>
    %get3A_5 = arith.constant 0 : index
    %get3A_6 = arith.constant 0 : index
    %get3A_7 = vector.load %arg2[%get3A_5, %get3A_6] : memref<200x128xf32, #tpu.memory_space<vmem>>, vector<200x128xf32>
    %concatenate3A = tpu.concatenate %get3A_4, %get3A_7 in 1 : vector<200x128xf32>, vector<200x128xf32> -> vector<200x256xf32>
    %get3A_8 = arith.constant 0 : index
    %get3A_9 = arith.constant 0 : index
    %get3A_10 = vector.load %arg3[%get3A_8, %get3A_9] : memref<200x128xf32, #tpu.memory_space<vmem>>, vector<200x128xf32>
    %get3A_11 = arith.constant 0 : index
    %get3A_12 = arith.constant 0 : index
    %get3A_13 = vector.load %arg4[%get3A_11, %get3A_12] : memref<200x128xf32, #tpu.memory_space<vmem>>, vector<200x128xf32>
    %concatenate3A_14 = tpu.concatenate %get3A_10, %get3A_13 in 1 : vector<200x128xf32>, vector<200x128xf32> -> vector<200x256xf32>
    %add3A = arith.addf %concatenate3A, %concatenate3A_14 : vector<200x256xf32>
    %mul3A = vector.broadcast %get3A_1 : vector<200x1xf32> to vector<200x256xf32>
    %mul3A_15 = arith.mulf %mul3A, %add3A : vector<200x256xf32>
    %get3A_16 = arith.constant 0 : index
    %get3A_17 = arith.constant 0 : index
    %get3A_18 = vector.load %arg7[%get3A_16, %get3A_17] : memref<1x256xf32, #tpu.memory_space<vmem>>, vector<1x256xf32>
    %add3A_19 = vector.broadcast %get3A_18 : vector<1x256xf32> to vector<200x256xf32>
    %add3A_20 = arith.addf %mul3A_15, %add3A_19 : vector<200x256xf32>
    %reduce_sum3A = arith.constant dense<0.000000e+00> : vector<200xf32>
    %reduce_sum3A_21 = vector.multi_reduction <add>, %add3A_20, %reduce_sum3A [1] : vector<200x256xf32> to vector<200xf32>
    %broadcast_in_dim3A = vector.shape_cast %reduce_sum3A_21 : vector<200xf32> to vector<200x1xf32>
    %div3A = arith.constant 2.560000e+02 : f32
    %div3A_22 = vector.broadcast %div3A : f32 to vector<200x1xf32>
    %div3A_23 = arith.divf %broadcast_in_dim3A, %div3A_22 : vector<200x1xf32>
    %sub3A = vector.broadcast %div3A_23 : vector<200x1xf32> to vector<200x256xf32>
    %sub3A_24 = arith.subf %add3A_20, %sub3A : vector<200x256xf32>
    %integer_pow3A = arith.mulf %sub3A_24, %sub3A_24 : vector<200x256xf32>
    %reduce_sum3A_25 = arith.constant dense<0.000000e+00> : vector<200xf32>
    %reduce_sum3A_26 = vector.multi_reduction <add>, %integer_pow3A, %reduce_sum3A_25 [1] : vector<200x256xf32> to vector<200xf32>
    %broadcast_in_dim3A_27 = vector.shape_cast %reduce_sum3A_26 : vector<200xf32> to vector<200x1xf32>
    %div3A_28 = arith.constant 2.560000e+02 : f32
    %div3A_29 = vector.broadcast %div3A_28 : f32 to vector<200x1xf32>
    %div3A_30 = arith.divf %broadcast_in_dim3A_27, %div3A_29 : vector<200x1xf32>
    %sub3A_31 = vector.broadcast %div3A_23 : vector<200x1xf32> to vector<200x256xf32>
    %sub3A_32 = arith.subf %add3A_20, %sub3A_31 : vector<200x256xf32>
    %add3A_33 = arith.constant 9.99999974E-6 : f32
    %add3A_34 = vector.broadcast %add3A_33 : f32 to vector<200x1xf32>
    %add3A_35 = arith.addf %div3A_30, %add3A_34 : vector<200x1xf32>
    %sqrt3A = math.sqrt %add3A_35 : vector<200x1xf32>
    %div3A_36 = vector.broadcast %sqrt3A : vector<200x1xf32> to vector<200x256xf32>
    %div3A_37 = arith.divf %sub3A_32, %div3A_36 : vector<200x256xf32>
    %get3A_38 = arith.constant 0 : index
    %get3A_39 = arith.constant 0 : index
    %get3A_40 = vector.load %arg8[%get3A_38, %get3A_39] : memref<1x256xf32, #tpu.memory_space<vmem>>, vector<1x256xf32>
    %mul3A_41 = vector.broadcast %get3A_40 : vector<1x256xf32> to vector<200x256xf32>
    %mul3A_42 = arith.mulf %div3A_37, %mul3A_41 : vector<200x256xf32>
    %get3A_43 = arith.constant 0 : index
    %get3A_44 = arith.constant 0 : index
    %get3A_45 = vector.load %arg9[%get3A_43, %get3A_44] : memref<1x256xf32, #tpu.memory_space<vmem>>, vector<1x256xf32>
    %add3A_46 = vector.broadcast %get3A_45 : vector<1x256xf32> to vector<200x256xf32>
    %add3A_47 = arith.addf %mul3A_42, %add3A_46 : vector<200x256xf32>
    %max3A = arith.constant 0.000000e+00 : f32
    %max3A_48 = vector.broadcast %max3A : f32 to vector<200x256xf32>
    %max3A_49 = arith.maximumf %add3A_47, %max3A_48 : vector<200x256xf32>
    %swap3A = arith.constant 0 : index
    %swap3A_50 = arith.constant 0 : index
    %swap3A_51 = vector.load %arg14[%swap3A, %swap3A_50] : memref<200x256xf32, #tpu.memory_space<vmem>>, vector<200x256xf32>
    tpu.vector_store %arg14[%swap3A, %swap3A_50], %max3A_49 {strides = array<i32>} : memref<200x256xf32, #tpu.memory_space<vmem>>, vector<200x256xf32>,
    %get3A_52 = arith.constant 0 : index
    %get3A_53 = arith.constant 0 : index
    %get3A_54 = vector.load %arg10[%get3A_52, %get3A_53] : memref<256x128xf32, #tpu.memory_space<vmem>>, vector<256x128xf32>
    %dot_general3A = arith.constant dense<0.000000e+00> : vector<200x128xf32>
    %dot_general3A_55 = tpu.matmul %max3A_49, %get3A_54, %dot_general3A {dimension_numbers = #tpu.dot_dimension_numbers<[1], [0], [0], [1], [0, 0, 1, 1], [], []>, transpose_lhs_hint = false} : vector<200x256xf32>, vector<256x128xf32>, vector<200x128xf32> -> vector<200x128xf32>
    %get3A_56 = arith.constant 0 : index
    %get3A_57 = arith.constant 0 : index
    %get3A_58 = vector.load %arg11[%get3A_56, %get3A_57] : memref<1x128xf32, #tpu.memory_space<vmem>>, vector<1x128xf32>
    %add3A_59 = vector.broadcast %get3A_58 : vector<1x128xf32> to vector<200x128xf32>
    %add3A_60 = arith.addf %dot_general3A_55, %add3A_59 : vector<200x128xf32>
    %max3A_61 = arith.constant 0.000000e+00 : f32
    %max3A_62 = vector.broadcast %max3A_61 : f32 to vector<200x128xf32>
    %max3A_63 = arith.maximumf %add3A_60, %max3A_62 : vector<200x128xf32>
    %get3A_64 = arith.constant 0 : index
    %get3A_65 = arith.constant 0 : index
    %get3A_66 = vector.load %arg12[%get3A_64, %get3A_65] : memref<128x1xf32, #tpu.memory_space<vmem>>, vector<128x1xf32>
    %dot_general3A_67 = arith.constant dense<0.000000e+00> : vector<200x1xf32>
    %dot_general3A_68 = tpu.matmul %max3A_63, %get3A_66, %dot_general3A_67 {dimension_numbers = #tpu.dot_dimension_numbers<[1], [0], [0], [1], [0, 0, 1, 1], [], []>, transpose_lhs_hint = false} : vector<200x128xf32>, vector<128x1xf32>, vector<200x1xf32> -> vector<200x1xf32>
    %get3A_69 = arith.constant 0 : index
    %get3A_70 = arith.constant 0 : index
    %get3A_71 = vector.load %arg13[%get3A_69, %get3A_70] : memref<1x1xf32, #tpu.memory_space<vmem>>, vector<1x1xf32>
    %add3A_72 = vector.broadcast %get3A_71 : vector<1x1xf32> to vector<200x1xf32>
    %add3A_73 = arith.addf %dot_general3A_68, %add3A_72 : vector<200x1xf32>
    %swap3A_74 = arith.constant 0 : index
    %swap3A_75 = arith.constant 0 : index
    %swap3A_76 = vector.load %arg15[%swap3A_74, %swap3A_75] : memref<200x1xf32, #tpu.memory_space<vmem>>, vector<200x1xf32>
    tpu.vector_store %arg15[%swap3A_74, %swap3A_75], %add3A_73 {strides = array<i32>} : memref<200x1xf32, #tpu.memory_space<vmem>>, vector<200x1xf32>,
    %get3A_77 = arith.constant 0 : index
    %get3A_78 = arith.constant 0 : index
    %get3A_79 = vector.load %arg6[%get3A_77, %get3A_78] : memref<200x1xi32, #tpu.memory_space<vmem>>, vector<200x1xi32>
    %iota3A = tpu.iota {dimensions = array<i32: 1>} : vector<200x64xi32>
    %eq3A = vector.broadcast %get3A_79 : vector<200x1xi32> to vector<200x64xi32>
    %eq3A_80 = arith.cmpi eq, %eq3A, %iota3A : vector<200x64xi32>
    %jit3A = arith.constant 0xFF800000 : f32
    %broadcast_in_dim3A_81 = vector.shape_cast %add3A_73 : vector<200x1xf32> to vector<200x1xf32>
    %broadcast_in_dim3A_82 = vector.broadcast %broadcast_in_dim3A_81 : vector<200x1xf32> to vector<200x64xf32>
    %broadcast_in_dim3A_83 = vector.broadcast %jit3A : f32 to vector<200x64xf32>
    %select_n3A = arith.select %eq3A_80, %broadcast_in_dim3A_82, %broadcast_in_dim3A_83 : vector<200x64xi1>, vector<200x64xf32>
    %reduce_max3A = arith.constant dense<0xFF800000> : vector<64xf32>
    %reduce_max3A_84 = vector.multi_reduction <maximumf>, %select_n3A, %reduce_max3A [0] : vector<200x64xf32> to vector<64xf32>
    %broadcast_in_dim3A_85 = vector.shape_cast %reduce_max3A_84 : vector<64xf32> to vector<1x64xf32>
    %eq3A_86 = arith.constant 0 : i32
    %eq3A_87 = arith.cmpi eq, %arg0, %eq3A_86 : i32
    %convert_element_type3A = arith.extui %eq3A_87 : i1 to i32
    %cond3A = arith.constant 0 : i32
    %cond3A_88 = arith.cmpi ne, %convert_element_type3A, %cond3A : i32
    scf.if %cond3A_88 {
      %broadcast_in_dim3A_96 = arith.constant 0xFF800000 : f32
      %broadcast_in_dim3A_97 = vector.broadcast %broadcast_in_dim3A_96 : f32 to vector<1x64xf32>
      %swap3A_98 = arith.constant 0 : index
      %swap3A_99 = arith.constant 0 : index
      %swap3A_100 = vector.load %arg16[%swap3A_98, %swap3A_99] : memref<1x64xf32, #tpu.memory_space<vmem>>, vector<1x64xf32>
      tpu.vector_store %arg16[%swap3A_98, %swap3A_99], %broadcast_in_dim3A_97 {strides = array<i32>} : memref<1x64xf32, #tpu.memory_space<vmem>>, vector<1x64xf32>,
    } else {
    }
    %get3A_89 = arith.constant 0 : index
    %get3A_90 = arith.constant 0 : index
    %get3A_91 = vector.load %arg16[%get3A_89, %get3A_90] : memref<1x64xf32, #tpu.memory_space<vmem>>, vector<1x64xf32>
    %max3A_92 = arith.maximumf %get3A_91, %broadcast_in_dim3A_85 : vector<1x64xf32>
    %swap3A_93 = arith.constant 0 : index
    %swap3A_94 = arith.constant 0 : index
    %swap3A_95 = vector.load %arg16[%swap3A_93, %swap3A_94] : memref<1x64xf32, #tpu.memory_space<vmem>>, vector<1x64xf32>
    tpu.vector_store %arg16[%swap3A_93, %swap3A_94], %max3A_92 {strides = array<i32>} : memref<1x64xf32, #tpu.memory_space<vmem>>, vector<1x64xf32>,
    return
  }
  func.func @transform_0(%arg0: i32) -> (i32, i32) {
    %c0_i32 = arith.constant 0 : i32
    %c0_i32_0 = arith.constant 0 : i32
    return %arg0, %c0_i32 : i32, i32
  }
  func.func @transform_1(%arg0: i32) -> (i32, i32) {
    %add3A = arith.constant 50 : i32
    %add3A_0 = arith.addi %arg0, %add3A : i32
    %c0_i32 = arith.constant 0 : i32
    %c0_i32_1 = arith.constant 0 : i32
    return %add3A_0, %c0_i32 : i32, i32
  }
  func.func @transform_2(%arg0: i32) -> (i32, i32) {
    %c0_i32 = arith.constant 0 : i32
    %c0_i32_0 = arith.constant 0 : i32
    return %arg0, %c0_i32 : i32, i32
  }
  func.func @transform_3(%arg0: i32) -> (i32, i32) {
    %c0_i32 = arith.constant 0 : i32
    %c0_i32_0 = arith.constant 0 : i32
    return %arg0, %c0_i32 : i32, i32
  }
  func.func @transform_4(%arg0: i32) -> (i32, i32) {
    %c0_i32 = arith.constant 0 : i32
    %c0_i32_0 = arith.constant 0 : i32
    return %arg0, %c0_i32 : i32, i32
  }
  func.func @transform_5(%arg0: i32) -> (i32, i32) {
    %c0_i32 = arith.constant 0 : i32
    %c0_i32_0 = arith.constant 0 : i32
    return %arg0, %c0_i32 : i32, i32
  }
  func.func @transform_6(%arg0: i32) -> (i32, i32) {
    %c0_i32 = arith.constant 0 : i32
    %c0_i32_0 = arith.constant 0 : i32
    %c0_i32_1 = arith.constant 0 : i32
    return %c0_i32, %c0_i32_0 : i32, i32
  }
  func.func @transform_7(%arg0: i32) -> (i32, i32) {
    %c0_i32 = arith.constant 0 : i32
    %c0_i32_0 = arith.constant 0 : i32
    %c0_i32_1 = arith.constant 0 : i32
    return %c0_i32, %c0_i32_0 : i32, i32
  }
  func.func @transform_8(%arg0: i32) -> (i32, i32) {
    %c0_i32 = arith.constant 0 : i32
    %c0_i32_0 = arith.constant 0 : i32
    %c0_i32_1 = arith.constant 0 : i32
    return %c0_i32, %c0_i32_0 : i32, i32
  }
  func.func @transform_9(%arg0: i32) -> (i32, i32) {
    %c0_i32 = arith.constant 0 : i32
    %c0_i32_0 = arith.constant 0 : i32
    %c0_i32_1 = arith.constant 0 : i32
    return %c0_i32, %c0_i32_0 : i32, i32
  }
  func.func @transform_10(%arg0: i32) -> (i32, i32) {
    %c0_i32 = arith.constant 0 : i32
    %c0_i32_0 = arith.constant 0 : i32
    %c0_i32_1 = arith.constant 0 : i32
    return %c0_i32, %c0_i32_0 : i32, i32
  }
  func.func @transform_11(%arg0: i32) -> (i32, i32) {
    %c0_i32 = arith.constant 0 : i32
    %c0_i32_0 = arith.constant 0 : i32
    %c0_i32_1 = arith.constant 0 : i32
    return %c0_i32, %c0_i32_0 : i32, i32
  }
  func.func @transform_12(%arg0: i32) -> (i32, i32) {
    %c0_i32 = arith.constant 0 : i32
    %c0_i32_0 = arith.constant 0 : i32
    %c0_i32_1 = arith.constant 0 : i32
    return %c0_i32, %c0_i32_0 : i32, i32
  }
  func.func @transform_13(%arg0: i32) -> (i32, i32) {
    %c0_i32 = arith.constant 0 : i32
    %c0_i32_0 = arith.constant 0 : i32
    return %arg0, %c0_i32 : i32, i32
  }
  func.func @transform_14(%arg0: i32) -> (i32, i32) {
    %c0_i32 = arith.constant 0 : i32
    %c0_i32_0 = arith.constant 0 : i32
    return %arg0, %c0_i32 : i32, i32
  }
  func.func @transform_15(%arg0: i32) -> (i32, i32) {
    %c0_i32 = arith.constant 0 : i32
    %c0_i32_0 = arith.constant 0 : i32
    %c0_i32_1 = arith.constant 0 : i32
    return %c0_i32, %c0_i32_0 : i32, i32
  }
}

module attributes {stable_mosaic.version = 14 : i64} {
  func.func @_kd_body(%arg0: i32, %arg1: memref<200x256xf32, #tpu.memory_space<vmem>>, %arg2: memref<200x1xf32, #tpu.memory_space<vmem>>, %arg3: memref<200x1xi32, #tpu.memory_space<vmem>>, %arg4: memref<1x64xf32, #tpu.memory_space<vmem>>, %arg5: memref<256x128xf32, #tpu.memory_space<vmem>>, %arg6: memref<1x128xf32, #tpu.memory_space<vmem>>, %arg7: memref<128x2xf32, #tpu.memory_space<vmem>>, %arg8: memref<1x2xf32, #tpu.memory_space<vmem>>, %arg9: memref<64x2xf32, #tpu.memory_space<vmem>>, %arg10: memref<1x64xf32, #tpu.memory_space<vmem>>, %arg11: memref<64x256xf32, #tpu.memory_space<vmem>>) attributes {dimension_semantics = [#tpu.dimension_semantics<arbitrary>], iteration_bounds = array<i64: 50>, scalar_prefetch = 0 : i64, scratch_operands = 2 : i64, tpu.core_type = #tpu.core_type<tc>, window_params = [{transform_indices = @transform_0, window_bounds = array<i64: 200, 256>}, {transform_indices = @transform_1, window_bounds = array<i64: 200, 1>}, {transform_indices = @transform_2, window_bounds = array<i64: 200, 1>}, {pipeline_mode = #tpu.pipeline_mode<synchronous>, transform_indices = @transform_3, window_bounds = array<i64: 1, 64>}, {pipeline_mode = #tpu.pipeline_mode<synchronous>, transform_indices = @transform_4, window_bounds = array<i64: 256, 128>}, {pipeline_mode = #tpu.pipeline_mode<synchronous>, transform_indices = @transform_5, window_bounds = array<i64: 1, 128>}, {pipeline_mode = #tpu.pipeline_mode<synchronous>, transform_indices = @transform_6, window_bounds = array<i64: 128, 2>}, {pipeline_mode = #tpu.pipeline_mode<synchronous>, transform_indices = @transform_7, window_bounds = array<i64: 1, 2>}, {pipeline_mode = #tpu.pipeline_mode<synchronous>, transform_indices = @transform_8, window_bounds = array<i64: 64, 2>}]} {
    %eq3A = arith.constant 0 : i32
    %eq3A_0 = arith.cmpi eq, %arg0, %eq3A : i32
    %convert_element_type3A = arith.extui %eq3A_0 : i1 to i32
    %cond3A = arith.constant 0 : i32
    %cond3A_1 = arith.cmpi ne, %convert_element_type3A, %cond3A : i32
    scf.if %cond3A_1 {
      %broadcast_in_dim3A_37 = arith.constant 0.000000e+00 : f32
      %broadcast_in_dim3A_38 = vector.broadcast %broadcast_in_dim3A_37 : f32 to vector<1x64xf32>
      %swap3A_39 = arith.constant 0 : index
      %swap3A_40 = arith.constant 0 : index
      %swap3A_41 = vector.load %arg10[%swap3A_39, %swap3A_40] : memref<1x64xf32, #tpu.memory_space<vmem>>, vector<1x64xf32>
      tpu.vector_store %arg10[%swap3A_39, %swap3A_40], %broadcast_in_dim3A_38 {strides = array<i32>} : memref<1x64xf32, #tpu.memory_space<vmem>>, vector<1x64xf32>,
      %broadcast_in_dim3A_42 = arith.constant 0.000000e+00 : f32
      %broadcast_in_dim3A_43 = vector.broadcast %broadcast_in_dim3A_42 : f32 to vector<64x256xf32>
      %swap3A_44 = arith.constant 0 : index
      %swap3A_45 = arith.constant 0 : index
      %swap3A_46 = vector.load %arg11[%swap3A_44, %swap3A_45] : memref<64x256xf32, #tpu.memory_space<vmem>>, vector<64x256xf32>
      tpu.vector_store %arg11[%swap3A_44, %swap3A_45], %broadcast_in_dim3A_43 {strides = array<i32>} : memref<64x256xf32, #tpu.memory_space<vmem>>, vector<64x256xf32>,
    } else {
    }
    %get3A = arith.constant 0 : index
    %get3A_2 = arith.constant 0 : index
    %get3A_3 = vector.load %arg3[%get3A, %get3A_2] : memref<200x1xi32, #tpu.memory_space<vmem>>, vector<200x1xi32>
    %iota3A = tpu.iota {dimensions = array<i32: 1>} : vector<200x64xi32>
    %eq3A_4 = vector.broadcast %get3A_3 : vector<200x1xi32> to vector<200x64xi32>
    %eq3A_5 = arith.cmpi eq, %eq3A_4, %iota3A : vector<200x64xi32>
    %get3A_6 = arith.constant 0 : index
    %get3A_7 = arith.constant 0 : index
    %get3A_8 = vector.load %arg2[%get3A_6, %get3A_7] : memref<200x1xf32, #tpu.memory_space<vmem>>, vector<200x1xf32>
    %get3A_9 = arith.constant 0 : index
    %get3A_10 = arith.constant 0 : index
    %get3A_11 = vector.load %arg4[%get3A_9, %get3A_10] : memref<1x64xf32, #tpu.memory_space<vmem>>, vector<1x64xf32>
    %sub3A = vector.broadcast %get3A_8 : vector<200x1xf32> to vector<200x64xf32>
    %sub3A_12 = vector.broadcast %get3A_11 : vector<1x64xf32> to vector<200x64xf32>
    %sub3A_13 = arith.subf %sub3A, %sub3A_12 : vector<200x64xf32>
    %exp3A = math.exp %sub3A_13 : vector<200x64xf32>
    %jit3A = arith.constant 0.000000e+00 : f32
    %broadcast_in_dim3A = vector.broadcast %jit3A : f32 to vector<200x64xf32>
    %select_n3A = arith.select %eq3A_5, %exp3A, %broadcast_in_dim3A : vector<200x64xi1>, vector<200x64xf32>
    %get3A_14 = arith.constant 0 : index
    %get3A_15 = arith.constant 0 : index
    %get3A_16 = vector.load %arg10[%get3A_14, %get3A_15] : memref<1x64xf32, #tpu.memory_space<vmem>>, vector<1x64xf32>
    %reduce_sum3A = arith.constant dense<0.000000e+00> : vector<64xf32>
    %reduce_sum3A_17 = vector.multi_reduction <add>, %select_n3A, %reduce_sum3A [0] : vector<200x64xf32> to vector<64xf32>
    %broadcast_in_dim3A_18 = vector.shape_cast %reduce_sum3A_17 : vector<64xf32> to vector<1x64xf32>
    %add3A = arith.addf %get3A_16, %broadcast_in_dim3A_18 : vector<1x64xf32>
    %swap3A = arith.constant 0 : index
    %swap3A_19 = arith.constant 0 : index
    %swap3A_20 = vector.load %arg10[%swap3A, %swap3A_19] : memref<1x64xf32, #tpu.memory_space<vmem>>, vector<1x64xf32>
    tpu.vector_store %arg10[%swap3A, %swap3A_19], %add3A {strides = array<i32>} : memref<1x64xf32, #tpu.memory_space<vmem>>, vector<1x64xf32>,
    %get3A_21 = arith.constant 0 : index
    %get3A_22 = arith.constant 0 : index
    %get3A_23 = vector.load %arg11[%get3A_21, %get3A_22] : memref<64x256xf32, #tpu.memory_space<vmem>>, vector<64x256xf32>
    %get3A_24 = arith.constant 0 : index
    %get3A_25 = arith.constant 0 : index
    %get3A_26 = vector.load %arg1[%get3A_24, %get3A_25] : memref<200x256xf32, #tpu.memory_space<vmem>>, vector<200x256xf32>
    %dot_general3A = arith.constant dense<0.000000e+00> : vector<64x256xf32>
    %dot_general3A_27 = tpu.matmul %select_n3A, %get3A_26, %dot_general3A {dimension_numbers = #tpu.dot_dimension_numbers<[0], [0], [1], [1], [0, 1, 1, 1], [], []>, transpose_lhs_hint = false} : vector<200x64xf32>, vector<200x256xf32>, vector<64x256xf32> -> vector<64x256xf32>
    %add3A_28 = arith.addf %get3A_23, %dot_general3A_27 : vector<64x256xf32>
    %swap3A_29 = arith.constant 0 : index
    %swap3A_30 = arith.constant 0 : index
    %swap3A_31 = vector.load %arg11[%swap3A_29, %swap3A_30] : memref<64x256xf32, #tpu.memory_space<vmem>>, vector<64x256xf32>
    tpu.vector_store %arg11[%swap3A_29, %swap3A_30], %add3A_28 {strides = array<i32>} : memref<64x256xf32, #tpu.memory_space<vmem>>, vector<64x256xf32>,
    %eq3A_32 = arith.constant 49 : i32
    %eq3A_33 = arith.cmpi eq, %arg0, %eq3A_32 : i32
    %convert_element_type3A_34 = arith.extui %eq3A_33 : i1 to i32
    %cond3A_35 = arith.constant 0 : i32
    %cond3A_36 = arith.cmpi ne, %convert_element_type3A_34, %cond3A_35 : i32
    scf.if %cond3A_36 {
      %get3A_37 = arith.constant 0 : index
      %get3A_38 = arith.constant 0 : index
      %get3A_39 = vector.load %arg10[%get3A_37, %get3A_38] : memref<1x64xf32, #tpu.memory_space<vmem>>, vector<1x64xf32>
      %gt3A = arith.constant 0.000000e+00 : f32
      %gt3A_40 = vector.broadcast %gt3A : f32 to vector<1x64xf32>
      %gt3A_41 = arith.cmpf ogt, %get3A_39, %gt3A_40 : vector<1x64xf32>
      %jit3A_42 = arith.constant 1.000000e+00 : f32
      %broadcast_in_dim3A_43 = vector.broadcast %jit3A_42 : f32 to vector<1x64xf32>
      %select_n3A_44 = arith.select %gt3A_41, %get3A_39, %broadcast_in_dim3A_43 : vector<1x64xi1>, vector<1x64xf32>
      %div3A = arith.constant 1.000000e+00 : f32
      %div3A_45 = vector.broadcast %div3A : f32 to vector<1x64xf32>
      %div3A_46 = arith.divf %div3A_45, %select_n3A_44 : vector<1x64xf32>
      %iota3A_47 = tpu.iota {dimensions = array<i32: 0>} : vector<64x64xi32>
      %iota3A_48 = tpu.iota {dimensions = array<i32: 1>} : vector<64x64xi32>
      %eq3A_49 = arith.cmpi eq, %iota3A_47, %iota3A_48 : vector<64x64xi32>
      %jit3A_50 = arith.constant 0.000000e+00 : f32
      %broadcast_in_dim3A_51 = vector.shape_cast %div3A_46 : vector<1x64xf32> to vector<1x64xf32>
      %broadcast_in_dim3A_52 = vector.broadcast %broadcast_in_dim3A_51 : vector<1x64xf32> to vector<64x64xf32>
      %broadcast_in_dim3A_53 = vector.broadcast %jit3A_50 : f32 to vector<64x64xf32>
      %select_n3A_54 = arith.select %eq3A_49, %broadcast_in_dim3A_52, %broadcast_in_dim3A_53 : vector<64x64xi1>, vector<64x64xf32>
      %get3A_55 = arith.constant 0 : index
      %get3A_56 = arith.constant 0 : index
      %get3A_57 = vector.load %arg11[%get3A_55, %get3A_56] : memref<64x256xf32, #tpu.memory_space<vmem>>, vector<64x256xf32>
      %dot_general3A_58 = arith.constant dense<0.000000e+00> : vector<64x256xf32>
      %dot_general3A_59 = tpu.matmul %select_n3A_54, %get3A_57, %dot_general3A_58 {dimension_numbers = #tpu.dot_dimension_numbers<[1], [0], [0], [1], [0, 0, 1, 1], [], []>, transpose_lhs_hint = false} : vector<64x64xf32>, vector<64x256xf32>, vector<64x256xf32> -> vector<64x256xf32>
      %get3A_60 = arith.constant 0 : index
      %get3A_61 = arith.constant 0 : index
      %get3A_62 = vector.load %arg5[%get3A_60, %get3A_61] : memref<256x128xf32, #tpu.memory_space<vmem>>, vector<256x128xf32>
      %dot_general3A_63 = arith.constant dense<0.000000e+00> : vector<64x128xf32>
      %dot_general3A_64 = tpu.matmul %dot_general3A_59, %get3A_62, %dot_general3A_63 {dimension_numbers = #tpu.dot_dimension_numbers<[1], [0], [0], [1], [0, 0, 1, 1], [], []>, transpose_lhs_hint = false} : vector<64x256xf32>, vector<256x128xf32>, vector<64x128xf32> -> vector<64x128xf32>
      %get3A_65 = arith.constant 0 : index
      %get3A_66 = arith.constant 0 : index
      %get3A_67 = vector.load %arg6[%get3A_65, %get3A_66] : memref<1x128xf32, #tpu.memory_space<vmem>>, vector<1x128xf32>
      %add3A_68 = vector.broadcast %get3A_67 : vector<1x128xf32> to vector<64x128xf32>
      %add3A_69 = arith.addf %dot_general3A_64, %add3A_68 : vector<64x128xf32>
      %max3A = arith.constant 0.000000e+00 : f32
      %max3A_70 = vector.broadcast %max3A : f32 to vector<64x128xf32>
      %max3A_71 = arith.maximumf %add3A_69, %max3A_70 : vector<64x128xf32>
      %get3A_72 = arith.constant 0 : index
      %get3A_73 = arith.constant 0 : index
      %get3A_74 = vector.load %arg7[%get3A_72, %get3A_73] : memref<128x2xf32, #tpu.memory_space<vmem>>, vector<128x2xf32>
      %dot_general3A_75 = arith.constant dense<0.000000e+00> : vector<64x2xf32>
      %dot_general3A_76 = tpu.matmul %max3A_71, %get3A_74, %dot_general3A_75 {dimension_numbers = #tpu.dot_dimension_numbers<[1], [0], [0], [1], [0, 0, 1, 1], [], []>, transpose_lhs_hint = false} : vector<64x128xf32>, vector<128x2xf32>, vector<64x2xf32> -> vector<64x2xf32>
      %get3A_77 = arith.constant 0 : index
      %get3A_78 = arith.constant 0 : index
      %get3A_79 = vector.load %arg8[%get3A_77, %get3A_78] : memref<1x2xf32, #tpu.memory_space<vmem>>, vector<1x2xf32>
      %add3A_80 = vector.broadcast %get3A_79 : vector<1x2xf32> to vector<64x2xf32>
      %add3A_81 = arith.addf %dot_general3A_76, %add3A_80 : vector<64x2xf32>
      %swap3A_82 = arith.constant 0 : index
      %swap3A_83 = arith.constant 0 : index
      %swap3A_84 = vector.load %arg9[%swap3A_82, %swap3A_83] : memref<64x2xf32, #tpu.memory_space<vmem>>, vector<64x2xf32>
      tpu.vector_store %arg9[%swap3A_82, %swap3A_83], %add3A_81 {strides = array<i32>} : memref<64x2xf32, #tpu.memory_space<vmem>>, vector<64x2xf32>,
    } else {
    }
    return
  }
  func.func @transform_0(%arg0: i32) -> (i32, i32) {
    %c0_i32 = arith.constant 0 : i32
    %c0_i32_0 = arith.constant 0 : i32
    return %arg0, %c0_i32 : i32, i32
  }
  func.func @transform_1(%arg0: i32) -> (i32, i32) {
    %c0_i32 = arith.constant 0 : i32
    %c0_i32_0 = arith.constant 0 : i32
    return %arg0, %c0_i32 : i32, i32
  }
  func.func @transform_2(%arg0: i32) -> (i32, i32) {
    %c0_i32 = arith.constant 0 : i32
    %c0_i32_0 = arith.constant 0 : i32
    return %arg0, %c0_i32 : i32, i32
  }
  func.func @transform_3(%arg0: i32) -> (i32, i32) {
    %c0_i32 = arith.constant 0 : i32
    %c0_i32_0 = arith.constant 0 : i32
    %c0_i32_1 = arith.constant 0 : i32
    return %c0_i32, %c0_i32_0 : i32, i32
  }
  func.func @transform_4(%arg0: i32) -> (i32, i32) {
    %c0_i32 = arith.constant 0 : i32
    %c0_i32_0 = arith.constant 0 : i32
    %c0_i32_1 = arith.constant 0 : i32
    return %c0_i32, %c0_i32_0 : i32, i32
  }
  func.func @transform_5(%arg0: i32) -> (i32, i32) {
    %c0_i32 = arith.constant 0 : i32
    %c0_i32_0 = arith.constant 0 : i32
    %c0_i32_1 = arith.constant 0 : i32
    return %c0_i32, %c0_i32_0 : i32, i32
  }
  func.func @transform_6(%arg0: i32) -> (i32, i32) {
    %c0_i32 = arith.constant 0 : i32
    %c0_i32_0 = arith.constant 0 : i32
    %c0_i32_1 = arith.constant 0 : i32
    return %c0_i32, %c0_i32_0 : i32, i32
  }
  func.func @transform_7(%arg0: i32) -> (i32, i32) {
    %c0_i32 = arith.constant 0 : i32
    %c0_i32_0 = arith.constant 0 : i32
    %c0_i32_1 = arith.constant 0 : i32
    return %c0_i32, %c0_i32_0 : i32, i32
  }
  func.func @transform_8(%arg0: i32) -> (i32, i32) {
    %c0_i32 = arith.constant 0 : i32
    %c0_i32_0 = arith.constant 0 : i32
    %c0_i32_1 = arith.constant 0 : i32
    return %c0_i32, %c0_i32_0 : i32, i32
  }
}

</mosaic_0001>

<sc_bundles>
// kernel: kernel.12.cloned.1.call-start
scs
__scs_entry_jumppad:
0x0: {  	(pc) =	sbr.rel $0x88, $3  }
0x1: {  	(tag) =	ssettag $0x0;
	lr =	simm.s32 $0x1  }
0x2: {  	[smem:$0x3F8D] =	sst lr;
	_ =	strace $0xD0000000  }
0x3: {  	_ = 	snop  }
0x4: {  	_ = 	snop  }
0x5: {  	_ = 	snop  }
0x6: {  	_ = 	snop  }
0x7: {  	_ = 	snop  }
__scs_overlays_trampoline_lowered:
0x8: {  	[smem:$0x3F9C] =	sst s0  }
0x9: {  	[smem:$0x3F9D] =	sst s1  }
0xa: {  	[smem:$0x3F9E] =	sst s2  }
0xb: {  	[smem:$0x3F9F] =	sst s3  }
0xc: {  	[smem:$0x3FA0] =	sst s4  }
0xd: {  	[smem:$0x3FA1] =	sst s5  }
0xe: {  	[smem:$0x3FA2] =	sst s6  }
0xf: {  	[smem:$0x3FA3] =	sst s7  }
0x10: {  	[smem:$0x3FA4] =	sst s8  }
0x11: {  	[smem:$0x3FA5] =	sst s9;
	s0 =	simm.s32 @!p0 $0x0  }
0x12: {  	s1 =	sld [smem:$0x3F8B];
	s0 =	simm.s32 @p0 $0x1  }
0x13: {  	[smem:$0x3FA6] =	sst s0;
	s0 =	simm.s32 @!p1 $0x0  }
0x14: {  	s2 =	sld [smem:$0x3F8A];
	s0 =	simm.s32 @p1 $0x1  }
0x15: {  	[smem:$0x3FA7] =	sst s0;
	s0 =	simm.s32 @!p2 $0x0  }
0x16: {  	s3 =	sld [smem:$0x3FDB];
	s0 =	simm.s32 @p2 $0x1  }
0x17: {  	s4 =	simm.s32 $0x1BF5;
	[smem:$0x3FA9] =	sst s0  }
0x18: {  	s0 =	sld [smem:$0x3F8C];
	_ =	swait.ge [sflag:s4], $0x0  }
0x19: {  	s7 =	sld [smem:$0x3F8D]  }
0x1a: {  	s8 =	sadd.s32 $0xFFFFE003, lr  }
0x1b: {  	s9 =	sadd.s32 $0xFFFFFEF7, lr;
	s5 =	simm.s32 $0xFFFFFFFF;
	p2 =	slt.u32 s8, $0xFFFFF086  }
0x1c: {  	p1 =	slt.u32 s9, $0xF7A;
	s5 =	simm.s32 @!p2 $0x0  }
0x1d: {  	s5 =	simm.s32 @p1 $0x1;
	p0 =	seq.s32 s7, s2  }
0x1e: {  	s7 =	smul.u32 @!p0 $0xF7A, s2;
	p2 =	seq.s32 @!p0 s5, $0x0  }
0x1f: {  	s9 =	smul.u32 $0xF7A, s1;
	s8 =	simm.s32 @!p0 $0x1BF5;
	p2 =	por !p2, p0  }
0x20: {  	[sflag:s8] =	ssyncset.s32 @!p0 $0xFFFFF086;
	s6 =	sadd.s32 @!p0 s3, s7;
	s7 =	simm.s32 @!p0 $0x108  }
0x21: {  	s3 =	sadd.s32 s3, s9;
	s6 =	sadd.s32 @!p0 $0x88, s6;
	s7 =	simm.s32 @p2 $0x1082  }
0x22: {  	[simem:s7], [sflag:s8] =	dma.local @!p0 [hbm:s6], $0xF7A  }
0x23: {  	s9 =	sor.u32 $0xD0000000, s2;
	s6 =	simm.s32 $0x108;
	_ =	swait.ge @!p0 [sflag:s8], $0x0  }
0x24: {  	s3 =	sadd.s32 $0x88, s3;
	s6 =	simm.s32 @!p1 $0x1082;
	[sflag:s4] =	ssyncset.s32 $0xFFFFF086  }
0x25: {  	[simem:s6], [sflag:s4] =	dma.local [hbm:s3], $0xF7A  }
0x26: {  	[smem:$0x3F8D] =	sst s1;
	(tag) =	ssettag s2;
	_ =	strace s9  }
0x27: {  	s1 =	sld [smem:$0x3F9D]  }
0x28: {  	s2 =	sld [smem:$0x3F9E]  }
0x29: {  	s4 =	sld [smem:$0x3FA0]  }
0x2a: {  	p0 =	seq.s32 s5, $0x0;
	s5 =	sld [smem:$0x3FA1]  }
0x2b: {  	s6 =	sld [smem:$0x3FA2]  }
0x2c: {  	s7 =	sld [smem:$0x3FA3]  }
0x2d: {  	s3 =	simm.s32 $0x108;
	s8 =	sld [smem:$0x3FA4]  }
0x2e: {  	s3 =	simm.s32 @!p0 $0x1082;
	s9 =	sld [smem:$0x3FA5]  }
0x2f: {  	lr =	sadd.s32 s0, s3;
	s0 =	sld [smem:$0x3F9C]  }
0x30: {  	s3 =	sld [smem:$0x3F9F]  }
0x31: {  	[smem:$0x3FA8] =	sst s10  }
0x32: {  	s10 =	sld [smem:$0x3FA6];
	_ =	sdelay $0x3  }
0x33: {  	p0 =	seq.s32 s10, $0x1;
	s10 =	sld [smem:$0x3FA8];
	_ =	sdelay $0x3  }
0x34: {  	[smem:$0x3FA8] =	sst s10  }
0x35: {  	s10 =	sld [smem:$0x3FA7];
	_ =	sdelay $0x3  }
0x36: {  	p1 =	seq.s32 s10, $0x1;
	s10 =	sld [smem:$0x3FA8];
	_ =	sdelay $0x3  }
0x37: {  	[smem:$0x3FA8] =	sst s10  }
0x38: {  	s10 =	sld [smem:$0x3FA9]  }
0x39: {  	_ = 	snop;
	(pc) =	sbr.ind lr, $3  }
0x3a: {  	_ = 	snop  }
0x3b: {  	_ = 	snop  }
0x3c: {  	p2 =	seq.s32 s10, $0x1;
	s10 =	sld [smem:$0x3FA8]  }
0x3d: {  	_ =	shalt  }
0x3e: {  	_ =	shalt  }
0x3f: {  	_ =	shalt  }
0x40: {  	_ =	shalt  }
0x41: {  	_ =	shalt  }
0x42: {  	_ =	shalt  }
0x43: {  	_ =	shalt  }
0x44: {  	_ =	shalt  }
0x45: {  	_ =	shalt  }
0x46: {  	_ =	shalt  }
0x47: {  	_ =	shalt  }
0x48: {  	_ =	shalt  }
0x49: {  	_ =	shalt  }
0x4a: {  	_ =	shalt  }
0x4b: {  	_ =	shalt  }
0x4c: {  	_ =	shalt  }
0x4d: {  	_ =	shalt  }
0x4e: {  	_ =	shalt  }
0x4f: {  	_ =	shalt  }
0x50: {  	_ =	shalt  }
0x51: {  	_ =	shalt  }
0x52: {  	_ =	shalt  }
0x53: {  	_ =	shalt  }
0x54: {  	_ =	shalt  }
0x55: {  	_ =	shalt  }
0x56: {  	_ =	shalt  }
0x57: {  	_ =	shalt  }
0x58: {  	_ =	shalt  }
0x59: {  	_ =	shalt  }
0x5a: {  	_ =	shalt  }
0x5b: {  	_ =	shalt  }
0x5c: {  	_ =	shalt  }
0x5d: {  	_ =	shalt  }
0x5e: {  	_ =	shalt  }
0x5f: {  	_ =	shalt  }
0x60: {  	_ =	shalt  }
0x61: {  	_ =	shalt  }
0x62: {  	_ =	shalt  }
0x63: {  	_ =	shalt  }
0x64: {  	_ =	shalt  }
0x65: {  	_ =	shalt  }
0x66: {  	_ =	shalt  }
0x67: {  	_ =	shalt  }
0x68: {  	_ =	shalt  }
0x69: {  	_ =	shalt  }
0x6a: {  	_ =	shalt  }
0x6b: {  	_ =	shalt  }
0x6c: {  	_ =	shalt  }
0x6d: {  	_ =	shalt  }
0x6e: {  	_ =	shalt  }
0x6f: {  	_ =	shalt  }
0x70: {  	_ =	shalt  }
0x71: {  	_ =	shalt  }
0x72: {  	_ =	shalt  }
0x73: {  	_ =	shalt  }
0x74: {  	_ =	shalt  }
0x75: {  	_ =	shalt  }
0x76: {  	_ =	shalt  }
0x77: {  	_ =	shalt  }
0x78: {  	_ =	shalt  }
0x79: {  	_ =	shalt  }
0x7a: {  	_ =	shalt  }
0x7b: {  	_ =	shalt  }
0x7c: {  	_ =	shalt  }
0x7d: {  	_ =	shalt  }
0x7e: {  	_ =	shalt  }
0x7f: {  	_ =	shalt  }
0x80: {  	_ =	shalt  }
0x81: {  	_ =	shalt  }
0x82: {  	_ =	shalt  }
0x83: {  	_ =	shalt  }
0x84: {  	_ =	shalt  }
0x85: {  	_ =	shalt  }
0x86: {  	_ =	shalt  }
0x87: {  	_ =	shalt  }
.Lfunc_end0:
.L_simem_size_0:
called_computation.1_lowered:
.L_overlay_start_0:
0x88: {  	s2 =	sld [smem:$0x3FD9]  }
0x89: {  	s3 =	sld [smem:$0x3FFE];
	_ =	sdelay $0x1  }
0x8a: {  	s1 =	srdreg.scid  }
0x8b: {  	s0 =	sand.u32 $0x1, s1  }
0x8c: {  	s16 =	sshll.u32 s0, $0xA;
	s2 =	sadd.s32 s3, s2  }
0x8d: {  	s2 =	sadd.s32 s2, s16  }
0x8e: {  	[smem:$0x3FB4] =	sst s2  }
0x8f: {  	_ = 	snop  }
0x90: {  	(tm) =	ssettm $0x1  }
0x91: {  	s17 =	sld [smem:$0x3FFB];
	_ =	sdelay $0x3  }
0x92: {  	_ =	strace s17  }
0x93: {  	s2 =	sld [smem:$0x3FFC];
	_ =	sdelay $0x3  }
0x94: {  	_ =	strace s2  }
0x95: {  	s2 =	sld [smem:$0x3FFD];
	_ =	sdelay $0x3  }
0x96: {  	_ =	strace s2  }
0x97: {  	_ =	strace $0x8FFFFFFF  }
0x98: {  	s18 =	sld [smem:$0x3FDB];
	_ =	sdelay $0x1  }
0x99: {  	s19 =	simm.s32 $_scs_section_size  }
0x9a: {  	s4 =	simm.s32 $_size__tile_overlayer_lowered;
	s5 =	simm.s32 $_tile_overlayer_lowered  }
0x9b: {  	s22 =	simm.s32 $0x1BFF;
	s21 =	sshll.u32 s5, $0x1;
	s2 =	sadd.s32 s19, s18  }
0x9c: {  	s6 =	simm.s32 $0x0;
	s20 =	sshll.u32 s4, $0x1;
	s4 =	sadd.s32 s21, s2  }
0x9d: {  	[timem:s6], [sflag:s22] =	dma.local [hbm:s4], s20  }
0x9e: {  	_ =	swait.ge [sflag:s22], s20  }
0x9f: {  	s3 =	ssub.s32 $0x0, s20;
	[sflag:s22] =	ssyncset.done $0x0  }
0xa0: {  	[sflag:s22] =	ssyncadd.s32 s3;
	_ =	sdelay $0x1  }
0xa1: {  	s23 =	simm.s32 $0x1B8B  }
0xa2: {  	_ =	swait.ge [sflag:s23], $0x1  }
0xa3: {  	[sflag:s23] =	ssyncset.done $0x0  }
0xa4: {  	s25 =	simm.s32 $0x1B8E;
	s24 =	sld [smem:$0x3FFE];
	[sflag:s23] =	ssyncadd.s32 $0xFFFFFFFF  }
0xa5: {  	s26 =	simm.s32 $execute0_lowered;
	[smem:$0x3FD2] =	sst s25  }
0xa6: {  	s4 =	sshll.u32 s26, $0x1;
	_ =	strace $0x80000049;
	[dreg:$0x1] =	wrdreg $0xFFFFFFFF  }
0xa7: {  	s28 =	simm.s32 $_size_execute0_lowered;
	s2 =	sadd.s32 s2, s4;
	[dreg:$0x0] =	wrdreg $0x0  }
0xa8: {  	s4 =	sshll.u32 s28, $0x1;
	[dreg:$0x2] =	wrdreg s2  }
0xa9: {  	[dreg:$0x3] =	wrdreg s4  }
0xaa: {  	[dreg:$0x4] =	wrdreg $0xC0  }
0xab: {  	_ =	task [dreg:s6], $0x5FFFF  }
0xac: {  	[dreg:$0x1] =	wrdreg $0xFFFFFFFF  }
0xad: {  	[dreg:$0x0] =	wrdreg $0x60  }
0xae: {  	[dreg:$0x2] =	wrdreg s24  }
0xaf: {  	[dreg:$0x3] =	wrdreg $0x93000  }
0xb0: {  	[dreg:$0x4] =	wrdreg $0x9  }
0xb1: {  	_ =	task.clear_ibuf [dreg:s6], $0x5FFFF;
	_ =	strace $0x90000049  }
0xb2: {  	s29 =	simm.s32 $0x9;
	_ =	strace $0x8000004B  }
0xb3: {  	_ =	swait.ge [sflag:s29], $0x1  }
0xb4: {  	[sflag:s29] =	ssyncadd.s32 $0xFFFFFFFF  }
0xb5: {  	_ =	strace $0x9000004B  }
0xb6: {  	_ =	sfence  }
0xb7: {  	s30 =	sld [smem:$0x0];
	_ =	sdelay $0x2  }
0xb8: {  	s31 =	sshll.u32 s1, $0xD;
	s1 =	sshrl.u32 s1, $0x2  }
0xb9: {  	s3 =	sand.u32 $0x4000, s31;
	s1 =	sadd.s32 s1, s30  }
0xba: {  	s0 =	sor.u32 s3, s0;
	s1 =	sshll.u32 s1, $0x11  }
0xbb: {  	s0 =	sor.u32 s1, s0  }
0xbc: {  	s0 =	sadd.s32 $0x8F2B, s0  }
0xbd: {  	[sflag:s0] =	ssyncadd.remote.s32 $0x1  }
0xbe: {  	_ =	sfence.sel $0xFFFF  }
0xbf: {  	[dreg:$0x0] =	wrdreg $0xFFFFFFFF;
	(pc) =	sbr.abs _section_cstart, $3  }
0xc0: {  	[dreg:$0x1] =	wrdreg $0xFFFFFFFF  }
0xc1: {  	_ =	task.clear_ibuf [dreg:s6], $0x2FFFF;
	_ =	strace $0x9FFFFFFF  }
0xc2: {  	(tm) =	ssettm $0x7FFFFFFF  }
0xc3: {  	_ =	shalt  }
tec
execute0_lowered:
.L_overlay_start_1:
0x0: {  	(tag) =	ssettag $0x1  }
0x1: {  	s0 =	rddreg [dreg:$0x0]  }
0x2: {  	s1 =	rddreg [dreg:$0x1];
	s2 =	simm.s32 $0x0;
	s4 =	srdreg.scid  }
0x3: {  	s5 =	stileid.u32;
	s28 =	simm.s32 $0x4200;
	s29 =	simm.s32 $0x1  }
0x4: {  	s30 =	simm.s32 $0x2;
	s31 =	simm.s32 $0x3;
	s6 =	smul.u32 $0x270, s5  }
0x5: {  	[smem:$0x7FF] =	sst s2;
	s3 =	sadd.s32 $0x8E600, s0;
	s9 =	smul.u32 $0x4E20, s5  }
0x6: {  	s4 =	sand.u32 $0x1, s4;
	s7 =	sadd.s32 $0x5600, s0;
	s11 =	smul.u32 $0x4E000, s5  }
0x7: {  	s0 =	sadd.s32 $0xDC800, s0;
	s23 =	smul.u32 $0x9C4, s5;
	p0 =	sne.s32 s5, $0x0  }
0x8: {  	s5 =	simm.s32 $0x8200;
	_ =	strace $0x8000004A;
	s16 =	smul.u32 $0x2710, s4  }
0x9: {  	s8 =	ssub.s32 $0x2, s4;
	s20 =	smul.u32 $0x138800, s4;
	s4 =	sadd.s32 $0x138000, s1  }
0xa: {  	s10 =	sshrl.u32 s8, $0x1;
	s9 =	sshrl.u32 s9, $0x3;
	s22 =	sshrl.u32 s11, $0x2  }
0xb: {  	s8 =	ssub.s32 s8, s10;
	s9 =	sadd.s32 s7, s9;
	s21 =	sshrl.u32 s20, $0x3  }
0xc: {  	s6 =	sadd.s32 s6, s16;
	v0 =	vmov s16;
	s16 =	simm.s32 $0x0;
	s12 =	sadd.s32 $0x9C0, s9  }
0xd: {  	s9 =	sadd.s32 $0xA600, s9;
	s8 =	smax.u32 s8, $0x1;
	[dreg:$0x3] =	wrdreg s12  }
0xe: {  	s6 =	sshll.u32 s6, $0x4;
	[dreg:$0x4] =	wrdreg s9;
	s9 =	sadd.s32 s0, s21  }
0xf: {  	[dreg:$0x6] =	wrdreg s8;
	s14 =	sadd.s32 s0, s6;
	s9 =	sadd.s32 $0x27000, s9  }
0x10: {  	s21 =	sadd.s32 s23, s7;
	s0 =	sadd.s32 $0x680, s14;
	[dreg:$0x5] =	wrdreg s9  }
0x11: {  	s23 =	simm.s32 $0x5;
	s6 =	sadd.s32 $0xD00, s14;
	[dreg:$0x7] =	wrdreg s0  }
0x12: {  	s7 =	simm.s32 $0x20;
	s24 =	sadd.s32 $0x1380, s14;
	[dreg:$0x8] =	wrdreg s6  }
0x13: {  	s8 =	simm.s32 $0x8300;
	s25 =	sadd.s32 $0x1A00, s14;
	[dreg:$0x9] =	wrdreg s24  }
0x14: {  	s26 =	sadd.s32 $0x2080, s14;
	s9 =	sadd.s32 s22, s1;
	[dreg:$0xa] =	wrdreg s25  }
0x15: {  	[dreg:$0xb] =	wrdreg s26;
	s22 =	simm.s32 $0x200;
	s24 =	simm.s32 $0x80  }
0x16: {  	s25 =	simm.s32 $0x100;
	s26 =	simm.s32 $0x180;
	s0 =	simm.s32 $0x4  }
0x17: {  	s6 =	simm.s32 $0x8280;
	s10 =	sadd.s32 $0x3400, s9;
	s11 =	sadd.s32 $0x6800, s9  }
0x18: {  	v1 =	vimm.f32 $0.0e+00;
	s12 =	sadd.s32 $0x9C00, s9;
	s13 =	sadd.s32 $0xD000, s9;
	s15 =	sadd.s32 $0x10400, s9  }
.LBB2_1:
0x19: {  	s17 =	sand.u32 $0xFE00, s2  }
0x1a: {  	s18 =	sand.u32 $0x70, s2;
	s19 =	sshrl.u32 s17, $0x2  }
0x1b: {  	s17 =	simm.s32 $0x40;
	s19 =	sor.u32 s18, s19;
	s18 =	simm.s32 $0x0  }
.LBB2_2:
0x1c: {  	p1 =	sne.s32 s17, $0xFFC0  }
0x1d: {  	[tilespmem:s19+$0x200] =	vst v1;
	s18 =	sadd.s32 $0x10, s18;
	s19 =	smov.u32 s17;
	s17 =	sadd.s32 $0x40, s17  }
.Ltmp0:
0x1e: {  	(pc) =	sbr.rel @p1 .LBB2_2-.Ltmp0, $4  }
0x1f: {  	_ = 	snop  }
0x20: {  	s19 =	sand.u32 $0xFE00, s19  }
0x21: {  	s20 =	sand.u32 $0x70, s18;
	s19 =	sshrl.u32 s19, $0x2  }
0x22: {  	s19 =	sor.u32 s20, s19  }
0x23: {  	[tilespmem:s19+$0x200] =	vst v1  }
0x24: {  	[spmem:s9] =	stream.linear.scatter [tilespmem:s22], [sflag:$0x5], $0x3400, $0x38;
	[tilespmem:$0x1CB80] =	vst v63  }
0x25: {  	_ =	swait.ge [sflag:s23], $0x3400  }
0x26: {  	[sflag:s23] =	ssyncset.done $0x0  }
0x27: {  	[sflag:s23] =	ssyncadd.s32 $0xFFFFCC00  }
0x28: {  	[spmem:s10] =	stream.linear.scatter [tilespmem:s22], [sflag:$0x5], $0x3400, $0x38;
	[tilespmem:$0x1CB80] =	vst v63  }
0x29: {  	_ =	swait.ge [sflag:s23], $0x3400  }
0x2a: {  	[sflag:s23] =	ssyncset.done $0x0  }
0x2b: {  	[sflag:s23] =	ssyncadd.s32 $0xFFFFCC00  }
0x2c: {  	[spmem:s11] =	stream.linear.scatter [tilespmem:s22], [sflag:$0x5], $0x3400, $0x38;
	[tilespmem:$0x1CB80] =	vst v63  }
0x2d: {  	_ =	swait.ge [sflag:s23], $0x3400  }
0x2e: {  	[sflag:s23] =	ssyncset.done $0x0  }
0x2f: {  	[sflag:s23] =	ssyncadd.s32 $0xFFFFCC00  }
0x30: {  	[spmem:s12] =	stream.linear.scatter [tilespmem:s22], [sflag:$0x5], $0x3400, $0x38;
	[tilespmem:$0x1CB80] =	vst v63  }
0x31: {  	_ =	swait.ge [sflag:s23], $0x3400  }
0x32: {  	[sflag:s23] =	ssyncset.done $0x0  }
0x33: {  	[sflag:s23] =	ssyncadd.s32 $0xFFFFCC00  }
0x34: {  	[spmem:s13] =	stream.linear.scatter [tilespmem:s22], [sflag:$0x5], $0x3400, $0x38;
	[tilespmem:$0x1CB80] =	vst v63  }
0x35: {  	_ =	swait.ge [sflag:s23], $0x3400  }
0x36: {  	[sflag:s23] =	ssyncset.done $0x0  }
0x37: {  	[sflag:s23] =	ssyncadd.s32 $0xFFFFCC00  }
0x38: {  	[spmem:s15] =	stream.linear.scatter [tilespmem:s22], [sflag:$0x5], $0x3400, $0x38;
	[tilespmem:$0x1CB80] =	vst v63  }
0x39: {  	_ =	swait.ge [sflag:s23], $0x3400  }
0x3a: {  	[sflag:s23] =	ssyncset.done $0x0  }
0x3b: {  	s17 =	simm.s32 @!p0 $0x200;
	[sflag:s23] =	ssyncadd.s32 $0xFFFFCC00  }
0x3c: {  	[spmem:s4] =	stream.linear.scatter @!p0 [tilespmem:s17], [sflag:$0x5], $0x800, $0x38;
	[tilespmem:$0x1CB80] =	vst v63  }
0x3d: {  	s17 =	simm.s32 @!p0 $0x5  }
0x3e: {  	_ =	swait.ge @!p0 [sflag:s17], $0x800  }
0x3f: {  	[sflag:s17] =	ssyncset.done @!p0 $0x0  }
0x40: {  	[sflag:s17] =	ssyncadd.s32 @!p0 $0xFFFFF800  }
0x41: {  	s19 =	sadd.s32 $0x0, s21;
	[bflag:$0x0] =	sbarrier.arrive $0xFFFF  }
0x42: {  	[tilespmem:s2], [sflag:$0x5] =	stream.linear.gather [hbm4b:s19+s2], $0x80, $0x38;
	[tilespmem:$0x1CB80] =	vst v63  }
0x43: {  	_ =	swait.ge [sflag:s23], $0x80  }
0x44: {  	[sflag:s23] =	ssyncset.done $0x0  }
0x45: {  	s18 =	sadd.s32 $0x9C40, s19;
	[sflag:s23] =	ssyncadd.s32 $0xFFFFFF80  }
0x46: {  	[tilespmem:s24], [sflag:$0x5] =	stream.linear.gather [hbm4b:s18+s2], $0x80, $0x38;
	[tilespmem:$0x1CB80] =	vst v63  }
0x47: {  	_ =	swait.ge [sflag:s23], $0x80  }
0x48: {  	[sflag:s23] =	ssyncset.done $0x0  }
0x49: {  	[sflag:s23] =	ssyncadd.s32 $0xFFFFFF80  }
0x4a: {  	v2 =	vld [tilespmem:$0x30]  }
0x4b: {  	v3 =	vld [tilespmem:$0x10]  }
0x4c: {  	v4 =	vld [tilespmem:$0x0];
	_ =	sdelay $0x1  }
0x4d: {  	v6 =	vld [tilespmem:$0x20]  }
0x4e: {  	v5 =	vld [tilespmem:$0x40]  }
0x4f: {  	v7 =	vld [tilespmem:$0x60];
	v2 =	vadd.s32 v0, v2  }
0x50: {  	v4 =	vadd.s32 v0, v4;
	[tilespmem:$0x30] =	vst v2;
	v2 =	vadd.s32 v0, v3;
	v3 =	vld [tilespmem:$0x70]  }
0x51: {  	v8 =	vld [tilespmem:$0x50];
	[tilespmem:$0x0] =	vst v4  }
0x52: {  	v4 =	vadd.s32 v0, v6;
	[tilespmem:$0x10] =	vst v2  }
0x53: {  	v2 =	vadd.s32 v0, v5;
	[tilespmem:$0x20] =	vst v4  }
0x54: {  	[tilespmem:$0x40] =	vst v2;
	v2 =	vadd.s32 v0, v7  }
0x55: {  	[tilespmem:$0x60] =	vst v2;
	v2 =	vadd.s32 v0, v3  }
0x56: {  	v3 =	vadd.s32 v0, v8;
	[tilespmem:$0x70] =	vst v2  }
0x57: {  	[tilespmem:$0x50] =	vst v3  }
0x58: {  	[tilespmem:s22], [sflag:$0x1] =	stream.indirect.gather [hbm4b:s3+s24], $0x80, s2, s24, $0xb8;
	[tilespmem:$0x1CB80] =	vst v63  }
0x59: {  	s20 =	sadd.s32 $0x10, s19  }
0x5a: {  	[tilespmem:s25], [sflag:$0x5] =	stream.linear.gather [hbm4b:s20+s2], $0x80, $0x38;
	[tilespmem:$0x1CB80] =	vst v63  }
0x5b: {  	_ =	swait.ge [sflag:s23], $0x80  }
0x5c: {  	[sflag:s23] =	ssyncset.done $0x0  }
0x5d: {  	s17 =	sadd.s32 $0x9C50, s19;
	[sflag:s23] =	ssyncadd.s32 $0xFFFFFF80  }
0x5e: {  	[tilespmem:s26], [sflag:$0x5] =	stream.linear.gather [hbm4b:s17+s2], $0x80, $0x38;
	[tilespmem:$0x1CB80] =	vst v63  }
0x5f: {  	_ =	swait.ge [sflag:s23], $0x80  }
0x60: {  	[sflag:s23] =	ssyncset.done $0x0  }
0x61: {  	[sflag:s23] =	ssyncadd.s32 $0xFFFFFF80  }
0x62: {  	v2 =	vld [tilespmem:$0x100]  }
0x63: {  	v3 =	vld [tilespmem:$0x110]  }
0x64: {  	v4 =	vld [tilespmem:$0x150]  }
0x65: {  	v62 =	vld [tilespmem:$0x130];
	_ =	sdelay $0x1  }
0x66: {  	v5 =	vld [tilespmem:$0x120];
	v2 =	vadd.s32 v0, v2  }
0x67: {  	v63 =	vld [tilespmem:$0x160];
	[tilespmem:$0x100] =	vst v2;
	v2 =	vadd.s32 v0, v3  }
0x68: {  	v3 =	vld [tilespmem:$0x140];
	[tilespmem:$0x110] =	vst v2;
	v2 =	vadd.s32 v0, v4  }
0x69: {  	[tilespmem:$0x150] =	vst v2;
	v2 =	vadd.s32 v0, v62  }
0x6a: {  	[tilespmem:$0x130] =	vst v2;
	v2 =	vld [tilespmem:$0x170]  }
0x6b: {  	v4 =	vadd.s32 v0, v5  }
0x6c: {  	[tilespmem:$0x120] =	vst v4;
	v4 =	vadd.s32 v0, v63  }
0x6d: {  	s17 =	simm.s32 $0x20;
	[tilespmem:$0x160] =	vst v4;
	v3 =	vadd.s32 v0, v3  }
.LBB2_4:
0x6e: {  	p1 =	sne.s32 s17, $0x9A0;
	s18 =	smov.u32 s17;
	s17 =	sadd.s32 $0x20, s17  }
0x6f: {  	v2 =	vadd.s32 v0, v2;
	[tilespmem:$0x140] =	vst v3  }
0x70: {  	[tilespmem:$0x170] =	vst v2  }
0x71: {  	[tilespmem:s28], [sflag:$0x2] =	stream.indirect.gather [hbm4b:s3+s24], $0x80, s25, s24, $0xb8;
	[tilespmem:$0x1CB80] =	vst v63  }
0x72: {  	_ =	swait.ge [sflag:s29], $0x4000  }
0x73: {  	[sflag:s29] =	ssyncset.done $0x0  }
0x74: {  	[sflag:s29] =	ssyncadd.s32 $0xFFFFC000  }
0x75: {  	[spmem:s1] =	stream.indirect.scatter.add.f32 [tilespmem:s22], [sflag:$0x3], $0x80, s24, s24, $0xb8;
	[tilespmem:$0x1CB80] =	vst v63  }
0x76: {  	_ =	swait.ge [sflag:s30], $0x4000  }
0x77: {  	[sflag:s30] =	ssyncset.done $0x0  }
0x78: {  	[sflag:s30] =	ssyncadd.s32 $0xFFFFC000  }
0x79: {  	[spmem:s1] =	stream.indirect.scatter.add.f32 [tilespmem:s28], [sflag:$0x4], $0x80, s26, s24, $0xb8;
	[tilespmem:$0x1CB80] =	vst v63  }
0x7a: {  	_ =	swait.ge [sflag:s31], $0x4000  }
0x7b: {  	[sflag:s31] =	ssyncset.done $0x0  }
0x7c: {  	[sflag:s31] =	ssyncadd.s32 $0xFFFFC000  }
0x7d: {  	_ =	swait.ge [sflag:s0], $0x4000  }
0x7e: {  	s18 =	sadd.s32 s18, s21;
	[sflag:s0] =	ssyncset.done $0x0  }
0x7f: {  	[sflag:s0] =	ssyncadd.s32 $0xFFFFC000  }
0x80: {  	[tilespmem:s2], [sflag:$0x5] =	stream.linear.gather [hbm4b:s18+s2], $0x80, $0x38;
	[tilespmem:$0x1CB80] =	vst v63  }
0x81: {  	_ =	swait.ge [sflag:s23], $0x80  }
0x82: {  	s19 =	sadd.s32 $0x9C40, s18;
	[sflag:s23] =	ssyncset.done $0x0  }
0x83: {  	[sflag:s23] =	ssyncadd.s32 $0xFFFFFF80  }
0x84: {  	[tilespmem:s24], [sflag:$0x5] =	stream.linear.gather [hbm4b:s19+s2], $0x80, $0x38;
	[tilespmem:$0x1CB80] =	vst v63  }
0x85: {  	_ =	swait.ge [sflag:s23], $0x80  }
0x86: {  	[sflag:s23] =	ssyncset.done $0x0  }
0x87: {  	[sflag:s23] =	ssyncadd.s32 $0xFFFFFF80  }
0x88: {  	v2 =	vld [tilespmem:$0x30]  }
0x89: {  	v3 =	vld [tilespmem:$0x20]  }
0x8a: {  	v4 =	vld [tilespmem:$0x10]  }
0x8b: {  	v5 =	vld [tilespmem:$0x0]  }
0x8c: {  	v6 =	vld [tilespmem:$0x40]  }
0x8d: {  	v2 =	vadd.s32 v0, v2;
	v7 =	vld [tilespmem:$0x50]  }
0x8e: {  	[tilespmem:$0x30] =	vst v2;
	v2 =	vld [tilespmem:$0x60]  }
0x8f: {  	v4 =	vadd.s32 v0, v4;
	v8 =	vld [tilespmem:$0x70]  }
0x90: {  	v5 =	vadd.s32 v0, v5;
	[tilespmem:$0x10] =	vst v4  }
0x91: {  	v3 =	vadd.s32 v0, v3;
	[tilespmem:$0x0] =	vst v5;
	v4 =	vadd.s32 v0, v6  }
0x92: {  	[tilespmem:$0x40] =	vst v4;
	v4 =	vadd.s32 v0, v7  }
0x93: {  	[tilespmem:$0x20] =	vst v3;
	v2 =	vadd.s32 v0, v2  }
0x94: {  	[tilespmem:$0x60] =	vst v2;
	v2 =	vadd.s32 v0, v8  }
0x95: {  	[tilespmem:$0x70] =	vst v2  }
0x96: {  	[tilespmem:$0x50] =	vst v4  }
0x97: {  	[tilespmem:s22], [sflag:$0x1] =	stream.indirect.gather [hbm4b:s3+s24], $0x80, s2, s24, $0xb8;
	[tilespmem:$0x1CB80] =	vst v63  }
0x98: {  	s19 =	sadd.s32 $0x10, s18  }
0x99: {  	[tilespmem:s25], [sflag:$0x5] =	stream.linear.gather [hbm4b:s19+s2], $0x80, $0x38;
	[tilespmem:$0x1CB80] =	vst v63  }
0x9a: {  	_ =	swait.ge [sflag:s23], $0x80  }
0x9b: {  	[sflag:s23] =	ssyncset.done $0x0  }
0x9c: {  	s18 =	sadd.s32 $0x9C50, s18;
	[sflag:s23] =	ssyncadd.s32 $0xFFFFFF80  }
0x9d: {  	[tilespmem:s26], [sflag:$0x5] =	stream.linear.gather [hbm4b:s18+s2], $0x80, $0x38;
	[tilespmem:$0x1CB80] =	vst v63  }
0x9e: {  	_ =	swait.ge [sflag:s23], $0x80  }
0x9f: {  	[sflag:s23] =	ssyncset.done $0x0  }
0xa0: {  	[sflag:s23] =	ssyncadd.s32 $0xFFFFFF80  }
0xa1: {  	v2 =	vld [tilespmem:$0x100]  }
0xa2: {  	v3 =	vld [tilespmem:$0x110]  }
0xa3: {  	v4 =	vld [tilespmem:$0x150]  }
0xa4: {  	v5 =	vld [tilespmem:$0x120]  }
0xa5: {  	v6 =	vld [tilespmem:$0x130]  }
0xa6: {  	v2 =	vadd.s32 v0, v2;
	v7 =	vld [tilespmem:$0x160]  }
0xa7: {  	[tilespmem:$0x100] =	vst v2;
	v2 =	vadd.s32 v0, v3;
	v3 =	vld [tilespmem:$0x140]  }
.Ltmp1:
0xa8: {  	[tilespmem:$0x110] =	vst v2;
	v4 =	vadd.s32 v0, v4;
	v2 =	vld [tilespmem:$0x170];
	(pc) =	sbr.rel @p1 .LBB2_4-.Ltmp1, $4  }
0xa9: {  	v5 =	vadd.s32 v0, v5;
	[tilespmem:$0x150] =	vst v4  }
0xaa: {  	[tilespmem:$0x120] =	vst v5;
	v4 =	vadd.s32 v0, v6  }
0xab: {  	[tilespmem:$0x130] =	vst v4;
	v4 =	vadd.s32 v0, v7  }
0xac: {  	v3 =	vadd.s32 v0, v3;
	[tilespmem:$0x160] =	vst v4  }
0xad: {  	[tilespmem:$0x140] =	vst v3;
	v2 =	vadd.s32 v0, v2  }
0xae: {  	[tilespmem:$0x170] =	vst v2  }
0xaf: {  	[tilespmem:s28], [sflag:$0x2] =	stream.indirect.gather [hbm4b:s3+s24], $0x80, s25, s24, $0xb8;
	[tilespmem:$0x1CB80] =	vst v63  }
0xb0: {  	_ =	swait.ge [sflag:s29], $0x4000  }
0xb1: {  	[sflag:s29] =	ssyncset.done $0x0  }
0xb2: {  	[sflag:s29] =	ssyncadd.s32 $0xFFFFC000  }
0xb3: {  	[spmem:s1] =	stream.indirect.scatter.add.f32 [tilespmem:s22], [sflag:$0x3], $0x80, s24, s24, $0xb8;
	[tilespmem:$0x1CB80] =	vst v63  }
0xb4: {  	_ =	swait.ge [sflag:s30], $0x4000  }
0xb5: {  	[sflag:s30] =	ssyncset.done $0x0  }
0xb6: {  	[sflag:s30] =	ssyncadd.s32 $0xFFFFC000  }
0xb7: {  	[spmem:s1] =	stream.indirect.scatter.add.f32 [tilespmem:s28], [sflag:$0x4], $0x80, s26, s24, $0xb8;
	[tilespmem:$0x1CB80] =	vst v63  }
0xb8: {  	_ =	swait.ge [sflag:s31], $0x4000  }
0xb9: {  	[sflag:s31] =	ssyncset.done $0x0  }
0xba: {  	[sflag:s31] =	ssyncadd.s32 $0xFFFFC000  }
0xbb: {  	_ =	swait.ge [sflag:s0], $0x4000  }
0xbc: {  	[sflag:s0] =	ssyncset.done $0x0  }
0xbd: {  	s17 =	rddreg [dreg:$0x3];
	[sflag:s0] =	ssyncadd.s32 $0xFFFFC000  }
0xbe: {  	[tilespmem:s5], [sflag:$0x5] =	stream.linear.gather [hbm4b:s17+s2], $0x20, $0x38;
	[tilespmem:$0x1CB80] =	vst v63  }
0xbf: {  	_ =	swait.ge [sflag:s23], $0x20  }
0xc0: {  	[sflag:s23] =	ssyncset.done $0x0  }
0xc1: {  	s20 =	rddreg [dreg:$0x4];
	[sflag:s23] =	ssyncadd.s32 $0xFFFFFFE0  }
0xc2: {  	[tilespmem:s6], [sflag:$0x5] =	stream.linear.gather [hbm4b:s20+s2], $0x20, $0x38;
	[tilespmem:$0x1CB80] =	vst v63  }
0xc3: {  	_ =	swait.ge [sflag:s23], $0x20  }
0xc4: {  	[sflag:s23] =	ssyncset.done $0x0  }
0xc5: {  	[sflag:s23] =	ssyncadd.s32 $0xFFFFFFE0  }
0xc6: {  	v2 =	vld [tilespmem:$0x8200]  }
0xc7: {  	v3 =	vld [tilespmem:$0x8210];
	_ =	sdelay $0x3  }
0xc8: {  	v2 =	vadd.s32 v0, v2  }
0xc9: {  	[tilespmem:$0x8200] =	vst v2;
	v2 =	vadd.s32 v0, v3  }
0xca: {  	[tilespmem:$0x8210] =	vst v2  }
0xcb: {  	[tilespmem:s8], [sflag:$0x5] =	stream.indirect.gather [hbm4b:s3+s7], $0x80, s5, s7, $0xb8;
	[tilespmem:$0x1CB80] =	vst v63  }
0xcc: {  	_ =	swait.ge [sflag:s23], $0x1000  }
0xcd: {  	[sflag:s23] =	ssyncset.done $0x0  }
0xce: {  	[sflag:s23] =	ssyncadd.s32 $0xFFFFF000  }
0xcf: {  	[spmem:s1] =	stream.indirect.scatter.add.f32 [tilespmem:s8], [sflag:$0x5], $0x80, s6, s7, $0xb8;
	[tilespmem:$0x1CB80] =	vst v63  }
0xd0: {  	_ =	swait.ge [sflag:s23], $0x1000  }
0xd1: {  	[sflag:s23] =	ssyncset.done $0x0  }
0xd2: {  	[sflag:s23] =	ssyncadd.s32 $0xFFFFF000  }
0xd3: {  	[bflag:$0x0] =	sbarrier.arrive $0xFFFF  }
0xd4: {  	[tilespmem:s22], [sflag:$0x5] =	stream.linear.gather [spmem:s9], $0x3400, $0x38;
	[tilespmem:$0x1CB80] =	vst v63  }
0xd5: {  	_ =	swait.ge [sflag:s23], $0x3400  }
0xd6: {  	[sflag:s23] =	ssyncset.done $0x0  }
0xd7: {  	[sflag:s23] =	ssyncadd.s32 $0xFFFFCC00  }
0xd8: {  	[hbm4b:s14+s2] =	stream.linear.scatter [tilespmem:s22], [sflag:$0x5], $0x3400, $0x38;
	[tilespmem:$0x1CB80] =	vst v63  }
0xd9: {  	_ =	swait.ge [sflag:s23], $0x3400  }
0xda: {  	[sflag:s23] =	ssyncset.done $0x0  }
0xdb: {  	[sflag:s23] =	ssyncadd.s32 $0xFFFFCC00  }
0xdc: {  	[tilespmem:s22], [sflag:$0x5] =	stream.linear.gather [spmem:s10], $0x3400, $0x38;
	[tilespmem:$0x1CB80] =	vst v63  }
0xdd: {  	_ =	swait.ge [sflag:s23], $0x3400  }
0xde: {  	[sflag:s23] =	ssyncset.done $0x0  }
0xdf: {  	s18 =	rddreg [dreg:$0x7];
	[sflag:s23] =	ssyncadd.s32 $0xFFFFCC00  }
0xe0: {  	[hbm4b:s18+s2] =	stream.linear.scatter [tilespmem:s22], [sflag:$0x5], $0x3400, $0x38;
	[tilespmem:$0x1CB80] =	vst v63  }
0xe1: {  	_ =	swait.ge [sflag:s23], $0x3400  }
0xe2: {  	[sflag:s23] =	ssyncset.done $0x0  }
0xe3: {  	[sflag:s23] =	ssyncadd.s32 $0xFFFFCC00  }
0xe4: {  	[tilespmem:s22], [sflag:$0x5] =	stream.linear.gather [spmem:s11], $0x3400, $0x38;
	[tilespmem:$0x1CB80] =	vst v63  }
0xe5: {  	_ =	swait.ge [sflag:s23], $0x3400  }
0xe6: {  	[sflag:s23] =	ssyncset.done $0x0  }
0xe7: {  	s19 =	rddreg [dreg:$0x8];
	[sflag:s23] =	ssyncadd.s32 $0xFFFFCC00  }
0xe8: {  	[hbm4b:s19+s2] =	stream.linear.scatter [tilespmem:s22], [sflag:$0x5], $0x3400, $0x38;
	[tilespmem:$0x1CB80] =	vst v63  }
0xe9: {  	_ =	swait.ge [sflag:s23], $0x3400  }
0xea: {  	[sflag:s23] =	ssyncset.done $0x0  }
0xeb: {  	[sflag:s23] =	ssyncadd.s32 $0xFFFFCC00  }
0xec: {  	[tilespmem:s22], [sflag:$0x5] =	stream.linear.gather [spmem:s12], $0x3400, $0x38;
	[tilespmem:$0x1CB80] =	vst v63  }
0xed: {  	_ =	swait.ge [sflag:s23], $0x3400  }
0xee: {  	[sflag:s23] =	ssyncset.done $0x0  }
0xef: {  	s20 =	rddreg [dreg:$0x9];
	[sflag:s23] =	ssyncadd.s32 $0xFFFFCC00  }
0xf0: {  	[hbm4b:s20+s2] =	stream.linear.scatter [tilespmem:s22], [sflag:$0x5], $0x3400, $0x38;
	[tilespmem:$0x1CB80] =	vst v63  }
0xf1: {  	_ =	swait.ge [sflag:s23], $0x3400  }
0xf2: {  	[sflag:s23] =	ssyncset.done $0x0  }
0xf3: {  	[sflag:s23] =	ssyncadd.s32 $0xFFFFCC00  }
0xf4: {  	[tilespmem:s22], [sflag:$0x5] =	stream.linear.gather [spmem:s13], $0x3400, $0x38;
	[tilespmem:$0x1CB80] =	vst v63  }
0xf5: {  	_ =	swait.ge [sflag:s23], $0x3400  }
0xf6: {  	[sflag:s23] =	ssyncset.done $0x0  }
0xf7: {  	s18 =	rddreg [dreg:$0xa];
	[sflag:s23] =	ssyncadd.s32 $0xFFFFCC00  }
0xf8: {  	[hbm4b:s18+s2] =	stream.linear.scatter [tilespmem:s22], [sflag:$0x5], $0x3400, $0x38;
	[tilespmem:$0x1CB80] =	vst v63  }
0xf9: {  	_ =	swait.ge [sflag:s23], $0x3400  }
0xfa: {  	[sflag:s23] =	ssyncset.done $0x0  }
0xfb: {  	[sflag:s23] =	ssyncadd.s32 $0xFFFFCC00  }
0xfc: {  	[tilespmem:s22], [sflag:$0x5] =	stream.linear.gather [spmem:s15], $0x3400, $0x38;
	[tilespmem:$0x1CB80] =	vst v63  }
0xfd: {  	_ =	swait.ge [sflag:s23], $0x3400  }
0xfe: {  	[sflag:s23] =	ssyncset.done $0x0  }
0xff: {  	s19 =	rddreg [dreg:$0xb];
	[sflag:s23] =	ssyncadd.s32 $0xFFFFCC00  }
0x100: {  	[hbm4b:s19+s2] =	stream.linear.scatter [tilespmem:s22], [sflag:$0x5], $0x3400, $0x38;
	[tilespmem:$0x1CB80] =	vst v63  }
0x101: {  	_ =	swait.ge [sflag:s23], $0x3400  }
0x102: {  	[sflag:s23] =	ssyncset.done $0x0  }
0x103: {  	s17 =	simm.s32 @!p0 $0x8300;
	s18 =	simm.s32 @!p0 $0x5;
	[sflag:s23] =	ssyncadd.s32 $0xFFFFCC00  }
0x104: {  	[tilespmem:s17], [sflag:$0x5] =	stream.linear.gather @!p0 [spmem:s4], $0x800, $0x38;
	[tilespmem:$0x1CB80] =	vst v63  }
0x105: {  	_ =	swait.ge @!p0 [sflag:s18], $0x800  }
0x106: {  	[sflag:s18] =	ssyncset.done @!p0 $0x0  }
0x107: {  	s19 =	simm.s32 @!p0 $0x0;
	s20 =	rddreg [dreg:$0x5];
	[sflag:s18] =	ssyncadd.s32 @!p0 $0xFFFFF800  }
0x108: {  	[hbm4b:s20+s19] =	stream.linear.scatter @!p0 [tilespmem:s17], [sflag:$0x5], $0x800, $0x38;
	[tilespmem:$0x1CB80] =	vst v63  }
0x109: {  	_ =	swait.ge @!p0 [sflag:s18], $0x800  }
0x10a: {  	s16 =	sadd.s32 $0x1, s16;
	s20 =	rddreg [dreg:$0x6]  }
0x10b: {  	p1 =	sne.s32 s16, s20  }
.Ltmp2:
0x10c: {  	_ = 	snop;
	(pc) =	sbr.rel @p1 .LBB2_1-.Ltmp2, $3  }
0x10d: {  	_ =	sdelay $0x1  }
0x10e: {  	[sflag:s18] =	ssyncset.done @!p0 $0x0  }
0x10f: {  	[sflag:s18] =	ssyncadd.s32 @!p0 $0xFFFFF800  }
0x110: {  	_ =	sfence.sel $0x180000  }
0x111: {  	[bflag:$0x0] =	sbarrier.arrive $0xFFFF  }
0x112: {  	_ =	strace $0x9000004A  }
0x113: {  	[bflag:$0x2] =	sbarrier.arrive $0xFFFF  }
0x114: {  	s0 =	rddreg [dreg:$0x2]  }
0x115: {  	s0 =	sadd.s32 @!p0 $0x100000, s0  }
0x116: {  	[sflag:s0] =	ssyncadd.tile.s32 @!p0 $0x1;
	_ =	shalt  }
.Lfunc_end2:
_tile_overlayer_lowered:
.L_overlay_start_2:
0x117: {  	(tag) =	ssettag $0x2  }
0x118: {  	s0 =	rddreg [dreg:$0x0];
	s2 =	stileid.u32  }
0x119: {  	s1 =	rddreg [dreg:$0x1];
	p0 =	sne.s32 s2, $0x0  }
0x11a: {  	s3 =	rddreg [dreg:$0x2];
	[bflag:$0x3] =	sbarrier.arrive $0xFFFF;
	s2 =	simm.s32 @!p0 $0x1C05  }
0x11b: {  	[timem:s3], [sflag:s2] =	dma.local @!p0 [hbm:s0], s1  }
0x11c: {  	s0 =	simm.s32 @!p0 $0x5  }
0x11d: {  	_ =	swait.ge @!p0 [sflag:s0], s1  }
0x11e: {  	s1 =	ssub.s32 @!p0 $0x0, s1;
	[sflag:s0] =	ssyncset.done @!p0 $0x0  }
0x11f: {  	[sflag:s0] =	ssyncadd.s32 @!p0 s1  }
0x120: {  	[bflag:$0x3] =	sbarrier.arrive $0xFFFF  }
0x121: {  	_ =	shalt  }

// kernel: kernel.15.cloned.1.call-start
scs
__scs_entry_jumppad:
0x0: {  	(pc) =	sbr.rel $0x88, $3  }
0x1: {  	(tag) =	ssettag $0x0;
	lr =	simm.s32 $0x1  }
0x2: {  	[smem:$0x3F8D] =	sst lr;
	_ =	strace $0xD0000000  }
0x3: {  	_ = 	snop  }
0x4: {  	_ = 	snop  }
0x5: {  	_ = 	snop  }
0x6: {  	_ = 	snop  }
0x7: {  	_ = 	snop  }
__scs_overlays_trampoline_lowered:
0x8: {  	[smem:$0x3F9C] =	sst s0  }
0x9: {  	[smem:$0x3F9D] =	sst s1  }
0xa: {  	[smem:$0x3F9E] =	sst s2  }
0xb: {  	[smem:$0x3F9F] =	sst s3  }
0xc: {  	[smem:$0x3FA0] =	sst s4  }
0xd: {  	[smem:$0x3FA1] =	sst s5  }
0xe: {  	[smem:$0x3FA2] =	sst s6  }
0xf: {  	[smem:$0x3FA3] =	sst s7  }
0x10: {  	[smem:$0x3FA4] =	sst s8  }
0x11: {  	[smem:$0x3FA5] =	sst s9;
	s0 =	simm.s32 @!p0 $0x0  }
0x12: {  	s1 =	sld [smem:$0x3F8B];
	s0 =	simm.s32 @p0 $0x1  }
0x13: {  	[smem:$0x3FA6] =	sst s0;
	s0 =	simm.s32 @!p1 $0x0  }
0x14: {  	s2 =	sld [smem:$0x3F8A];
	s0 =	simm.s32 @p1 $0x1  }
0x15: {  	[smem:$0x3FA7] =	sst s0;
	s0 =	simm.s32 @!p2 $0x0  }
0x16: {  	s3 =	sld [smem:$0x3FDB];
	s0 =	simm.s32 @p2 $0x1  }
0x17: {  	s4 =	simm.s32 $0x1BF5;
	[smem:$0x3FA9] =	sst s0  }
0x18: {  	s0 =	sld [smem:$0x3F8C];
	_ =	swait.ge [sflag:s4], $0x0  }
0x19: {  	s7 =	sld [smem:$0x3F8D]  }
0x1a: {  	s8 =	sadd.s32 $0xFFFFE003, lr  }
0x1b: {  	s9 =	sadd.s32 $0xFFFFFEF7, lr;
	s5 =	simm.s32 $0xFFFFFFFF;
	p2 =	slt.u32 s8, $0xFFFFF086  }
0x1c: {  	p1 =	slt.u32 s9, $0xF7A;
	s5 =	simm.s32 @!p2 $0x0  }
0x1d: {  	s5 =	simm.s32 @p1 $0x1;
	p0 =	seq.s32 s7, s2  }
0x1e: {  	s7 =	smul.u32 @!p0 $0xF7A, s2;
	p2 =	seq.s32 @!p0 s5, $0x0  }
0x1f: {  	s9 =	smul.u32 $0xF7A, s1;
	s8 =	simm.s32 @!p0 $0x1BF5;
	p2 =	por !p2, p0  }
0x20: {  	[sflag:s8] =	ssyncset.s32 @!p0 $0xFFFFF086;
	s6 =	sadd.s32 @!p0 s3, s7;
	s7 =	simm.s32 @!p0 $0x108  }
0x21: {  	s3 =	sadd.s32 s3, s9;
	s6 =	sadd.s32 @!p0 $0x88, s6;
	s7 =	simm.s32 @p2 $0x1082  }
0x22: {  	[simem:s7], [sflag:s8] =	dma.local @!p0 [hbm:s6], $0xF7A  }
0x23: {  	s9 =	sor.u32 $0xD0000000, s2;
	s6 =	simm.s32 $0x108;
	_ =	swait.ge @!p0 [sflag:s8], $0x0  }
0x24: {  	s3 =	sadd.s32 $0x88, s3;
	s6 =	simm.s32 @!p1 $0x1082;
	[sflag:s4] =	ssyncset.s32 $0xFFFFF086  }
0x25: {  	[simem:s6], [sflag:s4] =	dma.local [hbm:s3], $0xF7A  }
0x26: {  	[smem:$0x3F8D] =	sst s1;
	(tag) =	ssettag s2;
	_ =	strace s9  }
0x27: {  	s1 =	sld [smem:$0x3F9D]  }
0x28: {  	s2 =	sld [smem:$0x3F9E]  }
0x29: {  	s4 =	sld [smem:$0x3FA0]  }
0x2a: {  	p0 =	seq.s32 s5, $0x0;
	s5 =	sld [smem:$0x3FA1]  }
0x2b: {  	s6 =	sld [smem:$0x3FA2]  }
0x2c: {  	s7 =	sld [smem:$0x3FA3]  }
0x2d: {  	s3 =	simm.s32 $0x108;
	s8 =	sld [smem:$0x3FA4]  }
0x2e: {  	s3 =	simm.s32 @!p0 $0x1082;
	s9 =	sld [smem:$0x3FA5]  }
0x2f: {  	lr =	sadd.s32 s0, s3;
	s0 =	sld [smem:$0x3F9C]  }
0x30: {  	s3 =	sld [smem:$0x3F9F]  }
0x31: {  	[smem:$0x3FA8] =	sst s10  }
0x32: {  	s10 =	sld [smem:$0x3FA6];
	_ =	sdelay $0x3  }
0x33: {  	p0 =	seq.s32 s10, $0x1;
	s10 =	sld [smem:$0x3FA8];
	_ =	sdelay $0x3  }
0x34: {  	[smem:$0x3FA8] =	sst s10  }
0x35: {  	s10 =	sld [smem:$0x3FA7];
	_ =	sdelay $0x3  }
0x36: {  	p1 =	seq.s32 s10, $0x1;
	s10 =	sld [smem:$0x3FA8];
	_ =	sdelay $0x3  }
0x37: {  	[smem:$0x3FA8] =	sst s10  }
0x38: {  	s10 =	sld [smem:$0x3FA9]  }
0x39: {  	_ = 	snop;
	(pc) =	sbr.ind lr, $3  }
0x3a: {  	_ = 	snop  }
0x3b: {  	_ = 	snop  }
0x3c: {  	p2 =	seq.s32 s10, $0x1;
	s10 =	sld [smem:$0x3FA8]  }
0x3d: {  	_ =	shalt  }
0x3e: {  	_ =	shalt  }
0x3f: {  	_ =	shalt  }
0x40: {  	_ =	shalt  }
0x41: {  	_ =	shalt  }
0x42: {  	_ =	shalt  }
0x43: {  	_ =	shalt  }
0x44: {  	_ =	shalt  }
0x45: {  	_ =	shalt  }
0x46: {  	_ =	shalt  }
0x47: {  	_ =	shalt  }
0x48: {  	_ =	shalt  }
0x49: {  	_ =	shalt  }
0x4a: {  	_ =	shalt  }
0x4b: {  	_ =	shalt  }
0x4c: {  	_ =	shalt  }
0x4d: {  	_ =	shalt  }
0x4e: {  	_ =	shalt  }
0x4f: {  	_ =	shalt  }
0x50: {  	_ =	shalt  }
0x51: {  	_ =	shalt  }
0x52: {  	_ =	shalt  }
0x53: {  	_ =	shalt  }
0x54: {  	_ =	shalt  }
0x55: {  	_ =	shalt  }
0x56: {  	_ =	shalt  }
0x57: {  	_ =	shalt  }
0x58: {  	_ =	shalt  }
0x59: {  	_ =	shalt  }
0x5a: {  	_ =	shalt  }
0x5b: {  	_ =	shalt  }
0x5c: {  	_ =	shalt  }
0x5d: {  	_ =	shalt  }
0x5e: {  	_ =	shalt  }
0x5f: {  	_ =	shalt  }
0x60: {  	_ =	shalt  }
0x61: {  	_ =	shalt  }
0x62: {  	_ =	shalt  }
0x63: {  	_ =	shalt  }
0x64: {  	_ =	shalt  }
0x65: {  	_ =	shalt  }
0x66: {  	_ =	shalt  }
0x67: {  	_ =	shalt  }
0x68: {  	_ =	shalt  }
0x69: {  	_ =	shalt  }
0x6a: {  	_ =	shalt  }
0x6b: {  	_ =	shalt  }
0x6c: {  	_ =	shalt  }
0x6d: {  	_ =	shalt  }
0x6e: {  	_ =	shalt  }
0x6f: {  	_ =	shalt  }
0x70: {  	_ =	shalt  }
0x71: {  	_ =	shalt  }
0x72: {  	_ =	shalt  }
0x73: {  	_ =	shalt  }
0x74: {  	_ =	shalt  }
0x75: {  	_ =	shalt  }
0x76: {  	_ =	shalt  }
0x77: {  	_ =	shalt  }
0x78: {  	_ =	shalt  }
0x79: {  	_ =	shalt  }
0x7a: {  	_ =	shalt  }
0x7b: {  	_ =	shalt  }
0x7c: {  	_ =	shalt  }
0x7d: {  	_ =	shalt  }
0x7e: {  	_ =	shalt  }
0x7f: {  	_ =	shalt  }
0x80: {  	_ =	shalt  }
0x81: {  	_ =	shalt  }
0x82: {  	_ =	shalt  }
0x83: {  	_ =	shalt  }
0x84: {  	_ =	shalt  }
0x85: {  	_ =	shalt  }
0x86: {  	_ =	shalt  }
0x87: {  	_ =	shalt  }
.Lfunc_end0:
.L_simem_size_0:
called_computation.2_lowered:
.L_overlay_start_0:
0x88: {  	s2 =	sld [smem:$0x3FD9]  }
0x89: {  	s3 =	sld [smem:$0x3FFE];
	_ =	sdelay $0x1  }
0x8a: {  	s1 =	srdreg.scid  }
0x8b: {  	s0 =	sand.u32 $0x1, s1  }
0x8c: {  	s16 =	sshll.u32 s0, $0xA;
	s2 =	sadd.s32 s3, s2  }
0x8d: {  	s2 =	sadd.s32 s2, s16  }
0x8e: {  	[smem:$0x3FB4] =	sst s2  }
0x8f: {  	_ = 	snop  }
0x90: {  	(tm) =	ssettm $0x1  }
0x91: {  	s17 =	sld [smem:$0x3FFB];
	_ =	sdelay $0x3  }
0x92: {  	_ =	strace s17  }
0x93: {  	s2 =	sld [smem:$0x3FFC];
	_ =	sdelay $0x3  }
0x94: {  	_ =	strace s2  }
0x95: {  	s2 =	sld [smem:$0x3FFD];
	_ =	sdelay $0x3  }
0x96: {  	_ =	strace s2  }
0x97: {  	_ =	strace $0x8FFFFFFF  }
0x98: {  	s18 =	sld [smem:$0x3FDB];
	_ =	sdelay $0x1  }
0x99: {  	s19 =	simm.s32 $_scs_section_size  }
0x9a: {  	s4 =	simm.s32 $_size__tile_overlayer_lowered;
	s5 =	simm.s32 $_tile_overlayer_lowered  }
0x9b: {  	s22 =	simm.s32 $0x1BFF;
	s21 =	sshll.u32 s5, $0x1;
	s2 =	sadd.s32 s19, s18  }
0x9c: {  	s6 =	simm.s32 $0x0;
	s20 =	sshll.u32 s4, $0x1;
	s4 =	sadd.s32 s21, s2  }
0x9d: {  	[timem:s6], [sflag:s22] =	dma.local [hbm:s4], s20  }
0x9e: {  	_ =	swait.ge [sflag:s22], s20  }
0x9f: {  	s3 =	ssub.s32 $0x0, s20;
	[sflag:s22] =	ssyncset.done $0x0  }
0xa0: {  	[sflag:s22] =	ssyncadd.s32 s3;
	_ =	sdelay $0x1  }
0xa1: {  	s23 =	simm.s32 $0x1B8B  }
0xa2: {  	_ =	swait.ge [sflag:s23], $0x1  }
0xa3: {  	[sflag:s23] =	ssyncset.done $0x0  }
0xa4: {  	s25 =	simm.s32 $0x1B8E;
	s24 =	sld [smem:$0x3FFE];
	[sflag:s23] =	ssyncadd.s32 $0xFFFFFFFF  }
0xa5: {  	s26 =	simm.s32 $execute0_lowered;
	[smem:$0x3FD2] =	sst s25  }
0xa6: {  	s4 =	sshll.u32 s26, $0x1;
	_ =	strace $0x8000004C;
	[dreg:$0x1] =	wrdreg $0xFFFFFFFF  }
0xa7: {  	s28 =	simm.s32 $_size_execute0_lowered;
	s2 =	sadd.s32 s2, s4;
	[dreg:$0x0] =	wrdreg $0x0  }
0xa8: {  	s4 =	sshll.u32 s28, $0x1;
	[dreg:$0x2] =	wrdreg s2  }
0xa9: {  	[dreg:$0x3] =	wrdreg s4  }
0xaa: {  	[dreg:$0x4] =	wrdreg $0xC0  }
0xab: {  	_ =	task [dreg:s6], $0x5FFFF  }
0xac: {  	[dreg:$0x1] =	wrdreg $0xFFFFFFFF  }
0xad: {  	[dreg:$0x0] =	wrdreg $0x60  }
0xae: {  	[dreg:$0x2] =	wrdreg s24  }
0xaf: {  	[dreg:$0x3] =	wrdreg $0x93000  }
0xb0: {  	[dreg:$0x4] =	wrdreg $0x9  }
0xb1: {  	_ =	task.clear_ibuf [dreg:s6], $0x5FFFF;
	_ =	strace $0x9000004C  }
0xb2: {  	s29 =	simm.s32 $0x9;
	_ =	strace $0x8000004E  }
0xb3: {  	_ =	swait.ge [sflag:s29], $0x1  }
0xb4: {  	[sflag:s29] =	ssyncadd.s32 $0xFFFFFFFF  }
0xb5: {  	_ =	strace $0x9000004E  }
0xb6: {  	_ =	sfence  }
0xb7: {  	s30 =	sld [smem:$0x0];
	_ =	sdelay $0x2  }
0xb8: {  	s31 =	sshll.u32 s1, $0xD;
	s1 =	sshrl.u32 s1, $0x2  }
0xb9: {  	s3 =	sand.u32 $0x4000, s31;
	s1 =	sadd.s32 s1, s30  }
0xba: {  	s0 =	sor.u32 s3, s0;
	s1 =	sshll.u32 s1, $0x11  }
0xbb: {  	s0 =	sor.u32 s1, s0  }
0xbc: {  	s0 =	sadd.s32 $0x8F2B, s0  }
0xbd: {  	[sflag:s0] =	ssyncadd.remote.s32 $0x1  }
0xbe: {  	_ =	sfence.sel $0xFFFF  }
0xbf: {  	[dreg:$0x0] =	wrdreg $0xFFFFFFFF;
	(pc) =	sbr.abs _section_cstart, $3  }
0xc0: {  	[dreg:$0x1] =	wrdreg $0xFFFFFFFF  }
0xc1: {  	_ =	task.clear_ibuf [dreg:s6], $0x2FFFF;
	_ =	strace $0x9FFFFFFF  }
0xc2: {  	(tm) =	ssettm $0x7FFFFFFF  }
0xc3: {  	_ =	shalt  }
tec
execute0_lowered:
.L_overlay_start_1:
0x0: {  	(tag) =	ssettag $0x1  }
0x1: {  	s0 =	rddreg [dreg:$0x0]  }
0x2: {  	s1 =	rddreg [dreg:$0x1];
	s2 =	simm.s32 $0x0;
	s4 =	srdreg.scid  }
0x3: {  	s5 =	stileid.u32;
	s28 =	simm.s32 $0x4200;
	s29 =	simm.s32 $0x1  }
0x4: {  	s30 =	simm.s32 $0x2;
	s31 =	simm.s32 $0x3;
	s6 =	smul.u32 $0x270, s5  }
0x5: {  	[smem:$0x7FF] =	sst s2;
	s3 =	sadd.s32 $0x67400, s0;
	s9 =	smul.u32 $0x4E20, s5  }
0x6: {  	s4 =	sand.u32 $0x1, s4;
	s7 =	sadd.s32 $0x5600, s0;
	s11 =	smul.u32 $0x4E000, s5  }
0x7: {  	s0 =	sadd.s32 $0xB5600, s0;
	s23 =	smul.u32 $0x9C4, s5;
	p0 =	sne.s32 s5, $0x0  }
0x8: {  	s5 =	simm.s32 $0x8200;
	_ =	strace $0x8000004D;
	s16 =	smul.u32 $0x2710, s4  }
0x9: {  	s8 =	ssub.s32 $0x2, s4;
	s20 =	smul.u32 $0x138800, s4;
	s4 =	sadd.s32 $0x138000, s1  }
0xa: {  	s10 =	sshrl.u32 s8, $0x1;
	s9 =	sshrl.u32 s9, $0x3;
	s22 =	sshrl.u32 s11, $0x2  }
0xb: {  	s8 =	ssub.s32 s8, s10;
	s9 =	sadd.s32 s7, s9;
	s21 =	sshrl.u32 s20, $0x3  }
0xc: {  	s6 =	sadd.s32 s6, s16;
	v0 =	vmov s16;
	s16 =	simm.s32 $0x0;
	s12 =	sadd.s32 $0x9C0, s9  }
0xd: {  	s9 =	sadd.s32 $0xA600, s9;
	s8 =	smax.u32 s8, $0x1;
	[dreg:$0x3] =	wrdreg s12  }
0xe: {  	s6 =	sshll.u32 s6, $0x4;
	[dreg:$0x4] =	wrdreg s9;
	s9 =	sadd.s32 s0, s21  }
0xf: {  	[dreg:$0x6] =	wrdreg s8;
	s14 =	sadd.s32 s0, s6;
	s9 =	sadd.s32 $0x27000, s9  }
0x10: {  	s21 =	sadd.s32 s23, s7;
	s0 =	sadd.s32 $0x680, s14;
	[dreg:$0x5] =	wrdreg s9  }
0x11: {  	s23 =	simm.s32 $0x5;
	s6 =	sadd.s32 $0xD00, s14;
	[dreg:$0x7] =	wrdreg s0  }
0x12: {  	s7 =	simm.s32 $0x20;
	s24 =	sadd.s32 $0x1380, s14;
	[dreg:$0x8] =	wrdreg s6  }
0x13: {  	s8 =	simm.s32 $0x8300;
	s25 =	sadd.s32 $0x1A00, s14;
	[dreg:$0x9] =	wrdreg s24  }
0x14: {  	s26 =	sadd.s32 $0x2080, s14;
	s9 =	sadd.s32 s22, s1;
	[dreg:$0xa] =	wrdreg s25  }
0x15: {  	[dreg:$0xb] =	wrdreg s26;
	s22 =	simm.s32 $0x200;
	s24 =	simm.s32 $0x80  }
0x16: {  	s25 =	simm.s32 $0x100;
	s26 =	simm.s32 $0x180;
	s0 =	simm.s32 $0x4  }
0x17: {  	s6 =	simm.s32 $0x8280;
	s10 =	sadd.s32 $0x3400, s9;
	s11 =	sadd.s32 $0x6800, s9  }
0x18: {  	v1 =	vimm.f32 $0.0e+00;
	s12 =	sadd.s32 $0x9C00, s9;
	s13 =	sadd.s32 $0xD000, s9;
	s15 =	sadd.s32 $0x10400, s9  }
.LBB2_1:
0x19: {  	s17 =	sand.u32 $0xFE00, s2  }
0x1a: {  	s18 =	sand.u32 $0x70, s2;
	s19 =	sshrl.u32 s17, $0x2  }
0x1b: {  	s17 =	simm.s32 $0x40;
	s19 =	sor.u32 s18, s19;
	s18 =	simm.s32 $0x0  }
.LBB2_2:
0x1c: {  	p1 =	sne.s32 s17, $0xFFC0  }
0x1d: {  	[tilespmem:s19+$0x200] =	vst v1;
	s18 =	sadd.s32 $0x10, s18;
	s19 =	smov.u32 s17;
	s17 =	sadd.s32 $0x40, s17  }
.Ltmp0:
0x1e: {  	(pc) =	sbr.rel @p1 .LBB2_2-.Ltmp0, $4  }
0x1f: {  	_ = 	snop  }
0x20: {  	s19 =	sand.u32 $0xFE00, s19  }
0x21: {  	s20 =	sand.u32 $0x70, s18;
	s19 =	sshrl.u32 s19, $0x2  }
0x22: {  	s19 =	sor.u32 s20, s19  }
0x23: {  	[tilespmem:s19+$0x200] =	vst v1  }
0x24: {  	[spmem:s9] =	stream.linear.scatter [tilespmem:s22], [sflag:$0x5], $0x3400, $0x38;
	[tilespmem:$0x1CB80] =	vst v63  }
0x25: {  	_ =	swait.ge [sflag:s23], $0x3400  }
0x26: {  	[sflag:s23] =	ssyncset.done $0x0  }
0x27: {  	[sflag:s23] =	ssyncadd.s32 $0xFFFFCC00  }
0x28: {  	[spmem:s10] =	stream.linear.scatter [tilespmem:s22], [sflag:$0x5], $0x3400, $0x38;
	[tilespmem:$0x1CB80] =	vst v63  }
0x29: {  	_ =	swait.ge [sflag:s23], $0x3400  }
0x2a: {  	[sflag:s23] =	ssyncset.done $0x0  }
0x2b: {  	[sflag:s23] =	ssyncadd.s32 $0xFFFFCC00  }
0x2c: {  	[spmem:s11] =	stream.linear.scatter [tilespmem:s22], [sflag:$0x5], $0x3400, $0x38;
	[tilespmem:$0x1CB80] =	vst v63  }
0x2d: {  	_ =	swait.ge [sflag:s23], $0x3400  }
0x2e: {  	[sflag:s23] =	ssyncset.done $0x0  }
0x2f: {  	[sflag:s23] =	ssyncadd.s32 $0xFFFFCC00  }
0x30: {  	[spmem:s12] =	stream.linear.scatter [tilespmem:s22], [sflag:$0x5], $0x3400, $0x38;
	[tilespmem:$0x1CB80] =	vst v63  }
0x31: {  	_ =	swait.ge [sflag:s23], $0x3400  }
0x32: {  	[sflag:s23] =	ssyncset.done $0x0  }
0x33: {  	[sflag:s23] =	ssyncadd.s32 $0xFFFFCC00  }
0x34: {  	[spmem:s13] =	stream.linear.scatter [tilespmem:s22], [sflag:$0x5], $0x3400, $0x38;
	[tilespmem:$0x1CB80] =	vst v63  }
0x35: {  	_ =	swait.ge [sflag:s23], $0x3400  }
0x36: {  	[sflag:s23] =	ssyncset.done $0x0  }
0x37: {  	[sflag:s23] =	ssyncadd.s32 $0xFFFFCC00  }
0x38: {  	[spmem:s15] =	stream.linear.scatter [tilespmem:s22], [sflag:$0x5], $0x3400, $0x38;
	[tilespmem:$0x1CB80] =	vst v63  }
0x39: {  	_ =	swait.ge [sflag:s23], $0x3400  }
0x3a: {  	[sflag:s23] =	ssyncset.done $0x0  }
0x3b: {  	s17 =	simm.s32 @!p0 $0x200;
	[sflag:s23] =	ssyncadd.s32 $0xFFFFCC00  }
0x3c: {  	[spmem:s4] =	stream.linear.scatter @!p0 [tilespmem:s17], [sflag:$0x5], $0x800, $0x38;
	[tilespmem:$0x1CB80] =	vst v63  }
0x3d: {  	s17 =	simm.s32 @!p0 $0x5  }
0x3e: {  	_ =	swait.ge @!p0 [sflag:s17], $0x800  }
0x3f: {  	[sflag:s17] =	ssyncset.done @!p0 $0x0  }
0x40: {  	[sflag:s17] =	ssyncadd.s32 @!p0 $0xFFFFF800  }
0x41: {  	s19 =	sadd.s32 $0x0, s21;
	[bflag:$0x0] =	sbarrier.arrive $0xFFFF  }
0x42: {  	[tilespmem:s2], [sflag:$0x5] =	stream.linear.gather [hbm4b:s19+s2], $0x80, $0x38;
	[tilespmem:$0x1CB80] =	vst v63  }
0x43: {  	_ =	swait.ge [sflag:s23], $0x80  }
0x44: {  	[sflag:s23] =	ssyncset.done $0x0  }
0x45: {  	s18 =	sadd.s32 $0x9C40, s19;
	[sflag:s23] =	ssyncadd.s32 $0xFFFFFF80  }
0x46: {  	[tilespmem:s24], [sflag:$0x5] =	stream.linear.gather [hbm4b:s18+s2], $0x80, $0x38;
	[tilespmem:$0x1CB80] =	vst v63  }
0x47: {  	_ =	swait.ge [sflag:s23], $0x80  }
0x48: {  	[sflag:s23] =	ssyncset.done $0x0  }
0x49: {  	[sflag:s23] =	ssyncadd.s32 $0xFFFFFF80  }
0x4a: {  	v2 =	vld [tilespmem:$0x30]  }
0x4b: {  	v3 =	vld [tilespmem:$0x10]  }
0x4c: {  	v4 =	vld [tilespmem:$0x0];
	_ =	sdelay $0x1  }
0x4d: {  	v6 =	vld [tilespmem:$0x20]  }
0x4e: {  	v5 =	vld [tilespmem:$0x40]  }
0x4f: {  	v7 =	vld [tilespmem:$0x60];
	v2 =	vadd.s32 v0, v2  }
0x50: {  	v4 =	vadd.s32 v0, v4;
	[tilespmem:$0x30] =	vst v2;
	v2 =	vadd.s32 v0, v3;
	v3 =	vld [tilespmem:$0x70]  }
0x51: {  	v8 =	vld [tilespmem:$0x50];
	[tilespmem:$0x0] =	vst v4  }
0x52: {  	v4 =	vadd.s32 v0, v6;
	[tilespmem:$0x10] =	vst v2  }
0x53: {  	v2 =	vadd.s32 v0, v5;
	[tilespmem:$0x20] =	vst v4  }
0x54: {  	[tilespmem:$0x40] =	vst v2;
	v2 =	vadd.s32 v0, v7  }
0x55: {  	[tilespmem:$0x60] =	vst v2;
	v2 =	vadd.s32 v0, v3  }
0x56: {  	v3 =	vadd.s32 v0, v8;
	[tilespmem:$0x70] =	vst v2  }
0x57: {  	[tilespmem:$0x50] =	vst v3  }
0x58: {  	[tilespmem:s22], [sflag:$0x1] =	stream.indirect.gather [hbm4b:s3+s24], $0x80, s2, s24, $0xb8;
	[tilespmem:$0x1CB80] =	vst v63  }
0x59: {  	s20 =	sadd.s32 $0x10, s19  }
0x5a: {  	[tilespmem:s25], [sflag:$0x5] =	stream.linear.gather [hbm4b:s20+s2], $0x80, $0x38;
	[tilespmem:$0x1CB80] =	vst v63  }
0x5b: {  	_ =	swait.ge [sflag:s23], $0x80  }
0x5c: {  	[sflag:s23] =	ssyncset.done $0x0  }
0x5d: {  	s17 =	sadd.s32 $0x9C50, s19;
	[sflag:s23] =	ssyncadd.s32 $0xFFFFFF80  }
0x5e: {  	[tilespmem:s26], [sflag:$0x5] =	stream.linear.gather [hbm4b:s17+s2], $0x80, $0x38;
	[tilespmem:$0x1CB80] =	vst v63  }
0x5f: {  	_ =	swait.ge [sflag:s23], $0x80  }
0x60: {  	[sflag:s23] =	ssyncset.done $0x0  }
0x61: {  	[sflag:s23] =	ssyncadd.s32 $0xFFFFFF80  }
0x62: {  	v2 =	vld [tilespmem:$0x100]  }
0x63: {  	v3 =	vld [tilespmem:$0x110]  }
0x64: {  	v4 =	vld [tilespmem:$0x150]  }
0x65: {  	v62 =	vld [tilespmem:$0x130];
	_ =	sdelay $0x1  }
0x66: {  	v5 =	vld [tilespmem:$0x120];
	v2 =	vadd.s32 v0, v2  }
0x67: {  	v63 =	vld [tilespmem:$0x160];
	[tilespmem:$0x100] =	vst v2;
	v2 =	vadd.s32 v0, v3  }
0x68: {  	v3 =	vld [tilespmem:$0x140];
	[tilespmem:$0x110] =	vst v2;
	v2 =	vadd.s32 v0, v4  }
0x69: {  	[tilespmem:$0x150] =	vst v2;
	v2 =	vadd.s32 v0, v62  }
0x6a: {  	[tilespmem:$0x130] =	vst v2;
	v2 =	vld [tilespmem:$0x170]  }
0x6b: {  	v4 =	vadd.s32 v0, v5  }
0x6c: {  	[tilespmem:$0x120] =	vst v4;
	v4 =	vadd.s32 v0, v63  }
0x6d: {  	s17 =	simm.s32 $0x20;
	[tilespmem:$0x160] =	vst v4;
	v3 =	vadd.s32 v0, v3  }
.LBB2_4:
0x6e: {  	p1 =	sne.s32 s17, $0x9A0;
	s18 =	smov.u32 s17;
	s17 =	sadd.s32 $0x20, s17  }
0x6f: {  	v2 =	vadd.s32 v0, v2;
	[tilespmem:$0x140] =	vst v3  }
0x70: {  	[tilespmem:$0x170] =	vst v2  }
0x71: {  	[tilespmem:s28], [sflag:$0x2] =	stream.indirect.gather [hbm4b:s3+s24], $0x80, s25, s24, $0xb8;
	[tilespmem:$0x1CB80] =	vst v63  }
0x72: {  	_ =	swait.ge [sflag:s29], $0x4000  }
0x73: {  	[sflag:s29] =	ssyncset.done $0x0  }
0x74: {  	[sflag:s29] =	ssyncadd.s32 $0xFFFFC000  }
0x75: {  	[spmem:s1] =	stream.indirect.scatter.add.f32 [tilespmem:s22], [sflag:$0x3], $0x80, s24, s24, $0xb8;
	[tilespmem:$0x1CB80] =	vst v63  }
0x76: {  	_ =	swait.ge [sflag:s30], $0x4000  }
0x77: {  	[sflag:s30] =	ssyncset.done $0x0  }
0x78: {  	[sflag:s30] =	ssyncadd.s32 $0xFFFFC000  }
0x79: {  	[spmem:s1] =	stream.indirect.scatter.add.f32 [tilespmem:s28], [sflag:$0x4], $0x80, s26, s24, $0xb8;
	[tilespmem:$0x1CB80] =	vst v63  }
0x7a: {  	_ =	swait.ge [sflag:s31], $0x4000  }
0x7b: {  	[sflag:s31] =	ssyncset.done $0x0  }
0x7c: {  	[sflag:s31] =	ssyncadd.s32 $0xFFFFC000  }
0x7d: {  	_ =	swait.ge [sflag:s0], $0x4000  }
0x7e: {  	s18 =	sadd.s32 s18, s21;
	[sflag:s0] =	ssyncset.done $0x0  }
0x7f: {  	[sflag:s0] =	ssyncadd.s32 $0xFFFFC000  }
0x80: {  	[tilespmem:s2], [sflag:$0x5] =	stream.linear.gather [hbm4b:s18+s2], $0x80, $0x38;
	[tilespmem:$0x1CB80] =	vst v63  }
0x81: {  	_ =	swait.ge [sflag:s23], $0x80  }
0x82: {  	s19 =	sadd.s32 $0x9C40, s18;
	[sflag:s23] =	ssyncset.done $0x0  }
0x83: {  	[sflag:s23] =	ssyncadd.s32 $0xFFFFFF80  }
0x84: {  	[tilespmem:s24], [sflag:$0x5] =	stream.linear.gather [hbm4b:s19+s2], $0x80, $0x38;
	[tilespmem:$0x1CB80] =	vst v63  }
0x85: {  	_ =	swait.ge [sflag:s23], $0x80  }
0x86: {  	[sflag:s23] =	ssyncset.done $0x0  }
0x87: {  	[sflag:s23] =	ssyncadd.s32 $0xFFFFFF80  }
0x88: {  	v2 =	vld [tilespmem:$0x30]  }
0x89: {  	v3 =	vld [tilespmem:$0x20]  }
0x8a: {  	v4 =	vld [tilespmem:$0x10]  }
0x8b: {  	v5 =	vld [tilespmem:$0x0]  }
0x8c: {  	v6 =	vld [tilespmem:$0x40]  }
0x8d: {  	v2 =	vadd.s32 v0, v2;
	v7 =	vld [tilespmem:$0x50]  }
0x8e: {  	[tilespmem:$0x30] =	vst v2;
	v2 =	vld [tilespmem:$0x60]  }
0x8f: {  	v4 =	vadd.s32 v0, v4;
	v8 =	vld [tilespmem:$0x70]  }
0x90: {  	v5 =	vadd.s32 v0, v5;
	[tilespmem:$0x10] =	vst v4  }
0x91: {  	v3 =	vadd.s32 v0, v3;
	[tilespmem:$0x0] =	vst v5;
	v4 =	vadd.s32 v0, v6  }
0x92: {  	[tilespmem:$0x40] =	vst v4;
	v4 =	vadd.s32 v0, v7  }
0x93: {  	[tilespmem:$0x20] =	vst v3;
	v2 =	vadd.s32 v0, v2  }
0x94: {  	[tilespmem:$0x60] =	vst v2;
	v2 =	vadd.s32 v0, v8  }
0x95: {  	[tilespmem:$0x70] =	vst v2  }
0x96: {  	[tilespmem:$0x50] =	vst v4  }
0x97: {  	[tilespmem:s22], [sflag:$0x1] =	stream.indirect.gather [hbm4b:s3+s24], $0x80, s2, s24, $0xb8;
	[tilespmem:$0x1CB80] =	vst v63  }
0x98: {  	s19 =	sadd.s32 $0x10, s18  }
0x99: {  	[tilespmem:s25], [sflag:$0x5] =	stream.linear.gather [hbm4b:s19+s2], $0x80, $0x38;
	[tilespmem:$0x1CB80] =	vst v63  }
0x9a: {  	_ =	swait.ge [sflag:s23], $0x80  }
0x9b: {  	[sflag:s23] =	ssyncset.done $0x0  }
0x9c: {  	s18 =	sadd.s32 $0x9C50, s18;
	[sflag:s23] =	ssyncadd.s32 $0xFFFFFF80  }
0x9d: {  	[tilespmem:s26], [sflag:$0x5] =	stream.linear.gather [hbm4b:s18+s2], $0x80, $0x38;
	[tilespmem:$0x1CB80] =	vst v63  }
0x9e: {  	_ =	swait.ge [sflag:s23], $0x80  }
0x9f: {  	[sflag:s23] =	ssyncset.done $0x0  }
0xa0: {  	[sflag:s23] =	ssyncadd.s32 $0xFFFFFF80  }
0xa1: {  	v2 =	vld [tilespmem:$0x100]  }
0xa2: {  	v3 =	vld [tilespmem:$0x110]  }
0xa3: {  	v4 =	vld [tilespmem:$0x150]  }
0xa4: {  	v5 =	vld [tilespmem:$0x120]  }
0xa5: {  	v6 =	vld [tilespmem:$0x130]  }
0xa6: {  	v2 =	vadd.s32 v0, v2;
	v7 =	vld [tilespmem:$0x160]  }
0xa7: {  	[tilespmem:$0x100] =	vst v2;
	v2 =	vadd.s32 v0, v3;
	v3 =	vld [tilespmem:$0x140]  }
.Ltmp1:
0xa8: {  	[tilespmem:$0x110] =	vst v2;
	v4 =	vadd.s32 v0, v4;
	v2 =	vld [tilespmem:$0x170];
	(pc) =	sbr.rel @p1 .LBB2_4-.Ltmp1, $4  }
0xa9: {  	v5 =	vadd.s32 v0, v5;
	[tilespmem:$0x150] =	vst v4  }
0xaa: {  	[tilespmem:$0x120] =	vst v5;
	v4 =	vadd.s32 v0, v6  }
0xab: {  	[tilespmem:$0x130] =	vst v4;
	v4 =	vadd.s32 v0, v7  }
0xac: {  	v3 =	vadd.s32 v0, v3;
	[tilespmem:$0x160] =	vst v4  }
0xad: {  	[tilespmem:$0x140] =	vst v3;
	v2 =	vadd.s32 v0, v2  }
0xae: {  	[tilespmem:$0x170] =	vst v2  }
0xaf: {  	[tilespmem:s28], [sflag:$0x2] =	stream.indirect.gather [hbm4b:s3+s24], $0x80, s25, s24, $0xb8;
	[tilespmem:$0x1CB80] =	vst v63  }
0xb0: {  	_ =	swait.ge [sflag:s29], $0x4000  }
0xb1: {  	[sflag:s29] =	ssyncset.done $0x0  }
0xb2: {  	[sflag:s29] =	ssyncadd.s32 $0xFFFFC000  }
0xb3: {  	[spmem:s1] =	stream.indirect.scatter.add.f32 [tilespmem:s22], [sflag:$0x3], $0x80, s24, s24, $0xb8;
	[tilespmem:$0x1CB80] =	vst v63  }
0xb4: {  	_ =	swait.ge [sflag:s30], $0x4000  }
0xb5: {  	[sflag:s30] =	ssyncset.done $0x0  }
0xb6: {  	[sflag:s30] =	ssyncadd.s32 $0xFFFFC000  }
0xb7: {  	[spmem:s1] =	stream.indirect.scatter.add.f32 [tilespmem:s28], [sflag:$0x4], $0x80, s26, s24, $0xb8;
	[tilespmem:$0x1CB80] =	vst v63  }
0xb8: {  	_ =	swait.ge [sflag:s31], $0x4000  }
0xb9: {  	[sflag:s31] =	ssyncset.done $0x0  }
0xba: {  	[sflag:s31] =	ssyncadd.s32 $0xFFFFC000  }
0xbb: {  	_ =	swait.ge [sflag:s0], $0x4000  }
0xbc: {  	[sflag:s0] =	ssyncset.done $0x0  }
0xbd: {  	s17 =	rddreg [dreg:$0x3];
	[sflag:s0] =	ssyncadd.s32 $0xFFFFC000  }
0xbe: {  	[tilespmem:s5], [sflag:$0x5] =	stream.linear.gather [hbm4b:s17+s2], $0x20, $0x38;
	[tilespmem:$0x1CB80] =	vst v63  }
0xbf: {  	_ =	swait.ge [sflag:s23], $0x20  }
0xc0: {  	[sflag:s23] =	ssyncset.done $0x0  }
0xc1: {  	s20 =	rddreg [dreg:$0x4];
	[sflag:s23] =	ssyncadd.s32 $0xFFFFFFE0  }
0xc2: {  	[tilespmem:s6], [sflag:$0x5] =	stream.linear.gather [hbm4b:s20+s2], $0x20, $0x38;
	[tilespmem:$0x1CB80] =	vst v63  }
0xc3: {  	_ =	swait.ge [sflag:s23], $0x20  }
0xc4: {  	[sflag:s23] =	ssyncset.done $0x0  }
0xc5: {  	[sflag:s23] =	ssyncadd.s32 $0xFFFFFFE0  }
0xc6: {  	v2 =	vld [tilespmem:$0x8200]  }
0xc7: {  	v3 =	vld [tilespmem:$0x8210];
	_ =	sdelay $0x3  }
0xc8: {  	v2 =	vadd.s32 v0, v2  }
0xc9: {  	[tilespmem:$0x8200] =	vst v2;
	v2 =	vadd.s32 v0, v3  }
0xca: {  	[tilespmem:$0x8210] =	vst v2  }
0xcb: {  	[tilespmem:s8], [sflag:$0x5] =	stream.indirect.gather [hbm4b:s3+s7], $0x80, s5, s7, $0xb8;
	[tilespmem:$0x1CB80] =	vst v63  }
0xcc: {  	_ =	swait.ge [sflag:s23], $0x1000  }
0xcd: {  	[sflag:s23] =	ssyncset.done $0x0  }
0xce: {  	[sflag:s23] =	ssyncadd.s32 $0xFFFFF000  }
0xcf: {  	[spmem:s1] =	stream.indirect.scatter.add.f32 [tilespmem:s8], [sflag:$0x5], $0x80, s6, s7, $0xb8;
	[tilespmem:$0x1CB80] =	vst v63  }
0xd0: {  	_ =	swait.ge [sflag:s23], $0x1000  }
0xd1: {  	[sflag:s23] =	ssyncset.done $0x0  }
0xd2: {  	[sflag:s23] =	ssyncadd.s32 $0xFFFFF000  }
0xd3: {  	[bflag:$0x0] =	sbarrier.arrive $0xFFFF  }
0xd4: {  	[tilespmem:s22], [sflag:$0x5] =	stream.linear.gather [spmem:s9], $0x3400, $0x38;
	[tilespmem:$0x1CB80] =	vst v63  }
0xd5: {  	_ =	swait.ge [sflag:s23], $0x3400  }
0xd6: {  	[sflag:s23] =	ssyncset.done $0x0  }
0xd7: {  	[sflag:s23] =	ssyncadd.s32 $0xFFFFCC00  }
0xd8: {  	[hbm4b:s14+s2] =	stream.linear.scatter [tilespmem:s22], [sflag:$0x5], $0x3400, $0x38;
	[tilespmem:$0x1CB80] =	vst v63  }
0xd9: {  	_ =	swait.ge [sflag:s23], $0x3400  }
0xda: {  	[sflag:s23] =	ssyncset.done $0x0  }
0xdb: {  	[sflag:s23] =	ssyncadd.s32 $0xFFFFCC00  }
0xdc: {  	[tilespmem:s22], [sflag:$0x5] =	stream.linear.gather [spmem:s10], $0x3400, $0x38;
	[tilespmem:$0x1CB80] =	vst v63  }
0xdd: {  	_ =	swait.ge [sflag:s23], $0x3400  }
0xde: {  	[sflag:s23] =	ssyncset.done $0x0  }
0xdf: {  	s18 =	rddreg [dreg:$0x7];
	[sflag:s23] =	ssyncadd.s32 $0xFFFFCC00  }
0xe0: {  	[hbm4b:s18+s2] =	stream.linear.scatter [tilespmem:s22], [sflag:$0x5], $0x3400, $0x38;
	[tilespmem:$0x1CB80] =	vst v63  }
0xe1: {  	_ =	swait.ge [sflag:s23], $0x3400  }
0xe2: {  	[sflag:s23] =	ssyncset.done $0x0  }
0xe3: {  	[sflag:s23] =	ssyncadd.s32 $0xFFFFCC00  }
0xe4: {  	[tilespmem:s22], [sflag:$0x5] =	stream.linear.gather [spmem:s11], $0x3400, $0x38;
	[tilespmem:$0x1CB80] =	vst v63  }
0xe5: {  	_ =	swait.ge [sflag:s23], $0x3400  }
0xe6: {  	[sflag:s23] =	ssyncset.done $0x0  }
0xe7: {  	s19 =	rddreg [dreg:$0x8];
	[sflag:s23] =	ssyncadd.s32 $0xFFFFCC00  }
0xe8: {  	[hbm4b:s19+s2] =	stream.linear.scatter [tilespmem:s22], [sflag:$0x5], $0x3400, $0x38;
	[tilespmem:$0x1CB80] =	vst v63  }
0xe9: {  	_ =	swait.ge [sflag:s23], $0x3400  }
0xea: {  	[sflag:s23] =	ssyncset.done $0x0  }
0xeb: {  	[sflag:s23] =	ssyncadd.s32 $0xFFFFCC00  }
0xec: {  	[tilespmem:s22], [sflag:$0x5] =	stream.linear.gather [spmem:s12], $0x3400, $0x38;
	[tilespmem:$0x1CB80] =	vst v63  }
0xed: {  	_ =	swait.ge [sflag:s23], $0x3400  }
0xee: {  	[sflag:s23] =	ssyncset.done $0x0  }
0xef: {  	s20 =	rddreg [dreg:$0x9];
	[sflag:s23] =	ssyncadd.s32 $0xFFFFCC00  }
0xf0: {  	[hbm4b:s20+s2] =	stream.linear.scatter [tilespmem:s22], [sflag:$0x5], $0x3400, $0x38;
	[tilespmem:$0x1CB80] =	vst v63  }
0xf1: {  	_ =	swait.ge [sflag:s23], $0x3400  }
0xf2: {  	[sflag:s23] =	ssyncset.done $0x0  }
0xf3: {  	[sflag:s23] =	ssyncadd.s32 $0xFFFFCC00  }
0xf4: {  	[tilespmem:s22], [sflag:$0x5] =	stream.linear.gather [spmem:s13], $0x3400, $0x38;
	[tilespmem:$0x1CB80] =	vst v63  }
0xf5: {  	_ =	swait.ge [sflag:s23], $0x3400  }
0xf6: {  	[sflag:s23] =	ssyncset.done $0x0  }
0xf7: {  	s18 =	rddreg [dreg:$0xa];
	[sflag:s23] =	ssyncadd.s32 $0xFFFFCC00  }
0xf8: {  	[hbm4b:s18+s2] =	stream.linear.scatter [tilespmem:s22], [sflag:$0x5], $0x3400, $0x38;
	[tilespmem:$0x1CB80] =	vst v63  }
0xf9: {  	_ =	swait.ge [sflag:s23], $0x3400  }
0xfa: {  	[sflag:s23] =	ssyncset.done $0x0  }
0xfb: {  	[sflag:s23] =	ssyncadd.s32 $0xFFFFCC00  }
0xfc: {  	[tilespmem:s22], [sflag:$0x5] =	stream.linear.gather [spmem:s15], $0x3400, $0x38;
	[tilespmem:$0x1CB80] =	vst v63  }
0xfd: {  	_ =	swait.ge [sflag:s23], $0x3400  }
0xfe: {  	[sflag:s23] =	ssyncset.done $0x0  }
0xff: {  	s19 =	rddreg [dreg:$0xb];
	[sflag:s23] =	ssyncadd.s32 $0xFFFFCC00  }
0x100: {  	[hbm4b:s19+s2] =	stream.linear.scatter [tilespmem:s22], [sflag:$0x5], $0x3400, $0x38;
	[tilespmem:$0x1CB80] =	vst v63  }
0x101: {  	_ =	swait.ge [sflag:s23], $0x3400  }
0x102: {  	[sflag:s23] =	ssyncset.done $0x0  }
0x103: {  	s17 =	simm.s32 @!p0 $0x8300;
	s18 =	simm.s32 @!p0 $0x5;
	[sflag:s23] =	ssyncadd.s32 $0xFFFFCC00  }
0x104: {  	[tilespmem:s17], [sflag:$0x5] =	stream.linear.gather @!p0 [spmem:s4], $0x800, $0x38;
	[tilespmem:$0x1CB80] =	vst v63  }
0x105: {  	_ =	swait.ge @!p0 [sflag:s18], $0x800  }
0x106: {  	[sflag:s18] =	ssyncset.done @!p0 $0x0  }
0x107: {  	s19 =	simm.s32 @!p0 $0x0;
	s20 =	rddreg [dreg:$0x5];
	[sflag:s18] =	ssyncadd.s32 @!p0 $0xFFFFF800  }
0x108: {  	[hbm4b:s20+s19] =	stream.linear.scatter @!p0 [tilespmem:s17], [sflag:$0x5], $0x800, $0x38;
	[tilespmem:$0x1CB80] =	vst v63  }
0x109: {  	_ =	swait.ge @!p0 [sflag:s18], $0x800  }
0x10a: {  	s16 =	sadd.s32 $0x1, s16;
	s20 =	rddreg [dreg:$0x6]  }
0x10b: {  	p1 =	sne.s32 s16, s20  }
.Ltmp2:
0x10c: {  	_ = 	snop;
	(pc) =	sbr.rel @p1 .LBB2_1-.Ltmp2, $3  }
0x10d: {  	_ =	sdelay $0x1  }
0x10e: {  	[sflag:s18] =	ssyncset.done @!p0 $0x0  }
0x10f: {  	[sflag:s18] =	ssyncadd.s32 @!p0 $0xFFFFF800  }
0x110: {  	_ =	sfence.sel $0x180000  }
0x111: {  	[bflag:$0x0] =	sbarrier.arrive $0xFFFF  }
0x112: {  	_ =	strace $0x9000004D  }
0x113: {  	[bflag:$0x2] =	sbarrier.arrive $0xFFFF  }
0x114: {  	s0 =	rddreg [dreg:$0x2]  }
0x115: {  	s0 =	sadd.s32 @!p0 $0x100000, s0  }
0x116: {  	[sflag:s0] =	ssyncadd.tile.s32 @!p0 $0x1;
	_ =	shalt  }
.Lfunc_end2:
_tile_overlayer_lowered:
.L_overlay_start_2:
0x117: {  	(tag) =	ssettag $0x2  }
0x118: {  	s0 =	rddreg [dreg:$0x0];
	s2 =	stileid.u32  }
0x119: {  	s1 =	rddreg [dreg:$0x1];
	p0 =	sne.s32 s2, $0x0  }
0x11a: {  	s3 =	rddreg [dreg:$0x2];
	[bflag:$0x3] =	sbarrier.arrive $0xFFFF;
	s2 =	simm.s32 @!p0 $0x1C05  }
0x11b: {  	[timem:s3], [sflag:s2] =	dma.local @!p0 [hbm:s0], s1  }
0x11c: {  	s0 =	simm.s32 @!p0 $0x5  }
0x11d: {  	_ =	swait.ge @!p0 [sflag:s0], s1  }
0x11e: {  	s1 =	ssub.s32 @!p0 $0x0, s1;
	[sflag:s0] =	ssyncset.done @!p0 $0x0  }
0x11f: {  	[sflag:s0] =	ssyncadd.s32 @!p0 s1  }
0x120: {  	[bflag:$0x3] =	sbarrier.arrive $0xFFFF  }
0x121: {  	_ =	shalt  }

// kernel: kernel.9.cloned.1.call-start
scs
__scs_entry_jumppad:
0x0: {  	(pc) =	sbr.rel $0x88, $3  }
0x1: {  	(tag) =	ssettag $0x0;
	lr =	simm.s32 $0x1  }
0x2: {  	[smem:$0x3F8D] =	sst lr;
	_ =	strace $0xD0000000  }
0x3: {  	_ = 	snop  }
0x4: {  	_ = 	snop  }
0x5: {  	_ = 	snop  }
0x6: {  	_ = 	snop  }
0x7: {  	_ = 	snop  }
__scs_overlays_trampoline_lowered:
0x8: {  	[smem:$0x3F9C] =	sst s0  }
0x9: {  	[smem:$0x3F9D] =	sst s1  }
0xa: {  	[smem:$0x3F9E] =	sst s2  }
0xb: {  	[smem:$0x3F9F] =	sst s3  }
0xc: {  	[smem:$0x3FA0] =	sst s4  }
0xd: {  	[smem:$0x3FA1] =	sst s5  }
0xe: {  	[smem:$0x3FA2] =	sst s6  }
0xf: {  	[smem:$0x3FA3] =	sst s7  }
0x10: {  	[smem:$0x3FA4] =	sst s8  }
0x11: {  	[smem:$0x3FA5] =	sst s9;
	s0 =	simm.s32 @!p0 $0x0  }
0x12: {  	s1 =	sld [smem:$0x3F8B];
	s0 =	simm.s32 @p0 $0x1  }
0x13: {  	[smem:$0x3FA6] =	sst s0;
	s0 =	simm.s32 @!p1 $0x0  }
0x14: {  	s2 =	sld [smem:$0x3F8A];
	s0 =	simm.s32 @p1 $0x1  }
0x15: {  	[smem:$0x3FA7] =	sst s0;
	s0 =	simm.s32 @!p2 $0x0  }
0x16: {  	s3 =	sld [smem:$0x3FDB];
	s0 =	simm.s32 @p2 $0x1  }
0x17: {  	s4 =	simm.s32 $0x1BF5;
	[smem:$0x3FA9] =	sst s0  }
0x18: {  	s0 =	sld [smem:$0x3F8C];
	_ =	swait.ge [sflag:s4], $0x0  }
0x19: {  	s7 =	sld [smem:$0x3F8D]  }
0x1a: {  	s8 =	sadd.s32 $0xFFFFE003, lr  }
0x1b: {  	s9 =	sadd.s32 $0xFFFFFEF7, lr;
	s5 =	simm.s32 $0xFFFFFFFF;
	p2 =	slt.u32 s8, $0xFFFFF086  }
0x1c: {  	p1 =	slt.u32 s9, $0xF7A;
	s5 =	simm.s32 @!p2 $0x0  }
0x1d: {  	s5 =	simm.s32 @p1 $0x1;
	p0 =	seq.s32 s7, s2  }
0x1e: {  	s7 =	smul.u32 @!p0 $0xF7A, s2;
	p2 =	seq.s32 @!p0 s5, $0x0  }
0x1f: {  	s9 =	smul.u32 $0xF7A, s1;
	s8 =	simm.s32 @!p0 $0x1BF5;
	p2 =	por !p2, p0  }
0x20: {  	[sflag:s8] =	ssyncset.s32 @!p0 $0xFFFFF086;
	s6 =	sadd.s32 @!p0 s3, s7;
	s7 =	simm.s32 @!p0 $0x108  }
0x21: {  	s3 =	sadd.s32 s3, s9;
	s6 =	sadd.s32 @!p0 $0x88, s6;
	s7 =	simm.s32 @p2 $0x1082  }
0x22: {  	[simem:s7], [sflag:s8] =	dma.local @!p0 [hbm:s6], $0xF7A  }
0x23: {  	s9 =	sor.u32 $0xD0000000, s2;
	s6 =	simm.s32 $0x108;
	_ =	swait.ge @!p0 [sflag:s8], $0x0  }
0x24: {  	s3 =	sadd.s32 $0x88, s3;
	s6 =	simm.s32 @!p1 $0x1082;
	[sflag:s4] =	ssyncset.s32 $0xFFFFF086  }
0x25: {  	[simem:s6], [sflag:s4] =	dma.local [hbm:s3], $0xF7A  }
0x26: {  	[smem:$0x3F8D] =	sst s1;
	(tag) =	ssettag s2;
	_ =	strace s9  }
0x27: {  	s1 =	sld [smem:$0x3F9D]  }
0x28: {  	s2 =	sld [smem:$0x3F9E]  }
0x29: {  	s4 =	sld [smem:$0x3FA0]  }
0x2a: {  	p0 =	seq.s32 s5, $0x0;
	s5 =	sld [smem:$0x3FA1]  }
0x2b: {  	s6 =	sld [smem:$0x3FA2]  }
0x2c: {  	s7 =	sld [smem:$0x3FA3]  }
0x2d: {  	s3 =	simm.s32 $0x108;
	s8 =	sld [smem:$0x3FA4]  }
0x2e: {  	s3 =	simm.s32 @!p0 $0x1082;
	s9 =	sld [smem:$0x3FA5]  }
0x2f: {  	lr =	sadd.s32 s0, s3;
	s0 =	sld [smem:$0x3F9C]  }
0x30: {  	s3 =	sld [smem:$0x3F9F]  }
0x31: {  	[smem:$0x3FA8] =	sst s10  }
0x32: {  	s10 =	sld [smem:$0x3FA6];
	_ =	sdelay $0x3  }
0x33: {  	p0 =	seq.s32 s10, $0x1;
	s10 =	sld [smem:$0x3FA8];
	_ =	sdelay $0x3  }
0x34: {  	[smem:$0x3FA8] =	sst s10  }
0x35: {  	s10 =	sld [smem:$0x3FA7];
	_ =	sdelay $0x3  }
0x36: {  	p1 =	seq.s32 s10, $0x1;
	s10 =	sld [smem:$0x3FA8];
	_ =	sdelay $0x3  }
0x37: {  	[smem:$0x3FA8] =	sst s10  }
0x38: {  	s10 =	sld [smem:$0x3FA9]  }
0x39: {  	_ = 	snop;
	(pc) =	sbr.ind lr, $3  }
0x3a: {  	_ = 	snop  }
0x3b: {  	_ = 	snop  }
0x3c: {  	p2 =	seq.s32 s10, $0x1;
	s10 =	sld [smem:$0x3FA8]  }
0x3d: {  	_ =	shalt  }
0x3e: {  	_ =	shalt  }
0x3f: {  	_ =	shalt  }
0x40: {  	_ =	shalt  }
0x41: {  	_ =	shalt  }
0x42: {  	_ =	shalt  }
0x43: {  	_ =	shalt  }
0x44: {  	_ =	shalt  }
0x45: {  	_ =	shalt  }
0x46: {  	_ =	shalt  }
0x47: {  	_ =	shalt  }
0x48: {  	_ =	shalt  }
0x49: {  	_ =	shalt  }
0x4a: {  	_ =	shalt  }
0x4b: {  	_ =	shalt  }
0x4c: {  	_ =	shalt  }
0x4d: {  	_ =	shalt  }
0x4e: {  	_ =	shalt  }
0x4f: {  	_ =	shalt  }
0x50: {  	_ =	shalt  }
0x51: {  	_ =	shalt  }
0x52: {  	_ =	shalt  }
0x53: {  	_ =	shalt  }
0x54: {  	_ =	shalt  }
0x55: {  	_ =	shalt  }
0x56: {  	_ =	shalt  }
0x57: {  	_ =	shalt  }
0x58: {  	_ =	shalt  }
0x59: {  	_ =	shalt  }
0x5a: {  	_ =	shalt  }
0x5b: {  	_ =	shalt  }
0x5c: {  	_ =	shalt  }
0x5d: {  	_ =	shalt  }
0x5e: {  	_ =	shalt  }
0x5f: {  	_ =	shalt  }
0x60: {  	_ =	shalt  }
0x61: {  	_ =	shalt  }
0x62: {  	_ =	shalt  }
0x63: {  	_ =	shalt  }
0x64: {  	_ =	shalt  }
0x65: {  	_ =	shalt  }
0x66: {  	_ =	shalt  }
0x67: {  	_ =	shalt  }
0x68: {  	_ =	shalt  }
0x69: {  	_ =	shalt  }
0x6a: {  	_ =	shalt  }
0x6b: {  	_ =	shalt  }
0x6c: {  	_ =	shalt  }
0x6d: {  	_ =	shalt  }
0x6e: {  	_ =	shalt  }
0x6f: {  	_ =	shalt  }
0x70: {  	_ =	shalt  }
0x71: {  	_ =	shalt  }
0x72: {  	_ =	shalt  }
0x73: {  	_ =	shalt  }
0x74: {  	_ =	shalt  }
0x75: {  	_ =	shalt  }
0x76: {  	_ =	shalt  }
0x77: {  	_ =	shalt  }
0x78: {  	_ =	shalt  }
0x79: {  	_ =	shalt  }
0x7a: {  	_ =	shalt  }
0x7b: {  	_ =	shalt  }
0x7c: {  	_ =	shalt  }
0x7d: {  	_ =	shalt  }
0x7e: {  	_ =	shalt  }
0x7f: {  	_ =	shalt  }
0x80: {  	_ =	shalt  }
0x81: {  	_ =	shalt  }
0x82: {  	_ =	shalt  }
0x83: {  	_ =	shalt  }
0x84: {  	_ =	shalt  }
0x85: {  	_ =	shalt  }
0x86: {  	_ =	shalt  }
0x87: {  	_ =	shalt  }
.Lfunc_end0:
.L_simem_size_0:
called_computation_lowered:
.L_overlay_start_0:
0x88: {  	s2 =	sld [smem:$0x3FD9]  }
0x89: {  	s3 =	sld [smem:$0x3FFE];
	_ =	sdelay $0x1  }
0x8a: {  	s1 =	srdreg.scid  }
0x8b: {  	s0 =	sand.u32 $0x1, s1  }
0x8c: {  	s16 =	sshll.u32 s0, $0xA;
	s2 =	sadd.s32 s3, s2  }
0x8d: {  	s2 =	sadd.s32 s2, s16  }
0x8e: {  	[smem:$0x3FB4] =	sst s2  }
0x8f: {  	_ = 	snop  }
0x90: {  	(tm) =	ssettm $0x1  }
0x91: {  	s17 =	sld [smem:$0x3FFB];
	_ =	sdelay $0x3  }
0x92: {  	_ =	strace s17  }
0x93: {  	s2 =	sld [smem:$0x3FFC];
	_ =	sdelay $0x3  }
0x94: {  	_ =	strace s2  }
0x95: {  	s2 =	sld [smem:$0x3FFD];
	_ =	sdelay $0x3  }
0x96: {  	_ =	strace s2  }
0x97: {  	_ =	strace $0x8FFFFFFF  }
0x98: {  	s18 =	sld [smem:$0x3FDB];
	_ =	sdelay $0x1  }
0x99: {  	s19 =	simm.s32 $_scs_section_size  }
0x9a: {  	s4 =	simm.s32 $_size__tile_overlayer_lowered;
	s5 =	simm.s32 $_tile_overlayer_lowered  }
0x9b: {  	s22 =	simm.s32 $0x1BFF;
	s21 =	sshll.u32 s5, $0x1;
	s2 =	sadd.s32 s19, s18  }
0x9c: {  	s6 =	simm.s32 $0x0;
	s20 =	sshll.u32 s4, $0x1;
	s4 =	sadd.s32 s21, s2  }
0x9d: {  	[timem:s6], [sflag:s22] =	dma.local [hbm:s4], s20  }
0x9e: {  	_ =	swait.ge [sflag:s22], s20  }
0x9f: {  	s3 =	ssub.s32 $0x0, s20;
	[sflag:s22] =	ssyncset.done $0x0  }
0xa0: {  	[sflag:s22] =	ssyncadd.s32 s3;
	_ =	sdelay $0x1  }
0xa1: {  	s23 =	simm.s32 $0x1B8B  }
0xa2: {  	_ =	swait.ge [sflag:s23], $0x1  }
0xa3: {  	[sflag:s23] =	ssyncset.done $0x0  }
0xa4: {  	s25 =	simm.s32 $0x1B8E;
	s24 =	sld [smem:$0x3FFE];
	[sflag:s23] =	ssyncadd.s32 $0xFFFFFFFF  }
0xa5: {  	s26 =	simm.s32 $execute0_lowered;
	[smem:$0x3FD2] =	sst s25  }
0xa6: {  	s4 =	sshll.u32 s26, $0x1;
	_ =	strace $0x80000046;
	[dreg:$0x1] =	wrdreg $0xFFFFFFFF  }
0xa7: {  	s28 =	simm.s32 $_size_execute0_lowered;
	s2 =	sadd.s32 s2, s4;
	[dreg:$0x0] =	wrdreg $0x0  }
0xa8: {  	s4 =	sshll.u32 s28, $0x1;
	[dreg:$0x2] =	wrdreg s2  }
0xa9: {  	[dreg:$0x3] =	wrdreg s4  }
0xaa: {  	[dreg:$0x4] =	wrdreg $0xC0  }
0xab: {  	_ =	task [dreg:s6], $0x5FFFF  }
0xac: {  	[dreg:$0x1] =	wrdreg $0xFFFFFFFF  }
0xad: {  	[dreg:$0x0] =	wrdreg $0x60  }
0xae: {  	[dreg:$0x2] =	wrdreg s24  }
0xaf: {  	[dreg:$0x3] =	wrdreg $0x41000  }
0xb0: {  	[dreg:$0x4] =	wrdreg $0x9  }
0xb1: {  	_ =	task.clear_ibuf [dreg:s6], $0x5FFFF;
	_ =	strace $0x90000046  }
0xb2: {  	s29 =	simm.s32 $0x9;
	_ =	strace $0x80000048  }
0xb3: {  	_ =	swait.ge [sflag:s29], $0x1  }
0xb4: {  	[sflag:s29] =	ssyncadd.s32 $0xFFFFFFFF  }
0xb5: {  	_ =	strace $0x90000048  }
0xb6: {  	_ =	sfence  }
0xb7: {  	s30 =	sld [smem:$0x0];
	_ =	sdelay $0x2  }
0xb8: {  	s31 =	sshll.u32 s1, $0xD;
	s1 =	sshrl.u32 s1, $0x2  }
0xb9: {  	s3 =	sand.u32 $0x4000, s31;
	s1 =	sadd.s32 s1, s30  }
0xba: {  	s0 =	sor.u32 s3, s0;
	s1 =	sshll.u32 s1, $0x11  }
0xbb: {  	s0 =	sor.u32 s1, s0  }
0xbc: {  	s0 =	sadd.s32 $0x8F2B, s0  }
0xbd: {  	[sflag:s0] =	ssyncadd.remote.s32 $0x1  }
0xbe: {  	_ =	sfence.sel $0xFFFF  }
0xbf: {  	[dreg:$0x0] =	wrdreg $0xFFFFFFFF;
	(pc) =	sbr.abs _section_cstart, $3  }
0xc0: {  	[dreg:$0x1] =	wrdreg $0xFFFFFFFF  }
0xc1: {  	_ =	task.clear_ibuf [dreg:s6], $0x2FFFF;
	_ =	strace $0x9FFFFFFF  }
0xc2: {  	(tm) =	ssettm $0x7FFFFFFF  }
0xc3: {  	_ =	shalt  }
tec
execute0_lowered:
.L_overlay_start_1:
0x0: {  	(tag) =	ssettag $0x1  }
0x1: {  	s4 =	rddreg [dreg:$0x0]  }
0x2: {  	s1 =	rddreg [dreg:$0x1]  }
0x3: {  	s2 =	simm.s32 $0x0;
	s3 =	srdreg.scid;
	s21 =	stileid.u32  }
0x4: {  	s23 =	simm.s32 $0x80;
	s24 =	simm.s32 $0x1;
	s26 =	simm.s32 $0x0  }
0x5: {  	[smem:$0x7FF] =	sst s2;
	s20 =	sand.u32 $0x1, s3;
	s3 =	sadd.s32 $0x19000, s4  }
0x6: {  	s5 =	sshll.u32 s21, $0x4;
	s8 =	smul.u32 $0x270, s21;
	s14 =	sadd.s32 $0x19800, s4  }
0x7: {  	s10 =	smul.u32 $0x4E000, s21;
	p0 =	sne.s32 s21, $0x0;
	_ =	strace $0x80000047  }
0x8: {  	s6 =	ssub.s32 $0x2, s20;
	s5 =	sadd.s32 s5, s4;
	s28 =	smul.u32 $0x138800, s20  }
0x9: {  	s4 =	sadd.s32 $0x138000, s1;
	s29 =	sshll.u32 s20, $0x4;
	s30 =	smul.u32 $0x2710, s20  }
0xa: {  	s20 =	sshll.u32 s20, $0x8;
	s7 =	sshrl.u32 s6, $0x1;
	s25 =	sor.u32 s21, s29  }
0xb: {  	s22 =	sadd.s32 $0x5600, s5;
	s5 =	sadd.s32 $0x18E40, s5;
	s10 =	sshrl.u32 s10, $0x2  }
0xc: {  	s21 =	simm.s32 $0x100;
	s9 =	ssub.s32 s6, s7;
	s6 =	sshrl.u32 s28, $0x3  }
0xd: {  	s12 =	sadd.s32 s30, s8;
	s20 =	sadd.s32 s20, s22;
	s22 =	simm.s32 $0x3  }
0xe: {  	p1 =	sgt.u32 s25, $0x3;
	s25 =	simm.s32 $0x2;
	s31 =	sadd.s32 s14, s6  }
0xf: {  	s6 =	sadd.s32 s10, s1;
	s8 =	smax.u32 s9, $0x1;
	s15 =	sshll.u32 s12, $0x4  }
0x10: {  	s7 =	sadd.s32 $0x27000, s31;
	s9 =	sadd.s32 $0x3400, s6;
	s10 =	sadd.s32 $0x6800, s6  }
0x11: {  	s11 =	sadd.s32 $0x9C00, s6;
	s12 =	sadd.s32 $0xD000, s6;
	s14 =	sadd.s32 s14, s15  }
0x12: {  	s13 =	sadd.s32 $0x10400, s6;
	s15 =	sadd.s32 $0x680, s14;
	s16 =	sadd.s32 $0xD00, s14  }
0x13: {  	v0 =	vimm.f32 $0.0e+00;
	s17 =	sadd.s32 $0x1380, s14;
	s18 =	sadd.s32 $0x1A00, s14;
	s19 =	sadd.s32 $0x2080, s14  }
.LBB2_1:
0x14: {  	s28 =	sand.u32 $0xFE00, s2  }
0x15: {  	s29 =	sand.u32 $0x70, s2;
	s30 =	sshrl.u32 s28, $0x2  }
0x16: {  	s28 =	simm.s32 $0x40;
	s30 =	sor.u32 s29, s30;
	s29 =	simm.s32 $0x0  }
.LBB2_2:
0x17: {  	p2 =	sne.s32 s28, $0xFFC0  }
0x18: {  	[tilespmem:s30+$0x100] =	vst v0;
	s29 =	sadd.s32 $0x10, s29;
	s30 =	smov.u32 s28;
	s28 =	sadd.s32 $0x40, s28  }
.Ltmp0:
0x19: {  	(pc) =	sbr.rel @p2 .LBB2_2-.Ltmp0, $4  }
0x1a: {  	_ = 	snop  }
0x1b: {  	s30 =	sand.u32 $0xFE00, s30  }
0x1c: {  	s31 =	sand.u32 $0x70, s29;
	s30 =	sshrl.u32 s30, $0x2  }
0x1d: {  	s30 =	sor.u32 s31, s30  }
0x1e: {  	[tilespmem:s30+$0x100] =	vst v0  }
0x1f: {  	[spmem:s6] =	stream.linear.scatter [tilespmem:s21], [sflag:$0x3], $0x3400, $0x38;
	[tilespmem:$0x17980] =	vst v63  }
0x20: {  	_ =	swait.ge [sflag:s22], $0x3400  }
0x21: {  	[sflag:s22] =	ssyncset.done $0x0  }
0x22: {  	[sflag:s22] =	ssyncadd.s32 $0xFFFFCC00  }
0x23: {  	[spmem:s9] =	stream.linear.scatter [tilespmem:s21], [sflag:$0x3], $0x3400, $0x38;
	[tilespmem:$0x17980] =	vst v63  }
0x24: {  	_ =	swait.ge [sflag:s22], $0x3400  }
0x25: {  	[sflag:s22] =	ssyncset.done $0x0  }
0x26: {  	[sflag:s22] =	ssyncadd.s32 $0xFFFFCC00  }
0x27: {  	[spmem:s10] =	stream.linear.scatter [tilespmem:s21], [sflag:$0x3], $0x3400, $0x38;
	[tilespmem:$0x17980] =	vst v63  }
0x28: {  	_ =	swait.ge [sflag:s22], $0x3400  }
0x29: {  	[sflag:s22] =	ssyncset.done $0x0  }
0x2a: {  	[sflag:s22] =	ssyncadd.s32 $0xFFFFCC00  }
0x2b: {  	[spmem:s11] =	stream.linear.scatter [tilespmem:s21], [sflag:$0x3], $0x3400, $0x38;
	[tilespmem:$0x17980] =	vst v63  }
0x2c: {  	_ =	swait.ge [sflag:s22], $0x3400  }
0x2d: {  	[sflag:s22] =	ssyncset.done $0x0  }
0x2e: {  	[sflag:s22] =	ssyncadd.s32 $0xFFFFCC00  }
0x2f: {  	[spmem:s12] =	stream.linear.scatter [tilespmem:s21], [sflag:$0x3], $0x3400, $0x38;
	[tilespmem:$0x17980] =	vst v63  }
0x30: {  	_ =	swait.ge [sflag:s22], $0x3400  }
0x31: {  	[sflag:s22] =	ssyncset.done $0x0  }
0x32: {  	[sflag:s22] =	ssyncadd.s32 $0xFFFFCC00  }
0x33: {  	[spmem:s13] =	stream.linear.scatter [tilespmem:s21], [sflag:$0x3], $0x3400, $0x38;
	[tilespmem:$0x17980] =	vst v63  }
0x34: {  	_ =	swait.ge [sflag:s22], $0x3400  }
0x35: {  	[sflag:s22] =	ssyncset.done $0x0  }
0x36: {  	s28 =	simm.s32 @!p0 $0x100;
	[sflag:s22] =	ssyncadd.s32 $0xFFFFCC00  }
0x37: {  	[spmem:s4] =	stream.linear.scatter @!p0 [tilespmem:s28], [sflag:$0x3], $0x800, $0x38;
	[tilespmem:$0x17980] =	vst v63  }
0x38: {  	s28 =	simm.s32 @!p0 $0x3  }
0x39: {  	_ =	swait.ge @!p0 [sflag:s28], $0x800  }
0x3a: {  	[sflag:s28] =	ssyncset.done @!p0 $0x0  }
0x3b: {  	[sflag:s28] =	ssyncadd.s32 @!p0 $0xFFFFF800  }
0x3c: {  	[bflag:$0x0] =	sbarrier.arrive $0xFFFF  }
0x3d: {  	[tilespmem:s21], [sflag:$0x3] =	stream.linear.gather [hbm4b:s3+s2], $0x4000, $0x38;
	[tilespmem:$0x17980] =	vst v63  }
0x3e: {  	_ =	swait.ge [sflag:s22], $0x4000  }
0x3f: {  	s28 =	sadd.s32 $0xFFFF6400, s20;
	[sflag:s22] =	ssyncset.done $0x0  }
0x40: {  	s29 =	sadd.s32 $0x13840, s28;
	[sflag:s22] =	ssyncadd.s32 $0xFFFFC000  }
0x41: {  	[tilespmem:s2], [sflag:$0x3] =	stream.linear.gather [hbm4b:s29+s2], $0x80, $0x38;
	[tilespmem:$0x17980] =	vst v63  }
0x42: {  	_ =	swait.ge [sflag:s22], $0x80  }
0x43: {  	[sflag:s22] =	ssyncset.done $0x0  }
0x44: {  	[sflag:s22] =	ssyncadd.s32 $0xFFFFFF80  }
0x45: {  	[spmem:s1] =	stream.indirect.scatter.add.f32 [tilespmem:s21], [sflag:$0x1], $0x80, s2, s23, $0xb8;
	[tilespmem:$0x17980] =	vst v63  }
0x46: {  	s28 =	sadd.s32 $0x13A40, s28  }
0x47: {  	[tilespmem:s23], [sflag:$0x3] =	stream.linear.gather [hbm4b:s28+s2], $0x80, $0x38;
	[tilespmem:$0x17980] =	vst v63  }
0x48: {  	_ =	swait.ge [sflag:s22], $0x80  }
0x49: {  	[sflag:s22] =	ssyncset.done $0x0  }
0x4a: {  	[sflag:s22] =	ssyncadd.s32 $0xFFFFFF80  }
0x4b: {  	[spmem:s1] =	stream.indirect.scatter.add.f32 [tilespmem:s21], [sflag:$0x2], $0x80, s23, s23, $0xb8;
	[tilespmem:$0x17980] =	vst v63  }
0x4c: {  	_ =	swait.ge [sflag:s24], $0x4000  }
0x4d: {  	[sflag:s24] =	ssyncset.done $0x0  }
0x4e: {  	[sflag:s24] =	ssyncadd.s32 $0xFFFFC000  }
0x4f: {  	_ =	swait.ge [sflag:s25], $0x4000  }
0x50: {  	s29 =	simm.s32 $0xFFFF6C00;
	s28 =	sadd.s32 $0xFFFF6800, s20;
	[sflag:s25] =	ssyncset.done $0x0  }
.LBB2_4:
0x51: {  	s30 =	sadd.s32 $0x13840, s28  }
0x52: {  	[sflag:s25] =	ssyncadd.s32 $0xFFFFC000;
	s31 =	smov.u32 s29;
	s0 =	sadd.s32 $0x400, s29  }
0x53: {  	[tilespmem:s2], [sflag:$0x3] =	stream.linear.gather [hbm4b:s30+s2], $0x80, $0x38;
	[tilespmem:$0x17980] =	vst v63  }
0x54: {  	p2 =	sne.s32 s29, $0xFFFFFC00;
	_ =	swait.ge [sflag:s22], $0x80  }
0x55: {  	[sflag:s22] =	ssyncset.done $0x0  }
0x56: {  	[sflag:s22] =	ssyncadd.s32 $0xFFFFFF80  }
0x57: {  	[spmem:s1] =	stream.indirect.scatter.add.f32 [tilespmem:s21], [sflag:$0x1], $0x80, s2, s23, $0xb8;
	[tilespmem:$0x17980] =	vst v63  }
0x58: {  	s28 =	sadd.s32 $0x13A40, s28  }
0x59: {  	[tilespmem:s23], [sflag:$0x3] =	stream.linear.gather [hbm4b:s28+s2], $0x80, $0x38;
	[tilespmem:$0x17980] =	vst v63  }
0x5a: {  	_ =	swait.ge [sflag:s22], $0x80  }
0x5b: {  	[sflag:s22] =	ssyncset.done $0x0  }
0x5c: {  	[sflag:s22] =	ssyncadd.s32 $0xFFFFFF80  }
0x5d: {  	[spmem:s1] =	stream.indirect.scatter.add.f32 [tilespmem:s21], [sflag:$0x2], $0x80, s23, s23, $0xb8;
	[tilespmem:$0x17980] =	vst v63  }
.Ltmp1:
0x5e: {  	_ =	swait.ge [sflag:s24], $0x4000;
	(pc) =	sbr.rel @p2 .LBB2_4-.Ltmp1, $4  }
0x5f: {  	[sflag:s24] =	ssyncset.done $0x0  }
0x60: {  	[sflag:s24] =	ssyncadd.s32 $0xFFFFC000  }
0x61: {  	_ =	swait.ge [sflag:s25], $0x4000  }
0x62: {  	s29 =	smov.u32 s0;
	s28 =	sadd.s32 s31, s20;
	[sflag:s25] =	ssyncset.done $0x0  }
0x63: {  	s0 =	sadd.s32 $0x13840, s28;
	[sflag:s25] =	ssyncadd.s32 $0xFFFFC000  }
0x64: {  	[tilespmem:s2], [sflag:$0x3] =	stream.linear.gather [hbm4b:s0+s2], $0x80, $0x38;
	[tilespmem:$0x17980] =	vst v63  }
0x65: {  	_ =	swait.ge [sflag:s22], $0x80  }
0x66: {  	[sflag:s22] =	ssyncset.done $0x0  }
0x67: {  	[sflag:s22] =	ssyncadd.s32 $0xFFFFFF80  }
0x68: {  	[spmem:s1] =	stream.indirect.scatter.add.f32 [tilespmem:s21], [sflag:$0x1], $0x80, s2, s23, $0xb8;
	[tilespmem:$0x17980] =	vst v63  }
0x69: {  	s31 =	sadd.s32 $0x13A40, s28  }
0x6a: {  	[tilespmem:s23], [sflag:$0x3] =	stream.linear.gather [hbm4b:s31+s2], $0x80, $0x38;
	[tilespmem:$0x17980] =	vst v63  }
0x6b: {  	_ =	swait.ge [sflag:s22], $0x80  }
0x6c: {  	[sflag:s22] =	ssyncset.done $0x0  }
0x6d: {  	[sflag:s22] =	ssyncadd.s32 $0xFFFFFF80  }
0x6e: {  	[spmem:s1] =	stream.indirect.scatter.add.f32 [tilespmem:s21], [sflag:$0x2], $0x80, s23, s23, $0xb8;
	[tilespmem:$0x17980] =	vst v63  }
0x6f: {  	_ =	swait.ge [sflag:s24], $0x4000  }
0x70: {  	[sflag:s24] =	ssyncset.done $0x0  }
0x71: {  	[sflag:s24] =	ssyncadd.s32 $0xFFFFC000  }
0x72: {  	_ =	swait.ge [sflag:s25], $0x4000  }
0x73: {  	[sflag:s25] =	ssyncset.done $0x0  }
0x74: {  	s28 =	simm.s32 @!p1 $0x3;
	s0 =	simm.s32 @!p1 $0x0;
	[sflag:s25] =	ssyncadd.s32 $0xFFFFC000  }
0x75: {  	[tilespmem:s0], [sflag:$0x3] =	stream.linear.gather @!p1 [hbm4b:s5+s0], $0x80, $0x38;
	[tilespmem:$0x17980] =	vst v63  }
0x76: {  	_ =	swait.ge @!p1 [sflag:s28], $0x80  }
0x77: {  	[sflag:s28] =	ssyncset.done @!p1 $0x0  }
0x78: {  	s29 =	simm.s32 @!p1 $0x80;
	s30 =	simm.s32 @!p1 $0x100;
	[sflag:s28] =	ssyncadd.s32 @!p1 $0xFFFFFF80  }
0x79: {  	[spmem:s1] =	stream.indirect.scatter.add.f32 @!p1 [tilespmem:s30], [sflag:$0x3], $0x80, s0, s29, $0xb8;
	[tilespmem:$0x17980] =	vst v63  }
0x7a: {  	_ =	swait.ge @!p1 [sflag:s28], $0x4000  }
0x7b: {  	[sflag:s28] =	ssyncset.done @!p1 $0x0  }
0x7c: {  	[sflag:s28] =	ssyncadd.s32 @!p1 $0xFFFFC000  }
0x7d: {  	[bflag:$0x0] =	sbarrier.arrive $0xFFFF  }
0x7e: {  	[tilespmem:s21], [sflag:$0x3] =	stream.linear.gather [spmem:s6], $0x3400, $0x38;
	[tilespmem:$0x17980] =	vst v63  }
0x7f: {  	_ =	swait.ge [sflag:s22], $0x3400  }
0x80: {  	[sflag:s22] =	ssyncset.done $0x0  }
0x81: {  	[sflag:s22] =	ssyncadd.s32 $0xFFFFCC00  }
0x82: {  	[hbm4b:s14+s2] =	stream.linear.scatter [tilespmem:s21], [sflag:$0x3], $0x3400, $0x38;
	[tilespmem:$0x17980] =	vst v63  }
0x83: {  	_ =	swait.ge [sflag:s22], $0x3400  }
0x84: {  	[sflag:s22] =	ssyncset.done $0x0  }
0x85: {  	[sflag:s22] =	ssyncadd.s32 $0xFFFFCC00  }
0x86: {  	[tilespmem:s21], [sflag:$0x3] =	stream.linear.gather [spmem:s9], $0x3400, $0x38;
	[tilespmem:$0x17980] =	vst v63  }
0x87: {  	_ =	swait.ge [sflag:s22], $0x3400  }
0x88: {  	[sflag:s22] =	ssyncset.done $0x0  }
0x89: {  	[sflag:s22] =	ssyncadd.s32 $0xFFFFCC00  }
0x8a: {  	[hbm4b:s15+s2] =	stream.linear.scatter [tilespmem:s21], [sflag:$0x3], $0x3400, $0x38;
	[tilespmem:$0x17980] =	vst v63  }
0x8b: {  	_ =	swait.ge [sflag:s22], $0x3400  }
0x8c: {  	[sflag:s22] =	ssyncset.done $0x0  }
0x8d: {  	[sflag:s22] =	ssyncadd.s32 $0xFFFFCC00  }
0x8e: {  	[tilespmem:s21], [sflag:$0x3] =	stream.linear.gather [spmem:s10], $0x3400, $0x38;
	[tilespmem:$0x17980] =	vst v63  }
0x8f: {  	_ =	swait.ge [sflag:s22], $0x3400  }
0x90: {  	[sflag:s22] =	ssyncset.done $0x0  }
0x91: {  	[sflag:s22] =	ssyncadd.s32 $0xFFFFCC00  }
0x92: {  	[hbm4b:s16+s2] =	stream.linear.scatter [tilespmem:s21], [sflag:$0x3], $0x3400, $0x38;
	[tilespmem:$0x17980] =	vst v63  }
0x93: {  	_ =	swait.ge [sflag:s22], $0x3400  }
0x94: {  	[sflag:s22] =	ssyncset.done $0x0  }
0x95: {  	[sflag:s22] =	ssyncadd.s32 $0xFFFFCC00  }
0x96: {  	[tilespmem:s21], [sflag:$0x3] =	stream.linear.gather [spmem:s11], $0x3400, $0x38;
	[tilespmem:$0x17980] =	vst v63  }
0x97: {  	_ =	swait.ge [sflag:s22], $0x3400  }
0x98: {  	[sflag:s22] =	ssyncset.done $0x0  }
0x99: {  	[sflag:s22] =	ssyncadd.s32 $0xFFFFCC00  }
0x9a: {  	[hbm4b:s17+s2] =	stream.linear.scatter [tilespmem:s21], [sflag:$0x3], $0x3400, $0x38;
	[tilespmem:$0x17980] =	vst v63  }
0x9b: {  	_ =	swait.ge [sflag:s22], $0x3400  }
0x9c: {  	[sflag:s22] =	ssyncset.done $0x0  }
0x9d: {  	[sflag:s22] =	ssyncadd.s32 $0xFFFFCC00  }
0x9e: {  	[tilespmem:s21], [sflag:$0x3] =	stream.linear.gather [spmem:s12], $0x3400, $0x38;
	[tilespmem:$0x17980] =	vst v63  }
0x9f: {  	_ =	swait.ge [sflag:s22], $0x3400  }
0xa0: {  	[sflag:s22] =	ssyncset.done $0x0  }
0xa1: {  	[sflag:s22] =	ssyncadd.s32 $0xFFFFCC00  }
0xa2: {  	[hbm4b:s18+s2] =	stream.linear.scatter [tilespmem:s21], [sflag:$0x3], $0x3400, $0x38;
	[tilespmem:$0x17980] =	vst v63  }
0xa3: {  	_ =	swait.ge [sflag:s22], $0x3400  }
0xa4: {  	[sflag:s22] =	ssyncset.done $0x0  }
0xa5: {  	[sflag:s22] =	ssyncadd.s32 $0xFFFFCC00  }
0xa6: {  	[tilespmem:s21], [sflag:$0x3] =	stream.linear.gather [spmem:s13], $0x3400, $0x38;
	[tilespmem:$0x17980] =	vst v63  }
0xa7: {  	_ =	swait.ge [sflag:s22], $0x3400  }
0xa8: {  	[sflag:s22] =	ssyncset.done $0x0  }
0xa9: {  	[sflag:s22] =	ssyncadd.s32 $0xFFFFCC00  }
0xaa: {  	[hbm4b:s19+s2] =	stream.linear.scatter [tilespmem:s21], [sflag:$0x3], $0x3400, $0x38;
	[tilespmem:$0x17980] =	vst v63  }
0xab: {  	_ =	swait.ge [sflag:s22], $0x3400  }
0xac: {  	[sflag:s22] =	ssyncset.done $0x0  }
0xad: {  	s0 =	simm.s32 @!p0 $0x100;
	s28 =	simm.s32 @!p0 $0x3;
	[sflag:s22] =	ssyncadd.s32 $0xFFFFCC00  }
0xae: {  	[tilespmem:s0], [sflag:$0x3] =	stream.linear.gather @!p0 [spmem:s4], $0x800, $0x38;
	[tilespmem:$0x17980] =	vst v63  }
0xaf: {  	s26 =	sadd.s32 $0x1, s26;
	_ =	swait.ge @!p0 [sflag:s28], $0x800  }
0xb0: {  	p2 =	sne.s32 s26, s8;
	[sflag:s28] =	ssyncset.done @!p0 $0x0  }
.Ltmp2:
0xb1: {  	s29 =	simm.s32 @!p0 $0x0;
	[sflag:s28] =	ssyncadd.s32 @!p0 $0xFFFFF800;
	(pc) =	sbr.rel @p2 .LBB2_1-.Ltmp2, $4  }
0xb2: {  	[hbm4b:s7+s29] =	stream.linear.scatter @!p0 [tilespmem:s0], [sflag:$0x3], $0x800, $0x38;
	[tilespmem:$0x17980] =	vst v63  }
0xb3: {  	_ =	swait.ge @!p0 [sflag:s28], $0x800  }
0xb4: {  	[sflag:s28] =	ssyncset.done @!p0 $0x0  }
0xb5: {  	[sflag:s28] =	ssyncadd.s32 @!p0 $0xFFFFF800  }
0xb6: {  	_ =	sfence.sel $0x180000  }
0xb7: {  	[bflag:$0x0] =	sbarrier.arrive $0xFFFF  }
0xb8: {  	_ =	strace $0x90000047  }
0xb9: {  	[bflag:$0x2] =	sbarrier.arrive $0xFFFF  }
0xba: {  	s0 =	rddreg [dreg:$0x2]  }
0xbb: {  	s0 =	sadd.s32 @!p0 $0x100000, s0  }
0xbc: {  	[sflag:s0] =	ssyncadd.tile.s32 @!p0 $0x1;
	_ =	shalt  }
.Lfunc_end2:
_tile_overlayer_lowered:
.L_overlay_start_2:
0xbd: {  	(tag) =	ssettag $0x2  }
0xbe: {  	s0 =	rddreg [dreg:$0x0];
	s2 =	stileid.u32  }
0xbf: {  	s1 =	rddreg [dreg:$0x1];
	p0 =	sne.s32 s2, $0x0  }
0xc0: {  	s3 =	rddreg [dreg:$0x2];
	[bflag:$0x3] =	sbarrier.arrive $0xFFFF;
	s2 =	simm.s32 @!p0 $0x1C03  }
0xc1: {  	[timem:s3], [sflag:s2] =	dma.local @!p0 [hbm:s0], s1  }
0xc2: {  	s0 =	simm.s32 @!p0 $0x3  }
0xc3: {  	_ =	swait.ge @!p0 [sflag:s0], s1  }
0xc4: {  	s1 =	ssub.s32 @!p0 $0x0, s1;
	[sflag:s0] =	ssyncset.done @!p0 $0x0  }
0xc5: {  	[sflag:s0] =	ssyncadd.s32 @!p0 s1  }
0xc6: {  	[bflag:$0x3] =	sbarrier.arrive $0xFFFF  }
0xc7: {  	_ =	shalt  }

</sc_bundles>
